<compile_context>
chip_gen: v7x
topology: tpu7x:2x2x1
jax: 0.10.2.dev20260603
libtpu: 0.0.44.dev20260713+nightly
codegen_flags: <defaults>
</compile_context>

<pallas_src>
import functools

import jax
import jax.numpy as jnp
from jax import lax
from jax.experimental import pallas as pl
from jax.experimental.pallas import tpu as pltpu
from jax.experimental.pallas import tpu_sc as plsc

C = 128
P = 40000
NX = 512
NCELL = 512 * 512
NTILES = 32
RANGE = NCELL // NTILES
CHUNK = 4000
NCHUNK = P // CHUNK
VPC = CHUNK // 16
CW = CHUNK * 4
DCH = 128
PAD_BASE = NCELL
CANVAS_ROWS = NCELL + NTILES * DCH
TCB = 4096


def _sc_body(feat_hbm, z_hbm, y_hbm, x_hbm, canvas_hbm, aux_hbm,
             cb0z, cb0y, cb0x, cb1z, cb1y, cb1x,
             aux, survp, survc2, rows0, rows1, rows2, rows3,
             sem_c0, sem_c1, sem_g0, sem_g1, sem_g2, sem_g3,
             sem_s0, sem_s1, sem_s2, sem_s3):
    cb0 = (cb0z, cb0y, cb0x)
    cb1 = (cb1z, cb1y, cb1x)
    wid = lax.axis_index("s") * 2 + lax.axis_index("c")
    base = wid * RANGE
    lanes = lax.iota(jnp.int32, 16)
    neg1 = jnp.full((16,), -1, jnp.int32)
    zero16 = jnp.zeros((16,), jnp.int32)

    def stage(ck, buf, sem):
        off = ck * CHUNK
        return [
            pltpu.make_async_copy(
                z_hbm.at[pl.ds(off, CHUNK)], buf[0], sem),
            pltpu.make_async_copy(
                y_hbm.at[pl.ds(off, CHUNK)], buf[1], sem),
            pltpu.make_async_copy(
                x_hbm.at[pl.ds(off, CHUNK)], buf[2], sem),
        ]

    for cp in stage(0, cb0, sem_c0):
        cp.start()

    @pl.loop(0, RANGE // 16, unroll=8)
    def _init(i):
        aux[pl.ds(i * 16, 16)] = neg1

    padc = PAD_BASE + wid * DCH
    @pl.loop(0, RANGE // 16 + 1, unroll=8)
    def _pad(i):
        survp[pl.ds(i * 16, 16)] = zero16
        survc2[(i * 16) // DCH, pl.ds((i * 16) % DCH, 16)] = (
            padc + (i % (DCH // 16)) * 16 + lanes)

    G = 5

    def scan_chunk(ck, buf):
        off = ck * CHUNK

        @pl.loop(0, VPC // G)
        def _vec(ii):
            i0 = ii * G
            zs = [buf[0][pl.ds((i0 + k) * 16, 16)] for k in range(G)]
            ys = [buf[1][pl.ds((i0 + k) * 16, 16)] for k in range(G)]
            xs = [buf[2][pl.ds((i0 + k) * 16, 16)] for k in range(G)]
            locs = [zs[k] + ys[k] * NX + xs[k] - base for k in range(G)]
            ms = [(l >= 0) & (l < RANGE) for l in locs]
            pvs = [off + (i0 + k) * 16 + lanes for k in range(G)]
            for k in range(G):
                plsc.store_scatter(aux, [locs[k]], pvs[k], mask=ms[k])
            for _pass in range(2):
                gots = [plsc.load_gather(aux, [locs[k]], mask=ms[k])
                        for k in range(G)]
                for k in range(G):
                    fix = ms[k] & (pvs[k] > gots[k])
                    plsc.store_scatter(aux, [locs[k]], pvs[k], mask=fix)

    with jax.named_scope("scan"):
        @pl.loop(0, NCHUNK, step=2)
        def _chunks(ck):
            for cp in stage(ck, cb0, sem_c0):
                cp.wait()

            @pl.when(ck + 1 < NCHUNK)
            def _():
                for cp in stage(ck + 1, cb1, sem_c1):
                    cp.start()
            scan_chunk(ck, cb0)
            for cp in stage(ck + 1, cb1, sem_c1):
                cp.wait()

            @pl.when(ck + 2 < NCHUNK)
            def _():
                for cp in stage(ck + 2, cb0, sem_c0):
                    cp.start()
            scan_chunk(ck + 1, cb1)

    def comp_body(i, cnt):
        v = aux[pl.ds(i * 16, 16)]
        m = v >= 0
        mi = m.astype(jnp.int32)
        cell = base + i * 16 + lanes
        tpos = cnt + plsc.cumsum(mi) - 1
        plsc.store_scatter(survp, [tpos], v, mask=m)
        plsc.store_scatter(
            survc2, [tpos >> 7, tpos & (DCH - 1)], cell, mask=m)
        return cnt + jnp.sum(mi)
    with jax.named_scope("compact"):
        cnt = lax.fori_loop(0, RANGE // 16, comp_body, 0, unroll=2)

    aux_pub = pltpu.make_async_copy(aux, aux_hbm.at[pl.ds(base, RANGE)], sem_c0)
    aux_pub.start()

    nch = (cnt + (DCH - 1)) // DCH
    bufs = (rows0, rows1, rows2, rows3)
    gsems = (sem_g0, sem_g1, sem_g2, sem_g3)
    ssems = (sem_s0, sem_s1, sem_s2, sem_s3)

    def g_copy(j, b):
        return pltpu.make_async_copy(
            feat_hbm.at[survp.at[pl.ds(j * DCH, DCH)]], bufs[b], gsems[b])

    def s_copy(j, b):
        return pltpu.make_async_copy(
            bufs[b], canvas_hbm.at[survc2.at[j]], ssems[b])

    @pl.when(nch > 0)
    def _():
        g_copy(0, 0).start()

    @pl.when(nch > 1)
    def _():
        g_copy(1, 1).start()

    def dma_body(j, _):
        for b in range(4):
            @pl.when(j % 4 == b)
            def _(b=b):
                g_copy(j, b).wait()

                @pl.when(j >= 2)
                def _():
                    s_copy(j - 2, (b + 2) % 4).wait()

                @pl.when(j + 2 < nch)
                def _():
                    g_copy(j + 2, (b + 2) % 4).start()
                s_copy(j, b).start()
        return 0
    with jax.named_scope("rowdma"):
        lax.fori_loop(0, nch, dma_body, 0)

    for b in range(4):
        @pl.when((nch > 1) & (lax.rem(nch - 2, 4) == b))
        def _(b=b):
            s_copy(nch - 2, b).wait()

        @pl.when((nch > 0) & (lax.rem(nch - 1, 4) == b))
        def _(b=b):
            s_copy(nch - 1, b).wait()

    aux_pub.wait()


def _tc_body(canvas_ref, aux_ref, out_ref):
    for r in range(TCB // NX):
        x = canvas_ref[pl.ds(r * NX, NX), :]
        m = (aux_ref[0, 0, pl.ds(r * NX, NX)] >= 0).reshape(1, NX)
        out_ref[:, r, :] = jnp.where(m, x.T, 0.0)


def kernel(pillar_features, voxel_coords):
    zcol = voxel_coords[:, 1]
    ycol = voxel_coords[:, 2]
    xcol = voxel_coords[:, 3]

    mesh = plsc.VectorSubcoreMesh(core_axis_name="c", subcore_axis_name="s")
    sc = functools.partial(
        pl.kernel,
        mesh=mesh,
        compiler_params=pltpu.CompilerParams(needs_layout_passes=False),
        out_type=(
            jax.ShapeDtypeStruct((CANVAS_ROWS, C), jnp.float32),
            jax.ShapeDtypeStruct((NCELL,), jnp.int32),
        ),
        scratch_types=[
            pltpu.VMEM((CHUNK,), jnp.int32),
            pltpu.VMEM((CHUNK,), jnp.int32),
            pltpu.VMEM((CHUNK,), jnp.int32),
            pltpu.VMEM((CHUNK,), jnp.int32),
            pltpu.VMEM((CHUNK,), jnp.int32),
            pltpu.VMEM((CHUNK,), jnp.int32),
            pltpu.VMEM((RANGE,), jnp.int32),
            pltpu.VMEM((RANGE + 16,), jnp.int32),
            pltpu.VMEM((RANGE // DCH + 1, DCH), jnp.int32),
            pltpu.VMEM((DCH, C), jnp.float32),
            pltpu.VMEM((DCH, C), jnp.float32),
            pltpu.VMEM((DCH, C), jnp.float32),
            pltpu.VMEM((DCH, C), jnp.float32),
        ] + [pltpu.SemaphoreType.DMA] * 10,
    )(_sc_body)
    canvas, aux = sc(pillar_features, zcol, ycol, xcol)

    out = pl.pallas_call(
        _tc_body,
        grid=(NCELL // TCB,),
        in_specs=[
            pl.BlockSpec((TCB, C), lambda b: (b, 0)),
            pl.BlockSpec((1, 1, TCB), lambda b: (b, 0, 0)),
        ],
        out_specs=pl.BlockSpec((C, TCB // NX, NX), lambda b: (0, b, 0)),
        out_shape=jax.ShapeDtypeStruct((C, NX, NX), jnp.float32),
    )(canvas, aux.reshape(NCELL // TCB, 1, TCB))
    return out

# --- scband reference (transcript-rebuilt; emitter-appended) ---
"""Pipeline reference for scband-point-pillar-scatter-multi-16922171146937 (READ-ONLY COPY).

The authoritative reference and input builder live on the scoring server;
editing this copy changes nothing except your own understanding.
"""

import jax, jax.numpy as jnp
import numpy as np

NUM_BEV_FEATURES = 128
NX, NY, NZ = 512, 512, 1
P = 40000


def setup_inputs(seed: int = 0) -> dict:
    key = jax.random.key(seed)
    k1, k2 = jax.random.split(key)
    pillar_features = jax.random.normal(k1, (P, NUM_BEV_FEATURES), dtype=jnp.float32)
    # coords columns: (batch, z, y, x); all values < 511 so that
    # z + y*nx + x < nx*ny = 262144 is always in-range.
    voxel_coords = jax.random.randint(k2, (P, 4), 0, 511, dtype=jnp.int32)
    return {"pillar_features": pillar_features, "voxel_coords": voxel_coords}


def reference(pillar_features, voxel_coords):
    # indices = coords[:, -3] + coords[:, -2] * nx + coords[:, -1]
    indices = voxel_coords[:, -3] + voxel_coords[:, -2] * NX + voxel_coords[:, -1]
    indices = indices.astype(jnp.int32)
    spatial_feature = jnp.zeros((NUM_BEV_FEATURES, NZ * NX * NY), dtype=pillar_features.dtype)
    pillars = pillar_features.T  # [C, P]
    # scatter-overwrite of pillar columns into the flattened BEV canvas
    spatial_feature = spatial_feature.at[:, indices].set(pillars)
    spatial_feature = spatial_feature.reshape(NUM_BEV_FEATURES * NZ, NY, NX)
    return spatial_feature


if False:  # reference __main__ guard neutralized (emitter)
    out = reference(**setup_inputs())
    print(out.shape, out.dtype)

if __name__ == "__main__":
    import jax
    _d = setup_inputs()
    print(jax.jit(kernel)(*tuple(_d.values())))

</pallas_src>

<mosaic_0001>
#map = affine_map<(d0, d1) -> (0, 0)>
#map1 = affine_map<(d0, d1) -> (0)>
module attributes {stable_mosaic.version = 14 : i64} {
  func.func @_sc_body(%arg0: i32, %arg1: i32, %arg2: memref<40000x128xf32, #tpu.memory_space<hbm>>, %arg3: memref<40000xi32, #tpu.memory_space<hbm>>, %arg4: memref<40000xi32, #tpu.memory_space<hbm>>, %arg5: memref<40000xi32, #tpu.memory_space<hbm>>, %arg6: memref<266240x128xf32, #tpu.memory_space<hbm>>, %arg7: memref<262144xi32, #tpu.memory_space<hbm>>, %arg8: memref<4000xi32, #tpu.memory_space<vmem>>, %arg9: memref<4000xi32, #tpu.memory_space<vmem>>, %arg10: memref<4000xi32, #tpu.memory_space<vmem>>, %arg11: memref<4000xi32, #tpu.memory_space<vmem>>, %arg12: memref<4000xi32, #tpu.memory_space<vmem>>, %arg13: memref<4000xi32, #tpu.memory_space<vmem>>, %arg14: memref<8192xi32, #tpu.memory_space<vmem>>, %arg15: memref<8208xi32, #tpu.memory_space<vmem>>, %arg16: memref<65x128xi32, #tpu.memory_space<vmem>>, %arg17: memref<128x128xf32, #tpu.memory_space<vmem>>, %arg18: memref<128x128xf32, #tpu.memory_space<vmem>>, %arg19: memref<128x128xf32, #tpu.memory_space<vmem>>, %arg20: memref<128x128xf32, #tpu.memory_space<vmem>>, %arg21: memref<!tpu.dma_semaphore, #tpu.memory_space<semaphore_mem>>, %arg22: memref<!tpu.dma_semaphore, #tpu.memory_space<semaphore_mem>>, %arg23: memref<!tpu.dma_semaphore, #tpu.memory_space<semaphore_mem>>, %arg24: memref<!tpu.dma_semaphore, #tpu.memory_space<semaphore_mem>>, %arg25: memref<!tpu.dma_semaphore, #tpu.memory_space<semaphore_mem>>, %arg26: memref<!tpu.dma_semaphore, #tpu.memory_space<semaphore_mem>>, %arg27: memref<!tpu.dma_semaphore, #tpu.memory_space<semaphore_mem>>, %arg28: memref<!tpu.dma_semaphore, #tpu.memory_space<semaphore_mem>>, %arg29: memref<!tpu.dma_semaphore, #tpu.memory_space<semaphore_mem>>, %arg30: memref<!tpu.dma_semaphore, #tpu.memory_space<semaphore_mem>>) attributes {dimension_semantics = [#tpu.dimension_semantics<core_parallel>, #tpu.dimension_semantics<subcore_parallel>], iteration_bounds = array<i64: 2, 16>, scalar_prefetch = 0 : i64, scratch_operands = 23 : i64, tpu.core_type = #tpu.core_type<sc_vector_subcore>, window_params = [{transform_indices = #map}, {transform_indices = #map1}, {transform_indices = #map1}, {transform_indices = #map1}, {transform_indices = #map}, {transform_indices = #map1}]} {
    %mul3A = arith.constant 2 : i32
    %mul3A_0 = arith.muli %arg1, %mul3A : i32
    %add3A = arith.addi %mul3A_0, %arg0 : i32
    %mul3A_1 = arith.constant 8192 : i32
    %mul3A_2 = arith.muli %add3A, %mul3A_1 : i32
    %iota3A = tpu.iota {dimensions = array<i32: 0>} : vector<16xi32>
    %broadcast_in_dim3A = arith.constant -1 : i32
    %broadcast_in_dim3A_3 = vector.broadcast %broadcast_in_dim3A : i32 to vector<16xi32>
    %broadcast_in_dim3A_4 = arith.constant 0 : i32
    %broadcast_in_dim3A_5 = vector.broadcast %broadcast_in_dim3A_4 : i32 to vector<16xi32>
    %dma_start3A = arith.constant 0 : i32
    %dma_start3A_6 = tpu.memref_slice %arg3[%dma_start3A] : memref<40000xi32, #tpu.memory_space<hbm>> -> memref<4000xi32, #tpu.memory_space<hbm>>
    %dma_start3A_7 = arith.constant 0 : i32
    %dma_start3A_8 = tpu.memref_slice %arg3[%dma_start3A_7] : memref<40000xi32, #tpu.memory_space<hbm>> -> memref<4000xi32, #tpu.memory_space<hbm>>
    tpu.enqueue_dma source(%dma_start3A_8 : memref<4000xi32, #tpu.memory_space<hbm>>) target(%arg8 : memref<4000xi32, #tpu.memory_space<vmem>>) target_semaphore(%arg21 : memref<!tpu.dma_semaphore, #tpu.memory_space<semaphore_mem>>)
    %dma_start3A_9 = arith.constant 0 : i32
    %dma_start3A_10 = tpu.memref_slice %arg4[%dma_start3A_9] : memref<40000xi32, #tpu.memory_space<hbm>> -> memref<4000xi32, #tpu.memory_space<hbm>>
    %dma_start3A_11 = arith.constant 0 : i32
    %dma_start3A_12 = tpu.memref_slice %arg4[%dma_start3A_11] : memref<40000xi32, #tpu.memory_space<hbm>> -> memref<4000xi32, #tpu.memory_space<hbm>>
    tpu.enqueue_dma source(%dma_start3A_12 : memref<4000xi32, #tpu.memory_space<hbm>>) target(%arg9 : memref<4000xi32, #tpu.memory_space<vmem>>) target_semaphore(%arg21 : memref<!tpu.dma_semaphore, #tpu.memory_space<semaphore_mem>>)
    %dma_start3A_13 = arith.constant 0 : i32
    %dma_start3A_14 = tpu.memref_slice %arg5[%dma_start3A_13] : memref<40000xi32, #tpu.memory_space<hbm>> -> memref<4000xi32, #tpu.memory_space<hbm>>
    %dma_start3A_15 = arith.constant 0 : i32
    %dma_start3A_16 = tpu.memref_slice %arg5[%dma_start3A_15] : memref<40000xi32, #tpu.memory_space<hbm>> -> memref<4000xi32, #tpu.memory_space<hbm>>
    tpu.enqueue_dma source(%dma_start3A_16 : memref<4000xi32, #tpu.memory_space<hbm>>) target(%arg10 : memref<4000xi32, #tpu.memory_space<vmem>>) target_semaphore(%arg21 : memref<!tpu.dma_semaphore, #tpu.memory_space<semaphore_mem>>)
    %scan3A = arith.constant 0 : i32
    %scan3A_17 = arith.constant 512 : i32
    %scan3A_18 = arith.addi %scan3A, %scan3A_17 : i32
    %scan3A_19 = arith.constant 8 : i32
    scf.for %scan3A_252 = %scan3A to %scan3A_18 step %scan3A_19  : i32 {
      %mul3A_253 = arith.constant 1 : i32
      %mul3A_254 = arith.muli %scan3A_252, %mul3A_253 : i32
      %add3A_255 = arith.constant 0 : i32
      %add3A_256 = arith.addi %add3A_255, %mul3A_254 : i32
      %mul3A_257 = arith.constant 16 : i32
      %mul3A_258 = arith.muli %add3A_256, %mul3A_257 : i32
      %swap3A_259 = arith.index_cast %mul3A_258 : i32 to index
      %swap3A_260 = tpu.vector_load %arg14[%swap3A_259] {strides = array<i32>} : memref<8192xi32, #tpu.memory_space<vmem>>, vector<16xi32>,
      tpu.vector_store %arg14[%swap3A_259], %broadcast_in_dim3A_3 {strides = array<i32>} : memref<8192xi32, #tpu.memory_space<vmem>>, vector<16xi32>,
      %scan3A_261 = arith.constant 1 : i32
      %scan3A_262 = arith.addi %scan3A_252, %scan3A_261 : i32
      %mul3A_263 = arith.constant 1 : i32
      %mul3A_264 = arith.muli %scan3A_262, %mul3A_263 : i32
      %add3A_265 = arith.constant 0 : i32
      %add3A_266 = arith.addi %add3A_265, %mul3A_264 : i32
      %mul3A_267 = arith.constant 16 : i32
      %mul3A_268 = arith.muli %add3A_266, %mul3A_267 : i32
      %swap3A_269 = arith.index_cast %mul3A_268 : i32 to index
      %swap3A_270 = tpu.vector_load %arg14[%swap3A_269] {strides = array<i32>} : memref<8192xi32, #tpu.memory_space<vmem>>, vector<16xi32>,
      tpu.vector_store %arg14[%swap3A_269], %broadcast_in_dim3A_3 {strides = array<i32>} : memref<8192xi32, #tpu.memory_space<vmem>>, vector<16xi32>,
      %scan3A_271 = arith.constant 2 : i32
      %scan3A_272 = arith.addi %scan3A_252, %scan3A_271 : i32
      %mul3A_273 = arith.constant 1 : i32
      %mul3A_274 = arith.muli %scan3A_272, %mul3A_273 : i32
      %add3A_275 = arith.constant 0 : i32
      %add3A_276 = arith.addi %add3A_275, %mul3A_274 : i32
      %mul3A_277 = arith.constant 16 : i32
      %mul3A_278 = arith.muli %add3A_276, %mul3A_277 : i32
      %swap3A_279 = arith.index_cast %mul3A_278 : i32 to index
      %swap3A_280 = tpu.vector_load %arg14[%swap3A_279] {strides = array<i32>} : memref<8192xi32, #tpu.memory_space<vmem>>, vector<16xi32>,
      tpu.vector_store %arg14[%swap3A_279], %broadcast_in_dim3A_3 {strides = array<i32>} : memref<8192xi32, #tpu.memory_space<vmem>>, vector<16xi32>,
      %scan3A_281 = arith.constant 3 : i32
      %scan3A_282 = arith.addi %scan3A_252, %scan3A_281 : i32
      %mul3A_283 = arith.constant 1 : i32
      %mul3A_284 = arith.muli %scan3A_282, %mul3A_283 : i32
      %add3A_285 = arith.constant 0 : i32
      %add3A_286 = arith.addi %add3A_285, %mul3A_284 : i32
      %mul3A_287 = arith.constant 16 : i32
      %mul3A_288 = arith.muli %add3A_286, %mul3A_287 : i32
      %swap3A_289 = arith.index_cast %mul3A_288 : i32 to index
      %swap3A_290 = tpu.vector_load %arg14[%swap3A_289] {strides = array<i32>} : memref<8192xi32, #tpu.memory_space<vmem>>, vector<16xi32>,
      tpu.vector_store %arg14[%swap3A_289], %broadcast_in_dim3A_3 {strides = array<i32>} : memref<8192xi32, #tpu.memory_space<vmem>>, vector<16xi32>,
      %scan3A_291 = arith.constant 4 : i32
      %scan3A_292 = arith.addi %scan3A_252, %scan3A_291 : i32
      %mul3A_293 = arith.constant 1 : i32
      %mul3A_294 = arith.muli %scan3A_292, %mul3A_293 : i32
      %add3A_295 = arith.constant 0 : i32
      %add3A_296 = arith.addi %add3A_295, %mul3A_294 : i32
      %mul3A_297 = arith.constant 16 : i32
      %mul3A_298 = arith.muli %add3A_296, %mul3A_297 : i32
      %swap3A_299 = arith.index_cast %mul3A_298 : i32 to index
      %swap3A_300 = tpu.vector_load %arg14[%swap3A_299] {strides = array<i32>} : memref<8192xi32, #tpu.memory_space<vmem>>, vector<16xi32>,
      tpu.vector_store %arg14[%swap3A_299], %broadcast_in_dim3A_3 {strides = array<i32>} : memref<8192xi32, #tpu.memory_space<vmem>>, vector<16xi32>,
      %scan3A_301 = arith.constant 5 : i32
      %scan3A_302 = arith.addi %scan3A_252, %scan3A_301 : i32
      %mul3A_303 = arith.constant 1 : i32
      %mul3A_304 = arith.muli %scan3A_302, %mul3A_303 : i32
      %add3A_305 = arith.constant 0 : i32
      %add3A_306 = arith.addi %add3A_305, %mul3A_304 : i32
      %mul3A_307 = arith.constant 16 : i32
      %mul3A_308 = arith.muli %add3A_306, %mul3A_307 : i32
      %swap3A_309 = arith.index_cast %mul3A_308 : i32 to index
      %swap3A_310 = tpu.vector_load %arg14[%swap3A_309] {strides = array<i32>} : memref<8192xi32, #tpu.memory_space<vmem>>, vector<16xi32>,
      tpu.vector_store %arg14[%swap3A_309], %broadcast_in_dim3A_3 {strides = array<i32>} : memref<8192xi32, #tpu.memory_space<vmem>>, vector<16xi32>,
      %scan3A_311 = arith.constant 6 : i32
      %scan3A_312 = arith.addi %scan3A_252, %scan3A_311 : i32
      %mul3A_313 = arith.constant 1 : i32
      %mul3A_314 = arith.muli %scan3A_312, %mul3A_313 : i32
      %add3A_315 = arith.constant 0 : i32
      %add3A_316 = arith.addi %add3A_315, %mul3A_314 : i32
      %mul3A_317 = arith.constant 16 : i32
      %mul3A_318 = arith.muli %add3A_316, %mul3A_317 : i32
      %swap3A_319 = arith.index_cast %mul3A_318 : i32 to index
      %swap3A_320 = tpu.vector_load %arg14[%swap3A_319] {strides = array<i32>} : memref<8192xi32, #tpu.memory_space<vmem>>, vector<16xi32>,
      tpu.vector_store %arg14[%swap3A_319], %broadcast_in_dim3A_3 {strides = array<i32>} : memref<8192xi32, #tpu.memory_space<vmem>>, vector<16xi32>,
      %scan3A_321 = arith.constant 7 : i32
      %scan3A_322 = arith.addi %scan3A_252, %scan3A_321 : i32
      %mul3A_323 = arith.constant 1 : i32
      %mul3A_324 = arith.muli %scan3A_322, %mul3A_323 : i32
      %add3A_325 = arith.constant 0 : i32
      %add3A_326 = arith.addi %add3A_325, %mul3A_324 : i32
      %mul3A_327 = arith.constant 16 : i32
      %mul3A_328 = arith.muli %add3A_326, %mul3A_327 : i32
      %swap3A_329 = arith.index_cast %mul3A_328 : i32 to index
      %swap3A_330 = tpu.vector_load %arg14[%swap3A_329] {strides = array<i32>} : memref<8192xi32, #tpu.memory_space<vmem>>, vector<16xi32>,
      tpu.vector_store %arg14[%swap3A_329], %broadcast_in_dim3A_3 {strides = array<i32>} : memref<8192xi32, #tpu.memory_space<vmem>>, vector<16xi32>,
    }
    %scan3A_20 = arith.constant 512 : i32
    %mul3A_21 = arith.constant 128 : i32
    %mul3A_22 = arith.muli %add3A, %mul3A_21 : i32
    %add3A_23 = arith.constant 262144 : i32
    %add3A_24 = arith.addi %add3A_23, %mul3A_22 : i32
    %scan3A_25 = arith.constant 0 : i32
    %scan3A_26 = arith.constant 512 : i32
    %scan3A_27 = arith.addi %scan3A_25, %scan3A_26 : i32
    %scan3A_28 = arith.constant 8 : i32
    scf.for %scan3A_252 = %scan3A_25 to %scan3A_27 step %scan3A_28  : i32 {
      %mul3A_253 = arith.constant 1 : i32
      %mul3A_254 = arith.muli %scan3A_252, %mul3A_253 : i32
      %add3A_255 = arith.constant 0 : i32
      %add3A_256 = arith.addi %add3A_255, %mul3A_254 : i32
      %mul3A_257 = arith.constant 16 : i32
      %mul3A_258 = arith.muli %add3A_256, %mul3A_257 : i32
      %swap3A_259 = arith.index_cast %mul3A_258 : i32 to index
      %swap3A_260 = tpu.vector_load %arg15[%swap3A_259] {strides = array<i32>} : memref<8208xi32, #tpu.memory_space<vmem>>, vector<16xi32>,
      tpu.vector_store %arg15[%swap3A_259], %broadcast_in_dim3A_5 {strides = array<i32>} : memref<8208xi32, #tpu.memory_space<vmem>>, vector<16xi32>,
      %jit3A_261 = arith.constant 8 : i32
      %eq3A_262 = arith.constant 0 : i32
      %eq3A_263 = arith.cmpi eq, %jit3A_261, %eq3A_262 : i32
      %jit3A_264 = arith.constant 1 : i32
      %select_n3A_265 = arith.select %eq3A_263, %jit3A_264, %jit3A_261 : i32
      %rem3A_266 = arith.remsi %add3A_256, %select_n3A_265 : i32
      %ne3A_267 = arith.constant 0 : i32
      %ne3A_268 = arith.cmpi ne, %rem3A_266, %ne3A_267 : i32
      %lt3A_269 = arith.constant 0 : i32
      %lt3A_270 = arith.cmpi slt, %rem3A_266, %lt3A_269 : i32
      %lt3A_271 = arith.constant 0 : i32
      %lt3A_272 = arith.cmpi slt, %select_n3A_265, %lt3A_271 : i32
      %ne3A_273 = arith.xori %lt3A_270, %lt3A_272 : i1
      %and3A_274 = arith.andi %ne3A_273, %ne3A_268 : i1
      %add3A_275 = arith.addi %rem3A_266, %select_n3A_265 : i32
      %select_n3A_276 = arith.select %and3A_274, %add3A_275, %rem3A_266 : i32
      %mul3A_277 = arith.constant 16 : i32
      %mul3A_278 = arith.muli %select_n3A_276, %mul3A_277 : i32
      %add3A_279 = arith.addi %add3A_24, %mul3A_278 : i32
      %add3A_280 = vector.broadcast %add3A_279 : i32 to vector<16xi32>
      %add3A_281 = arith.addi %add3A_280, %iota3A : vector<16xi32>
      %mul3A_282 = arith.constant 16 : i32
      %mul3A_283 = arith.muli %add3A_256, %mul3A_282 : i32
      %jit3A_284 = arith.constant 128 : i32
      %div3A_285 = arith.divsi %mul3A_283, %jit3A_284 : i32
      %sign3A_286 = arith.constant 0 : i32
      %sign3A_287 = arith.cmpi sgt, %mul3A_283, %sign3A_286 : i32
      %sign3A_288 = arith.extui %sign3A_287 : i1 to i32
      %sign3A_289 = arith.constant 0 : i32
      %sign3A_290 = arith.cmpi slt, %mul3A_283, %sign3A_289 : i32
      %sign3A_291 = arith.extui %sign3A_290 : i1 to i32
      %sign3A_292 = arith.subi %sign3A_288, %sign3A_291 : i32
      %sign3A_293 = arith.constant 0 : i32
      %sign3A_294 = arith.cmpi sgt, %jit3A_284, %sign3A_293 : i32
      %sign3A_295 = arith.extui %sign3A_294 : i1 to i32
      %sign3A_296 = arith.constant 0 : i32
      %sign3A_297 = arith.cmpi slt, %jit3A_284, %sign3A_296 : i32
      %sign3A_298 = arith.extui %sign3A_297 : i1 to i32
      %sign3A_299 = arith.subi %sign3A_295, %sign3A_298 : i32
      %ne3A_300 = arith.cmpi ne, %sign3A_292, %sign3A_299 : i32
      %rem3A_301 = arith.remsi %mul3A_283, %jit3A_284 : i32
      %ne3A_302 = arith.constant 0 : i32
      %ne3A_303 = arith.cmpi ne, %rem3A_301, %ne3A_302 : i32
      %and3A_304 = arith.andi %ne3A_300, %ne3A_303 : i1
      %sub3A_305 = arith.constant 1 : i32
      %sub3A_306 = arith.subi %div3A_285, %sub3A_305 : i32
      %select_n3A_307 = arith.select %and3A_304, %sub3A_306, %div3A_285 : i32
      %mul3A_308 = arith.constant 16 : i32
      %mul3A_309 = arith.muli %add3A_256, %mul3A_308 : i32
      %jit3A_310 = arith.constant 128 : i32
      %eq3A_311 = arith.constant 0 : i32
      %eq3A_312 = arith.cmpi eq, %jit3A_310, %eq3A_311 : i32
      %jit3A_313 = arith.constant 1 : i32
      %select_n3A_314 = arith.select %eq3A_312, %jit3A_313, %jit3A_310 : i32
      %rem3A_315 = arith.remsi %mul3A_309, %select_n3A_314 : i32
      %ne3A_316 = arith.constant 0 : i32
      %ne3A_317 = arith.cmpi ne, %rem3A_315, %ne3A_316 : i32
      %lt3A_318 = arith.constant 0 : i32
      %lt3A_319 = arith.cmpi slt, %rem3A_315, %lt3A_318 : i32
      %lt3A_320 = arith.constant 0 : i32
      %lt3A_321 = arith.cmpi slt, %select_n3A_314, %lt3A_320 : i32
      %ne3A_322 = arith.xori %lt3A_319, %lt3A_321 : i1
      %and3A_323 = arith.andi %ne3A_322, %ne3A_317 : i1
      %add3A_324 = arith.addi %rem3A_315, %select_n3A_314 : i32
      %select_n3A_325 = arith.select %and3A_323, %add3A_324, %rem3A_315 : i32
      %swap3A_326 = arith.index_cast %select_n3A_307 : i32 to index
      %swap3A_327 = arith.index_cast %select_n3A_325 : i32 to index
      %swap3A_328 = tpu.vector_load %arg16[%swap3A_326, %swap3A_327] {strides = array<i32>} : memref<65x128xi32, #tpu.memory_space<vmem>>, vector<16xi32>,
      tpu.vector_store %arg16[%swap3A_326, %swap3A_327], %add3A_281 {strides = array<i32>} : memref<65x128xi32, #tpu.memory_space<vmem>>, vector<16xi32>,
      %scan3A_329 = arith.constant 1 : i32
      %scan3A_330 = arith.addi %scan3A_252, %scan3A_329 : i32
      %mul3A_331 = arith.constant 1 : i32
      %mul3A_332 = arith.muli %scan3A_330, %mul3A_331 : i32
      %add3A_333 = arith.constant 0 : i32
      %add3A_334 = arith.addi %add3A_333, %mul3A_332 : i32
      %mul3A_335 = arith.constant 16 : i32
      %mul3A_336 = arith.muli %add3A_334, %mul3A_335 : i32
      %swap3A_337 = arith.index_cast %mul3A_336 : i32 to index
      %swap3A_338 = tpu.vector_load %arg15[%swap3A_337] {strides = array<i32>} : memref<8208xi32, #tpu.memory_space<vmem>>, vector<16xi32>,
      tpu.vector_store %arg15[%swap3A_337], %broadcast_in_dim3A_5 {strides = array<i32>} : memref<8208xi32, #tpu.memory_space<vmem>>, vector<16xi32>,
      %jit3A_339 = arith.constant 8 : i32
      %eq3A_340 = arith.constant 0 : i32
      %eq3A_341 = arith.cmpi eq, %jit3A_339, %eq3A_340 : i32
      %jit3A_342 = arith.constant 1 : i32
      %select_n3A_343 = arith.select %eq3A_341, %jit3A_342, %jit3A_339 : i32
      %rem3A_344 = arith.remsi %add3A_334, %select_n3A_343 : i32
      %ne3A_345 = arith.constant 0 : i32
      %ne3A_346 = arith.cmpi ne, %rem3A_344, %ne3A_345 : i32
      %lt3A_347 = arith.constant 0 : i32
      %lt3A_348 = arith.cmpi slt, %rem3A_344, %lt3A_347 : i32
      %lt3A_349 = arith.constant 0 : i32
      %lt3A_350 = arith.cmpi slt, %select_n3A_343, %lt3A_349 : i32
      %ne3A_351 = arith.xori %lt3A_348, %lt3A_350 : i1
      %and3A_352 = arith.andi %ne3A_351, %ne3A_346 : i1
      %add3A_353 = arith.addi %rem3A_344, %select_n3A_343 : i32
      %select_n3A_354 = arith.select %and3A_352, %add3A_353, %rem3A_344 : i32
      %mul3A_355 = arith.constant 16 : i32
      %mul3A_356 = arith.muli %select_n3A_354, %mul3A_355 : i32
      %add3A_357 = arith.addi %add3A_24, %mul3A_356 : i32
      %add3A_358 = vector.broadcast %add3A_357 : i32 to vector<16xi32>
      %add3A_359 = arith.addi %add3A_358, %iota3A : vector<16xi32>
      %mul3A_360 = arith.constant 16 : i32
      %mul3A_361 = arith.muli %add3A_334, %mul3A_360 : i32
      %jit3A_362 = arith.constant 128 : i32
      %div3A_363 = arith.divsi %mul3A_361, %jit3A_362 : i32
      %sign3A_364 = arith.constant 0 : i32
      %sign3A_365 = arith.cmpi sgt, %mul3A_361, %sign3A_364 : i32
      %sign3A_366 = arith.extui %sign3A_365 : i1 to i32
      %sign3A_367 = arith.constant 0 : i32
      %sign3A_368 = arith.cmpi slt, %mul3A_361, %sign3A_367 : i32
      %sign3A_369 = arith.extui %sign3A_368 : i1 to i32
      %sign3A_370 = arith.subi %sign3A_366, %sign3A_369 : i32
      %sign3A_371 = arith.constant 0 : i32
      %sign3A_372 = arith.cmpi sgt, %jit3A_362, %sign3A_371 : i32
      %sign3A_373 = arith.extui %sign3A_372 : i1 to i32
      %sign3A_374 = arith.constant 0 : i32
      %sign3A_375 = arith.cmpi slt, %jit3A_362, %sign3A_374 : i32
      %sign3A_376 = arith.extui %sign3A_375 : i1 to i32
      %sign3A_377 = arith.subi %sign3A_373, %sign3A_376 : i32
      %ne3A_378 = arith.cmpi ne, %sign3A_370, %sign3A_377 : i32
      %rem3A_379 = arith.remsi %mul3A_361, %jit3A_362 : i32
      %ne3A_380 = arith.constant 0 : i32
      %ne3A_381 = arith.cmpi ne, %rem3A_379, %ne3A_380 : i32
      %and3A_382 = arith.andi %ne3A_378, %ne3A_381 : i1
      %sub3A_383 = arith.constant 1 : i32
      %sub3A_384 = arith.subi %div3A_363, %sub3A_383 : i32
      %select_n3A_385 = arith.select %and3A_382, %sub3A_384, %div3A_363 : i32
      %mul3A_386 = arith.constant 16 : i32
      %mul3A_387 = arith.muli %add3A_334, %mul3A_386 : i32
      %jit3A_388 = arith.constant 128 : i32
      %eq3A_389 = arith.constant 0 : i32
      %eq3A_390 = arith.cmpi eq, %jit3A_388, %eq3A_389 : i32
      %jit3A_391 = arith.constant 1 : i32
      %select_n3A_392 = arith.select %eq3A_390, %jit3A_391, %jit3A_388 : i32
      %rem3A_393 = arith.remsi %mul3A_387, %select_n3A_392 : i32
      %ne3A_394 = arith.constant 0 : i32
      %ne3A_395 = arith.cmpi ne, %rem3A_393, %ne3A_394 : i32
      %lt3A_396 = arith.constant 0 : i32
      %lt3A_397 = arith.cmpi slt, %rem3A_393, %lt3A_396 : i32
      %lt3A_398 = arith.constant 0 : i32
      %lt3A_399 = arith.cmpi slt, %select_n3A_392, %lt3A_398 : i32
      %ne3A_400 = arith.xori %lt3A_397, %lt3A_399 : i1
      %and3A_401 = arith.andi %ne3A_400, %ne3A_395 : i1
      %add3A_402 = arith.addi %rem3A_393, %select_n3A_392 : i32
      %select_n3A_403 = arith.select %and3A_401, %add3A_402, %rem3A_393 : i32
      %swap3A_404 = arith.index_cast %select_n3A_385 : i32 to index
      %swap3A_405 = arith.index_cast %select_n3A_403 : i32 to index
      %swap3A_406 = tpu.vector_load %arg16[%swap3A_404, %swap3A_405] {strides = array<i32>} : memref<65x128xi32, #tpu.memory_space<vmem>>, vector<16xi32>,
      tpu.vector_store %arg16[%swap3A_404, %swap3A_405], %add3A_359 {strides = array<i32>} : memref<65x128xi32, #tpu.memory_space<vmem>>, vector<16xi32>,
      %scan3A_407 = arith.constant 2 : i32
      %scan3A_408 = arith.addi %scan3A_252, %scan3A_407 : i32
      %mul3A_409 = arith.constant 1 : i32
      %mul3A_410 = arith.muli %scan3A_408, %mul3A_409 : i32
      %add3A_411 = arith.constant 0 : i32
      %add3A_412 = arith.addi %add3A_411, %mul3A_410 : i32
      %mul3A_413 = arith.constant 16 : i32
      %mul3A_414 = arith.muli %add3A_412, %mul3A_413 : i32
      %swap3A_415 = arith.index_cast %mul3A_414 : i32 to index
      %swap3A_416 = tpu.vector_load %arg15[%swap3A_415] {strides = array<i32>} : memref<8208xi32, #tpu.memory_space<vmem>>, vector<16xi32>,
      tpu.vector_store %arg15[%swap3A_415], %broadcast_in_dim3A_5 {strides = array<i32>} : memref<8208xi32, #tpu.memory_space<vmem>>, vector<16xi32>,
      %jit3A_417 = arith.constant 8 : i32
      %eq3A_418 = arith.constant 0 : i32
      %eq3A_419 = arith.cmpi eq, %jit3A_417, %eq3A_418 : i32
      %jit3A_420 = arith.constant 1 : i32
      %select_n3A_421 = arith.select %eq3A_419, %jit3A_420, %jit3A_417 : i32
      %rem3A_422 = arith.remsi %add3A_412, %select_n3A_421 : i32
      %ne3A_423 = arith.constant 0 : i32
      %ne3A_424 = arith.cmpi ne, %rem3A_422, %ne3A_423 : i32
      %lt3A_425 = arith.constant 0 : i32
      %lt3A_426 = arith.cmpi slt, %rem3A_422, %lt3A_425 : i32
      %lt3A_427 = arith.constant 0 : i32
      %lt3A_428 = arith.cmpi slt, %select_n3A_421, %lt3A_427 : i32
      %ne3A_429 = arith.xori %lt3A_426, %lt3A_428 : i1
      %and3A_430 = arith.andi %ne3A_429, %ne3A_424 : i1
      %add3A_431 = arith.addi %rem3A_422, %select_n3A_421 : i32
      %select_n3A_432 = arith.select %and3A_430, %add3A_431, %rem3A_422 : i32
      %mul3A_433 = arith.constant 16 : i32
      %mul3A_434 = arith.muli %select_n3A_432, %mul3A_433 : i32
      %add3A_435 = arith.addi %add3A_24, %mul3A_434 : i32
      %add3A_436 = vector.broadcast %add3A_435 : i32 to vector<16xi32>
      %add3A_437 = arith.addi %add3A_436, %iota3A : vector<16xi32>
      %mul3A_438 = arith.constant 16 : i32
      %mul3A_439 = arith.muli %add3A_412, %mul3A_438 : i32
      %jit3A_440 = arith.constant 128 : i32
      %div3A_441 = arith.divsi %mul3A_439, %jit3A_440 : i32
      %sign3A_442 = arith.constant 0 : i32
      %sign3A_443 = arith.cmpi sgt, %mul3A_439, %sign3A_442 : i32
      %sign3A_444 = arith.extui %sign3A_443 : i1 to i32
      %sign3A_445 = arith.constant 0 : i32
      %sign3A_446 = arith.cmpi slt, %mul3A_439, %sign3A_445 : i32
      %sign3A_447 = arith.extui %sign3A_446 : i1 to i32
      %sign3A_448 = arith.subi %sign3A_444, %sign3A_447 : i32
      %sign3A_449 = arith.constant 0 : i32
      %sign3A_450 = arith.cmpi sgt, %jit3A_440, %sign3A_449 : i32
      %sign3A_451 = arith.extui %sign3A_450 : i1 to i32
      %sign3A_452 = arith.constant 0 : i32
      %sign3A_453 = arith.cmpi slt, %jit3A_440, %sign3A_452 : i32
      %sign3A_454 = arith.extui %sign3A_453 : i1 to i32
      %sign3A_455 = arith.subi %sign3A_451, %sign3A_454 : i32
      %ne3A_456 = arith.cmpi ne, %sign3A_448, %sign3A_455 : i32
      %rem3A_457 = arith.remsi %mul3A_439, %jit3A_440 : i32
      %ne3A_458 = arith.constant 0 : i32
      %ne3A_459 = arith.cmpi ne, %rem3A_457, %ne3A_458 : i32
      %and3A_460 = arith.andi %ne3A_456, %ne3A_459 : i1
      %sub3A_461 = arith.constant 1 : i32
      %sub3A_462 = arith.subi %div3A_441, %sub3A_461 : i32
      %select_n3A_463 = arith.select %and3A_460, %sub3A_462, %div3A_441 : i32
      %mul3A_464 = arith.constant 16 : i32
      %mul3A_465 = arith.muli %add3A_412, %mul3A_464 : i32
      %jit3A_466 = arith.constant 128 : i32
      %eq3A_467 = arith.constant 0 : i32
      %eq3A_468 = arith.cmpi eq, %jit3A_466, %eq3A_467 : i32
      %jit3A_469 = arith.constant 1 : i32
      %select_n3A_470 = arith.select %eq3A_468, %jit3A_469, %jit3A_466 : i32
      %rem3A_471 = arith.remsi %mul3A_465, %select_n3A_470 : i32
      %ne3A_472 = arith.constant 0 : i32
      %ne3A_473 = arith.cmpi ne, %rem3A_471, %ne3A_472 : i32
      %lt3A_474 = arith.constant 0 : i32
      %lt3A_475 = arith.cmpi slt, %rem3A_471, %lt3A_474 : i32
      %lt3A_476 = arith.constant 0 : i32
      %lt3A_477 = arith.cmpi slt, %select_n3A_470, %lt3A_476 : i32
      %ne3A_478 = arith.xori %lt3A_475, %lt3A_477 : i1
      %and3A_479 = arith.andi %ne3A_478, %ne3A_473 : i1
      %add3A_480 = arith.addi %rem3A_471, %select_n3A_470 : i32
      %select_n3A_481 = arith.select %and3A_479, %add3A_480, %rem3A_471 : i32
      %swap3A_482 = arith.index_cast %select_n3A_463 : i32 to index
      %swap3A_483 = arith.index_cast %select_n3A_481 : i32 to index
      %swap3A_484 = tpu.vector_load %arg16[%swap3A_482, %swap3A_483] {strides = array<i32>} : memref<65x128xi32, #tpu.memory_space<vmem>>, vector<16xi32>,
      tpu.vector_store %arg16[%swap3A_482, %swap3A_483], %add3A_437 {strides = array<i32>} : memref<65x128xi32, #tpu.memory_space<vmem>>, vector<16xi32>,
      %scan3A_485 = arith.constant 3 : i32
      %scan3A_486 = arith.addi %scan3A_252, %scan3A_485 : i32
      %mul3A_487 = arith.constant 1 : i32
      %mul3A_488 = arith.muli %scan3A_486, %mul3A_487 : i32
      %add3A_489 = arith.constant 0 : i32
      %add3A_490 = arith.addi %add3A_489, %mul3A_488 : i32
      %mul3A_491 = arith.constant 16 : i32
      %mul3A_492 = arith.muli %add3A_490, %mul3A_491 : i32
      %swap3A_493 = arith.index_cast %mul3A_492 : i32 to index
      %swap3A_494 = tpu.vector_load %arg15[%swap3A_493] {strides = array<i32>} : memref<8208xi32, #tpu.memory_space<vmem>>, vector<16xi32>,
      tpu.vector_store %arg15[%swap3A_493], %broadcast_in_dim3A_5 {strides = array<i32>} : memref<8208xi32, #tpu.memory_space<vmem>>, vector<16xi32>,
      %jit3A_495 = arith.constant 8 : i32
      %eq3A_496 = arith.constant 0 : i32
      %eq3A_497 = arith.cmpi eq, %jit3A_495, %eq3A_496 : i32
      %jit3A_498 = arith.constant 1 : i32
      %select_n3A_499 = arith.select %eq3A_497, %jit3A_498, %jit3A_495 : i32
      %rem3A_500 = arith.remsi %add3A_490, %select_n3A_499 : i32
      %ne3A_501 = arith.constant 0 : i32
      %ne3A_502 = arith.cmpi ne, %rem3A_500, %ne3A_501 : i32
      %lt3A_503 = arith.constant 0 : i32
      %lt3A_504 = arith.cmpi slt, %rem3A_500, %lt3A_503 : i32
      %lt3A_505 = arith.constant 0 : i32
      %lt3A_506 = arith.cmpi slt, %select_n3A_499, %lt3A_505 : i32
      %ne3A_507 = arith.xori %lt3A_504, %lt3A_506 : i1
      %and3A_508 = arith.andi %ne3A_507, %ne3A_502 : i1
      %add3A_509 = arith.addi %rem3A_500, %select_n3A_499 : i32
      %select_n3A_510 = arith.select %and3A_508, %add3A_509, %rem3A_500 : i32
      %mul3A_511 = arith.constant 16 : i32
      %mul3A_512 = arith.muli %select_n3A_510, %mul3A_511 : i32
      %add3A_513 = arith.addi %add3A_24, %mul3A_512 : i32
      %add3A_514 = vector.broadcast %add3A_513 : i32 to vector<16xi32>
      %add3A_515 = arith.addi %add3A_514, %iota3A : vector<16xi32>
      %mul3A_516 = arith.constant 16 : i32
      %mul3A_517 = arith.muli %add3A_490, %mul3A_516 : i32
      %jit3A_518 = arith.constant 128 : i32
      %div3A_519 = arith.divsi %mul3A_517, %jit3A_518 : i32
      %sign3A_520 = arith.constant 0 : i32
      %sign3A_521 = arith.cmpi sgt, %mul3A_517, %sign3A_520 : i32
      %sign3A_522 = arith.extui %sign3A_521 : i1 to i32
      %sign3A_523 = arith.constant 0 : i32
      %sign3A_524 = arith.cmpi slt, %mul3A_517, %sign3A_523 : i32
      %sign3A_525 = arith.extui %sign3A_524 : i1 to i32
      %sign3A_526 = arith.subi %sign3A_522, %sign3A_525 : i32
      %sign3A_527 = arith.constant 0 : i32
      %sign3A_528 = arith.cmpi sgt, %jit3A_518, %sign3A_527 : i32
      %sign3A_529 = arith.extui %sign3A_528 : i1 to i32
      %sign3A_530 = arith.constant 0 : i32
      %sign3A_531 = arith.cmpi slt, %jit3A_518, %sign3A_530 : i32
      %sign3A_532 = arith.extui %sign3A_531 : i1 to i32
      %sign3A_533 = arith.subi %sign3A_529, %sign3A_532 : i32
      %ne3A_534 = arith.cmpi ne, %sign3A_526, %sign3A_533 : i32
      %rem3A_535 = arith.remsi %mul3A_517, %jit3A_518 : i32
      %ne3A_536 = arith.constant 0 : i32
      %ne3A_537 = arith.cmpi ne, %rem3A_535, %ne3A_536 : i32
      %and3A_538 = arith.andi %ne3A_534, %ne3A_537 : i1
      %sub3A_539 = arith.constant 1 : i32
      %sub3A_540 = arith.subi %div3A_519, %sub3A_539 : i32
      %select_n3A_541 = arith.select %and3A_538, %sub3A_540, %div3A_519 : i32
      %mul3A_542 = arith.constant 16 : i32
      %mul3A_543 = arith.muli %add3A_490, %mul3A_542 : i32
      %jit3A_544 = arith.constant 128 : i32
      %eq3A_545 = arith.constant 0 : i32
      %eq3A_546 = arith.cmpi eq, %jit3A_544, %eq3A_545 : i32
      %jit3A_547 = arith.constant 1 : i32
      %select_n3A_548 = arith.select %eq3A_546, %jit3A_547, %jit3A_544 : i32
      %rem3A_549 = arith.remsi %mul3A_543, %select_n3A_548 : i32
      %ne3A_550 = arith.constant 0 : i32
      %ne3A_551 = arith.cmpi ne, %rem3A_549, %ne3A_550 : i32
      %lt3A_552 = arith.constant 0 : i32
      %lt3A_553 = arith.cmpi slt, %rem3A_549, %lt3A_552 : i32
      %lt3A_554 = arith.constant 0 : i32
      %lt3A_555 = arith.cmpi slt, %select_n3A_548, %lt3A_554 : i32
      %ne3A_556 = arith.xori %lt3A_553, %lt3A_555 : i1
      %and3A_557 = arith.andi %ne3A_556, %ne3A_551 : i1
      %add3A_558 = arith.addi %rem3A_549, %select_n3A_548 : i32
      %select_n3A_559 = arith.select %and3A_557, %add3A_558, %rem3A_549 : i32
      %swap3A_560 = arith.index_cast %select_n3A_541 : i32 to index
      %swap3A_561 = arith.index_cast %select_n3A_559 : i32 to index
      %swap3A_562 = tpu.vector_load %arg16[%swap3A_560, %swap3A_561] {strides = array<i32>} : memref<65x128xi32, #tpu.memory_space<vmem>>, vector<16xi32>,
      tpu.vector_store %arg16[%swap3A_560, %swap3A_561], %add3A_515 {strides = array<i32>} : memref<65x128xi32, #tpu.memory_space<vmem>>, vector<16xi32>,
      %scan3A_563 = arith.constant 4 : i32
      %scan3A_564 = arith.addi %scan3A_252, %scan3A_563 : i32
      %mul3A_565 = arith.constant 1 : i32
      %mul3A_566 = arith.muli %scan3A_564, %mul3A_565 : i32
      %add3A_567 = arith.constant 0 : i32
      %add3A_568 = arith.addi %add3A_567, %mul3A_566 : i32
      %mul3A_569 = arith.constant 16 : i32
      %mul3A_570 = arith.muli %add3A_568, %mul3A_569 : i32
      %swap3A_571 = arith.index_cast %mul3A_570 : i32 to index
      %swap3A_572 = tpu.vector_load %arg15[%swap3A_571] {strides = array<i32>} : memref<8208xi32, #tpu.memory_space<vmem>>, vector<16xi32>,
      tpu.vector_store %arg15[%swap3A_571], %broadcast_in_dim3A_5 {strides = array<i32>} : memref<8208xi32, #tpu.memory_space<vmem>>, vector<16xi32>,
      %jit3A_573 = arith.constant 8 : i32
      %eq3A_574 = arith.constant 0 : i32
      %eq3A_575 = arith.cmpi eq, %jit3A_573, %eq3A_574 : i32
      %jit3A_576 = arith.constant 1 : i32
      %select_n3A_577 = arith.select %eq3A_575, %jit3A_576, %jit3A_573 : i32
      %rem3A_578 = arith.remsi %add3A_568, %select_n3A_577 : i32
      %ne3A_579 = arith.constant 0 : i32
      %ne3A_580 = arith.cmpi ne, %rem3A_578, %ne3A_579 : i32
      %lt3A_581 = arith.constant 0 : i32
      %lt3A_582 = arith.cmpi slt, %rem3A_578, %lt3A_581 : i32
      %lt3A_583 = arith.constant 0 : i32
      %lt3A_584 = arith.cmpi slt, %select_n3A_577, %lt3A_583 : i32
      %ne3A_585 = arith.xori %lt3A_582, %lt3A_584 : i1
      %and3A_586 = arith.andi %ne3A_585, %ne3A_580 : i1
      %add3A_587 = arith.addi %rem3A_578, %select_n3A_577 : i32
      %select_n3A_588 = arith.select %and3A_586, %add3A_587, %rem3A_578 : i32
      %mul3A_589 = arith.constant 16 : i32
      %mul3A_590 = arith.muli %select_n3A_588, %mul3A_589 : i32
      %add3A_591 = arith.addi %add3A_24, %mul3A_590 : i32
      %add3A_592 = vector.broadcast %add3A_591 : i32 to vector<16xi32>
      %add3A_593 = arith.addi %add3A_592, %iota3A : vector<16xi32>
      %mul3A_594 = arith.constant 16 : i32
      %mul3A_595 = arith.muli %add3A_568, %mul3A_594 : i32
      %jit3A_596 = arith.constant 128 : i32
      %div3A_597 = arith.divsi %mul3A_595, %jit3A_596 : i32
      %sign3A_598 = arith.constant 0 : i32
      %sign3A_599 = arith.cmpi sgt, %mul3A_595, %sign3A_598 : i32
      %sign3A_600 = arith.extui %sign3A_599 : i1 to i32
      %sign3A_601 = arith.constant 0 : i32
      %sign3A_602 = arith.cmpi slt, %mul3A_595, %sign3A_601 : i32
      %sign3A_603 = arith.extui %sign3A_602 : i1 to i32
      %sign3A_604 = arith.subi %sign3A_600, %sign3A_603 : i32
      %sign3A_605 = arith.constant 0 : i32
      %sign3A_606 = arith.cmpi sgt, %jit3A_596, %sign3A_605 : i32
      %sign3A_607 = arith.extui %sign3A_606 : i1 to i32
      %sign3A_608 = arith.constant 0 : i32
      %sign3A_609 = arith.cmpi slt, %jit3A_596, %sign3A_608 : i32
      %sign3A_610 = arith.extui %sign3A_609 : i1 to i32
      %sign3A_611 = arith.subi %sign3A_607, %sign3A_610 : i32
      %ne3A_612 = arith.cmpi ne, %sign3A_604, %sign3A_611 : i32
      %rem3A_613 = arith.remsi %mul3A_595, %jit3A_596 : i32
      %ne3A_614 = arith.constant 0 : i32
      %ne3A_615 = arith.cmpi ne, %rem3A_613, %ne3A_614 : i32
      %and3A_616 = arith.andi %ne3A_612, %ne3A_615 : i1
      %sub3A_617 = arith.constant 1 : i32
      %sub3A_618 = arith.subi %div3A_597, %sub3A_617 : i32
      %select_n3A_619 = arith.select %and3A_616, %sub3A_618, %div3A_597 : i32
      %mul3A_620 = arith.constant 16 : i32
      %mul3A_621 = arith.muli %add3A_568, %mul3A_620 : i32
      %jit3A_622 = arith.constant 128 : i32
      %eq3A_623 = arith.constant 0 : i32
      %eq3A_624 = arith.cmpi eq, %jit3A_622, %eq3A_623 : i32
      %jit3A_625 = arith.constant 1 : i32
      %select_n3A_626 = arith.select %eq3A_624, %jit3A_625, %jit3A_622 : i32
      %rem3A_627 = arith.remsi %mul3A_621, %select_n3A_626 : i32
      %ne3A_628 = arith.constant 0 : i32
      %ne3A_629 = arith.cmpi ne, %rem3A_627, %ne3A_628 : i32
      %lt3A_630 = arith.constant 0 : i32
      %lt3A_631 = arith.cmpi slt, %rem3A_627, %lt3A_630 : i32
      %lt3A_632 = arith.constant 0 : i32
      %lt3A_633 = arith.cmpi slt, %select_n3A_626, %lt3A_632 : i32
      %ne3A_634 = arith.xori %lt3A_631, %lt3A_633 : i1
      %and3A_635 = arith.andi %ne3A_634, %ne3A_629 : i1
      %add3A_636 = arith.addi %rem3A_627, %select_n3A_626 : i32
      %select_n3A_637 = arith.select %and3A_635, %add3A_636, %rem3A_627 : i32
      %swap3A_638 = arith.index_cast %select_n3A_619 : i32 to index
      %swap3A_639 = arith.index_cast %select_n3A_637 : i32 to index
      %swap3A_640 = tpu.vector_load %arg16[%swap3A_638, %swap3A_639] {strides = array<i32>} : memref<65x128xi32, #tpu.memory_space<vmem>>, vector<16xi32>,
      tpu.vector_store %arg16[%swap3A_638, %swap3A_639], %add3A_593 {strides = array<i32>} : memref<65x128xi32, #tpu.memory_space<vmem>>, vector<16xi32>,
      %scan3A_641 = arith.constant 5 : i32
      %scan3A_642 = arith.addi %scan3A_252, %scan3A_641 : i32
      %mul3A_643 = arith.constant 1 : i32
      %mul3A_644 = arith.muli %scan3A_642, %mul3A_643 : i32
      %add3A_645 = arith.constant 0 : i32
      %add3A_646 = arith.addi %add3A_645, %mul3A_644 : i32
      %mul3A_647 = arith.constant 16 : i32
      %mul3A_648 = arith.muli %add3A_646, %mul3A_647 : i32
      %swap3A_649 = arith.index_cast %mul3A_648 : i32 to index
      %swap3A_650 = tpu.vector_load %arg15[%swap3A_649] {strides = array<i32>} : memref<8208xi32, #tpu.memory_space<vmem>>, vector<16xi32>,
      tpu.vector_store %arg15[%swap3A_649], %broadcast_in_dim3A_5 {strides = array<i32>} : memref<8208xi32, #tpu.memory_space<vmem>>, vector<16xi32>,
      %jit3A_651 = arith.constant 8 : i32
      %eq3A_652 = arith.constant 0 : i32
      %eq3A_653 = arith.cmpi eq, %jit3A_651, %eq3A_652 : i32
      %jit3A_654 = arith.constant 1 : i32
      %select_n3A_655 = arith.select %eq3A_653, %jit3A_654, %jit3A_651 : i32
      %rem3A_656 = arith.remsi %add3A_646, %select_n3A_655 : i32
      %ne3A_657 = arith.constant 0 : i32
      %ne3A_658 = arith.cmpi ne, %rem3A_656, %ne3A_657 : i32
      %lt3A_659 = arith.constant 0 : i32
      %lt3A_660 = arith.cmpi slt, %rem3A_656, %lt3A_659 : i32
      %lt3A_661 = arith.constant 0 : i32
      %lt3A_662 = arith.cmpi slt, %select_n3A_655, %lt3A_661 : i32
      %ne3A_663 = arith.xori %lt3A_660, %lt3A_662 : i1
      %and3A_664 = arith.andi %ne3A_663, %ne3A_658 : i1
      %add3A_665 = arith.addi %rem3A_656, %select_n3A_655 : i32
      %select_n3A_666 = arith.select %and3A_664, %add3A_665, %rem3A_656 : i32
      %mul3A_667 = arith.constant 16 : i32
      %mul3A_668 = arith.muli %select_n3A_666, %mul3A_667 : i32
      %add3A_669 = arith.addi %add3A_24, %mul3A_668 : i32
      %add3A_670 = vector.broadcast %add3A_669 : i32 to vector<16xi32>
      %add3A_671 = arith.addi %add3A_670, %iota3A : vector<16xi32>
      %mul3A_672 = arith.constant 16 : i32
      %mul3A_673 = arith.muli %add3A_646, %mul3A_672 : i32
      %jit3A_674 = arith.constant 128 : i32
      %div3A_675 = arith.divsi %mul3A_673, %jit3A_674 : i32
      %sign3A_676 = arith.constant 0 : i32
      %sign3A_677 = arith.cmpi sgt, %mul3A_673, %sign3A_676 : i32
      %sign3A_678 = arith.extui %sign3A_677 : i1 to i32
      %sign3A_679 = arith.constant 0 : i32
      %sign3A_680 = arith.cmpi slt, %mul3A_673, %sign3A_679 : i32
      %sign3A_681 = arith.extui %sign3A_680 : i1 to i32
      %sign3A_682 = arith.subi %sign3A_678, %sign3A_681 : i32
      %sign3A_683 = arith.constant 0 : i32
      %sign3A_684 = arith.cmpi sgt, %jit3A_674, %sign3A_683 : i32
      %sign3A_685 = arith.extui %sign3A_684 : i1 to i32
      %sign3A_686 = arith.constant 0 : i32
      %sign3A_687 = arith.cmpi slt, %jit3A_674, %sign3A_686 : i32
      %sign3A_688 = arith.extui %sign3A_687 : i1 to i32
      %sign3A_689 = arith.subi %sign3A_685, %sign3A_688 : i32
      %ne3A_690 = arith.cmpi ne, %sign3A_682, %sign3A_689 : i32
      %rem3A_691 = arith.remsi %mul3A_673, %jit3A_674 : i32
      %ne3A_692 = arith.constant 0 : i32
      %ne3A_693 = arith.cmpi ne, %rem3A_691, %ne3A_692 : i32
      %and3A_694 = arith.andi %ne3A_690, %ne3A_693 : i1
      %sub3A_695 = arith.constant 1 : i32
      %sub3A_696 = arith.subi %div3A_675, %sub3A_695 : i32
      %select_n3A_697 = arith.select %and3A_694, %sub3A_696, %div3A_675 : i32
      %mul3A_698 = arith.constant 16 : i32
      %mul3A_699 = arith.muli %add3A_646, %mul3A_698 : i32
      %jit3A_700 = arith.constant 128 : i32
      %eq3A_701 = arith.constant 0 : i32
      %eq3A_702 = arith.cmpi eq, %jit3A_700, %eq3A_701 : i32
      %jit3A_703 = arith.constant 1 : i32
      %select_n3A_704 = arith.select %eq3A_702, %jit3A_703, %jit3A_700 : i32
      %rem3A_705 = arith.remsi %mul3A_699, %select_n3A_704 : i32
      %ne3A_706 = arith.constant 0 : i32
      %ne3A_707 = arith.cmpi ne, %rem3A_705, %ne3A_706 : i32
      %lt3A_708 = arith.constant 0 : i32
      %lt3A_709 = arith.cmpi slt, %rem3A_705, %lt3A_708 : i32
      %lt3A_710 = arith.constant 0 : i32
      %lt3A_711 = arith.cmpi slt, %select_n3A_704, %lt3A_710 : i32
      %ne3A_712 = arith.xori %lt3A_709, %lt3A_711 : i1
      %and3A_713 = arith.andi %ne3A_712, %ne3A_707 : i1
      %add3A_714 = arith.addi %rem3A_705, %select_n3A_704 : i32
      %select_n3A_715 = arith.select %and3A_713, %add3A_714, %rem3A_705 : i32
      %swap3A_716 = arith.index_cast %select_n3A_697 : i32 to index
      %swap3A_717 = arith.index_cast %select_n3A_715 : i32 to index
      %swap3A_718 = tpu.vector_load %arg16[%swap3A_716, %swap3A_717] {strides = array<i32>} : memref<65x128xi32, #tpu.memory_space<vmem>>, vector<16xi32>,
      tpu.vector_store %arg16[%swap3A_716, %swap3A_717], %add3A_671 {strides = array<i32>} : memref<65x128xi32, #tpu.memory_space<vmem>>, vector<16xi32>,
      %scan3A_719 = arith.constant 6 : i32
      %scan3A_720 = arith.addi %scan3A_252, %scan3A_719 : i32
      %mul3A_721 = arith.constant 1 : i32
      %mul3A_722 = arith.muli %scan3A_720, %mul3A_721 : i32
      %add3A_723 = arith.constant 0 : i32
      %add3A_724 = arith.addi %add3A_723, %mul3A_722 : i32
      %mul3A_725 = arith.constant 16 : i32
      %mul3A_726 = arith.muli %add3A_724, %mul3A_725 : i32
      %swap3A_727 = arith.index_cast %mul3A_726 : i32 to index
      %swap3A_728 = tpu.vector_load %arg15[%swap3A_727] {strides = array<i32>} : memref<8208xi32, #tpu.memory_space<vmem>>, vector<16xi32>,
      tpu.vector_store %arg15[%swap3A_727], %broadcast_in_dim3A_5 {strides = array<i32>} : memref<8208xi32, #tpu.memory_space<vmem>>, vector<16xi32>,
      %jit3A_729 = arith.constant 8 : i32
      %eq3A_730 = arith.constant 0 : i32
      %eq3A_731 = arith.cmpi eq, %jit3A_729, %eq3A_730 : i32
      %jit3A_732 = arith.constant 1 : i32
      %select_n3A_733 = arith.select %eq3A_731, %jit3A_732, %jit3A_729 : i32
      %rem3A_734 = arith.remsi %add3A_724, %select_n3A_733 : i32
      %ne3A_735 = arith.constant 0 : i32
      %ne3A_736 = arith.cmpi ne, %rem3A_734, %ne3A_735 : i32
      %lt3A_737 = arith.constant 0 : i32
      %lt3A_738 = arith.cmpi slt, %rem3A_734, %lt3A_737 : i32
      %lt3A_739 = arith.constant 0 : i32
      %lt3A_740 = arith.cmpi slt, %select_n3A_733, %lt3A_739 : i32
      %ne3A_741 = arith.xori %lt3A_738, %lt3A_740 : i1
      %and3A_742 = arith.andi %ne3A_741, %ne3A_736 : i1
      %add3A_743 = arith.addi %rem3A_734, %select_n3A_733 : i32
      %select_n3A_744 = arith.select %and3A_742, %add3A_743, %rem3A_734 : i32
      %mul3A_745 = arith.constant 16 : i32
      %mul3A_746 = arith.muli %select_n3A_744, %mul3A_745 : i32
      %add3A_747 = arith.addi %add3A_24, %mul3A_746 : i32
      %add3A_748 = vector.broadcast %add3A_747 : i32 to vector<16xi32>
      %add3A_749 = arith.addi %add3A_748, %iota3A : vector<16xi32>
      %mul3A_750 = arith.constant 16 : i32
      %mul3A_751 = arith.muli %add3A_724, %mul3A_750 : i32
      %jit3A_752 = arith.constant 128 : i32
      %div3A_753 = arith.divsi %mul3A_751, %jit3A_752 : i32
      %sign3A_754 = arith.constant 0 : i32
      %sign3A_755 = arith.cmpi sgt, %mul3A_751, %sign3A_754 : i32
      %sign3A_756 = arith.extui %sign3A_755 : i1 to i32
      %sign3A_757 = arith.constant 0 : i32
      %sign3A_758 = arith.cmpi slt, %mul3A_751, %sign3A_757 : i32
      %sign3A_759 = arith.extui %sign3A_758 : i1 to i32
      %sign3A_760 = arith.subi %sign3A_756, %sign3A_759 : i32
      %sign3A_761 = arith.constant 0 : i32
      %sign3A_762 = arith.cmpi sgt, %jit3A_752, %sign3A_761 : i32
      %sign3A_763 = arith.extui %sign3A_762 : i1 to i32
      %sign3A_764 = arith.constant 0 : i32
      %sign3A_765 = arith.cmpi slt, %jit3A_752, %sign3A_764 : i32
      %sign3A_766 = arith.extui %sign3A_765 : i1 to i32
      %sign3A_767 = arith.subi %sign3A_763, %sign3A_766 : i32
      %ne3A_768 = arith.cmpi ne, %sign3A_760, %sign3A_767 : i32
      %rem3A_769 = arith.remsi %mul3A_751, %jit3A_752 : i32
      %ne3A_770 = arith.constant 0 : i32
      %ne3A_771 = arith.cmpi ne, %rem3A_769, %ne3A_770 : i32
      %and3A_772 = arith.andi %ne3A_768, %ne3A_771 : i1
      %sub3A_773 = arith.constant 1 : i32
      %sub3A_774 = arith.subi %div3A_753, %sub3A_773 : i32
      %select_n3A_775 = arith.select %and3A_772, %sub3A_774, %div3A_753 : i32
      %mul3A_776 = arith.constant 16 : i32
      %mul3A_777 = arith.muli %add3A_724, %mul3A_776 : i32
      %jit3A_778 = arith.constant 128 : i32
      %eq3A_779 = arith.constant 0 : i32
      %eq3A_780 = arith.cmpi eq, %jit3A_778, %eq3A_779 : i32
      %jit3A_781 = arith.constant 1 : i32
      %select_n3A_782 = arith.select %eq3A_780, %jit3A_781, %jit3A_778 : i32
      %rem3A_783 = arith.remsi %mul3A_777, %select_n3A_782 : i32
      %ne3A_784 = arith.constant 0 : i32
      %ne3A_785 = arith.cmpi ne, %rem3A_783, %ne3A_784 : i32
      %lt3A_786 = arith.constant 0 : i32
      %lt3A_787 = arith.cmpi slt, %rem3A_783, %lt3A_786 : i32
      %lt3A_788 = arith.constant 0 : i32
      %lt3A_789 = arith.cmpi slt, %select_n3A_782, %lt3A_788 : i32
      %ne3A_790 = arith.xori %lt3A_787, %lt3A_789 : i1
      %and3A_791 = arith.andi %ne3A_790, %ne3A_785 : i1
      %add3A_792 = arith.addi %rem3A_783, %select_n3A_782 : i32
      %select_n3A_793 = arith.select %and3A_791, %add3A_792, %rem3A_783 : i32
      %swap3A_794 = arith.index_cast %select_n3A_775 : i32 to index
      %swap3A_795 = arith.index_cast %select_n3A_793 : i32 to index
      %swap3A_796 = tpu.vector_load %arg16[%swap3A_794, %swap3A_795] {strides = array<i32>} : memref<65x128xi32, #tpu.memory_space<vmem>>, vector<16xi32>,
      tpu.vector_store %arg16[%swap3A_794, %swap3A_795], %add3A_749 {strides = array<i32>} : memref<65x128xi32, #tpu.memory_space<vmem>>, vector<16xi32>,
      %scan3A_797 = arith.constant 7 : i32
      %scan3A_798 = arith.addi %scan3A_252, %scan3A_797 : i32
      %mul3A_799 = arith.constant 1 : i32
      %mul3A_800 = arith.muli %scan3A_798, %mul3A_799 : i32
      %add3A_801 = arith.constant 0 : i32
      %add3A_802 = arith.addi %add3A_801, %mul3A_800 : i32
      %mul3A_803 = arith.constant 16 : i32
      %mul3A_804 = arith.muli %add3A_802, %mul3A_803 : i32
      %swap3A_805 = arith.index_cast %mul3A_804 : i32 to index
      %swap3A_806 = tpu.vector_load %arg15[%swap3A_805] {strides = array<i32>} : memref<8208xi32, #tpu.memory_space<vmem>>, vector<16xi32>,
      tpu.vector_store %arg15[%swap3A_805], %broadcast_in_dim3A_5 {strides = array<i32>} : memref<8208xi32, #tpu.memory_space<vmem>>, vector<16xi32>,
      %jit3A_807 = arith.constant 8 : i32
      %eq3A_808 = arith.constant 0 : i32
      %eq3A_809 = arith.cmpi eq, %jit3A_807, %eq3A_808 : i32
      %jit3A_810 = arith.constant 1 : i32
      %select_n3A_811 = arith.select %eq3A_809, %jit3A_810, %jit3A_807 : i32
      %rem3A_812 = arith.remsi %add3A_802, %select_n3A_811 : i32
      %ne3A_813 = arith.constant 0 : i32
      %ne3A_814 = arith.cmpi ne, %rem3A_812, %ne3A_813 : i32
      %lt3A_815 = arith.constant 0 : i32
      %lt3A_816 = arith.cmpi slt, %rem3A_812, %lt3A_815 : i32
      %lt3A_817 = arith.constant 0 : i32
      %lt3A_818 = arith.cmpi slt, %select_n3A_811, %lt3A_817 : i32
      %ne3A_819 = arith.xori %lt3A_816, %lt3A_818 : i1
      %and3A_820 = arith.andi %ne3A_819, %ne3A_814 : i1
      %add3A_821 = arith.addi %rem3A_812, %select_n3A_811 : i32
      %select_n3A_822 = arith.select %and3A_820, %add3A_821, %rem3A_812 : i32
      %mul3A_823 = arith.constant 16 : i32
      %mul3A_824 = arith.muli %select_n3A_822, %mul3A_823 : i32
      %add3A_825 = arith.addi %add3A_24, %mul3A_824 : i32
      %add3A_826 = vector.broadcast %add3A_825 : i32 to vector<16xi32>
      %add3A_827 = arith.addi %add3A_826, %iota3A : vector<16xi32>
      %mul3A_828 = arith.constant 16 : i32
      %mul3A_829 = arith.muli %add3A_802, %mul3A_828 : i32
      %jit3A_830 = arith.constant 128 : i32
      %div3A_831 = arith.divsi %mul3A_829, %jit3A_830 : i32
      %sign3A_832 = arith.constant 0 : i32
      %sign3A_833 = arith.cmpi sgt, %mul3A_829, %sign3A_832 : i32
      %sign3A_834 = arith.extui %sign3A_833 : i1 to i32
      %sign3A_835 = arith.constant 0 : i32
      %sign3A_836 = arith.cmpi slt, %mul3A_829, %sign3A_835 : i32
      %sign3A_837 = arith.extui %sign3A_836 : i1 to i32
      %sign3A_838 = arith.subi %sign3A_834, %sign3A_837 : i32
      %sign3A_839 = arith.constant 0 : i32
      %sign3A_840 = arith.cmpi sgt, %jit3A_830, %sign3A_839 : i32
      %sign3A_841 = arith.extui %sign3A_840 : i1 to i32
      %sign3A_842 = arith.constant 0 : i32
      %sign3A_843 = arith.cmpi slt, %jit3A_830, %sign3A_842 : i32
      %sign3A_844 = arith.extui %sign3A_843 : i1 to i32
      %sign3A_845 = arith.subi %sign3A_841, %sign3A_844 : i32
      %ne3A_846 = arith.cmpi ne, %sign3A_838, %sign3A_845 : i32
      %rem3A_847 = arith.remsi %mul3A_829, %jit3A_830 : i32
      %ne3A_848 = arith.constant 0 : i32
      %ne3A_849 = arith.cmpi ne, %rem3A_847, %ne3A_848 : i32
      %and3A_850 = arith.andi %ne3A_846, %ne3A_849 : i1
      %sub3A_851 = arith.constant 1 : i32
      %sub3A_852 = arith.subi %div3A_831, %sub3A_851 : i32
      %select_n3A_853 = arith.select %and3A_850, %sub3A_852, %div3A_831 : i32
      %mul3A_854 = arith.constant 16 : i32
      %mul3A_855 = arith.muli %add3A_802, %mul3A_854 : i32
      %jit3A_856 = arith.constant 128 : i32
      %eq3A_857 = arith.constant 0 : i32
      %eq3A_858 = arith.cmpi eq, %jit3A_856, %eq3A_857 : i32
      %jit3A_859 = arith.constant 1 : i32
      %select_n3A_860 = arith.select %eq3A_858, %jit3A_859, %jit3A_856 : i32
      %rem3A_861 = arith.remsi %mul3A_855, %select_n3A_860 : i32
      %ne3A_862 = arith.constant 0 : i32
      %ne3A_863 = arith.cmpi ne, %rem3A_861, %ne3A_862 : i32
      %lt3A_864 = arith.constant 0 : i32
      %lt3A_865 = arith.cmpi slt, %rem3A_861, %lt3A_864 : i32
      %lt3A_866 = arith.constant 0 : i32
      %lt3A_867 = arith.cmpi slt, %select_n3A_860, %lt3A_866 : i32
      %ne3A_868 = arith.xori %lt3A_865, %lt3A_867 : i1
      %and3A_869 = arith.andi %ne3A_868, %ne3A_863 : i1
      %add3A_870 = arith.addi %rem3A_861, %select_n3A_860 : i32
      %select_n3A_871 = arith.select %and3A_869, %add3A_870, %rem3A_861 : i32
      %swap3A_872 = arith.index_cast %select_n3A_853 : i32 to index
      %swap3A_873 = arith.index_cast %select_n3A_871 : i32 to index
      %swap3A_874 = tpu.vector_load %arg16[%swap3A_872, %swap3A_873] {strides = array<i32>} : memref<65x128xi32, #tpu.memory_space<vmem>>, vector<16xi32>,
      tpu.vector_store %arg16[%swap3A_872, %swap3A_873], %add3A_827 {strides = array<i32>} : memref<65x128xi32, #tpu.memory_space<vmem>>, vector<16xi32>,
    }
    %scan3A_29 = arith.constant 512 : i32
    %scan3A_30 = arith.addi %scan3A_25, %scan3A_29 : i32
    %mul3A_31 = arith.constant 1 : i32
    %mul3A_32 = arith.muli %scan3A_30, %mul3A_31 : i32
    %add3A_33 = arith.constant 0 : i32
    %add3A_34 = arith.addi %add3A_33, %mul3A_32 : i32
    %mul3A_35 = arith.constant 16 : i32
    %mul3A_36 = arith.muli %add3A_34, %mul3A_35 : i32
    %swap3A = arith.index_cast %mul3A_36 : i32 to index
    %swap3A_37 = tpu.vector_load %arg15[%swap3A] {strides = array<i32>} : memref<8208xi32, #tpu.memory_space<vmem>>, vector<16xi32>,
    tpu.vector_store %arg15[%swap3A], %broadcast_in_dim3A_5 {strides = array<i32>} : memref<8208xi32, #tpu.memory_space<vmem>>, vector<16xi32>,
    %jit3A = arith.constant 8 : i32
    %eq3A = arith.constant 0 : i32
    %eq3A_38 = arith.cmpi eq, %jit3A, %eq3A : i32
    %jit3A_39 = arith.constant 1 : i32
    %select_n3A = arith.select %eq3A_38, %jit3A_39, %jit3A : i32
    %rem3A = arith.remsi %add3A_34, %select_n3A : i32
    %ne3A = arith.constant 0 : i32
    %ne3A_40 = arith.cmpi ne, %rem3A, %ne3A : i32
    %lt3A = arith.constant 0 : i32
    %lt3A_41 = arith.cmpi slt, %rem3A, %lt3A : i32
    %lt3A_42 = arith.constant 0 : i32
    %lt3A_43 = arith.cmpi slt, %select_n3A, %lt3A_42 : i32
    %ne3A_44 = arith.xori %lt3A_41, %lt3A_43 : i1
    %and3A = arith.andi %ne3A_44, %ne3A_40 : i1
    %add3A_45 = arith.addi %rem3A, %select_n3A : i32
    %select_n3A_46 = arith.select %and3A, %add3A_45, %rem3A : i32
    %mul3A_47 = arith.constant 16 : i32
    %mul3A_48 = arith.muli %select_n3A_46, %mul3A_47 : i32
    %add3A_49 = arith.addi %add3A_24, %mul3A_48 : i32
    %add3A_50 = vector.broadcast %add3A_49 : i32 to vector<16xi32>
    %add3A_51 = arith.addi %add3A_50, %iota3A : vector<16xi32>
    %mul3A_52 = arith.constant 16 : i32
    %mul3A_53 = arith.muli %add3A_34, %mul3A_52 : i32
    %jit3A_54 = arith.constant 128 : i32
    %div3A = arith.divsi %mul3A_53, %jit3A_54 : i32
    %sign3A = arith.constant 0 : i32
    %sign3A_55 = arith.cmpi sgt, %mul3A_53, %sign3A : i32
    %sign3A_56 = arith.extui %sign3A_55 : i1 to i32
    %sign3A_57 = arith.constant 0 : i32
    %sign3A_58 = arith.cmpi slt, %mul3A_53, %sign3A_57 : i32
    %sign3A_59 = arith.extui %sign3A_58 : i1 to i32
    %sign3A_60 = arith.subi %sign3A_56, %sign3A_59 : i32
    %sign3A_61 = arith.constant 0 : i32
    %sign3A_62 = arith.cmpi sgt, %jit3A_54, %sign3A_61 : i32
    %sign3A_63 = arith.extui %sign3A_62 : i1 to i32
    %sign3A_64 = arith.constant 0 : i32
    %sign3A_65 = arith.cmpi slt, %jit3A_54, %sign3A_64 : i32
    %sign3A_66 = arith.extui %sign3A_65 : i1 to i32
    %sign3A_67 = arith.subi %sign3A_63, %sign3A_66 : i32
    %ne3A_68 = arith.cmpi ne, %sign3A_60, %sign3A_67 : i32
    %rem3A_69 = arith.remsi %mul3A_53, %jit3A_54 : i32
    %ne3A_70 = arith.constant 0 : i32
    %ne3A_71 = arith.cmpi ne, %rem3A_69, %ne3A_70 : i32
    %and3A_72 = arith.andi %ne3A_68, %ne3A_71 : i1
    %sub3A = arith.constant 1 : i32
    %sub3A_73 = arith.subi %div3A, %sub3A : i32
    %select_n3A_74 = arith.select %and3A_72, %sub3A_73, %div3A : i32
    %mul3A_75 = arith.constant 16 : i32
    %mul3A_76 = arith.muli %add3A_34, %mul3A_75 : i32
    %jit3A_77 = arith.constant 128 : i32
    %eq3A_78 = arith.constant 0 : i32
    %eq3A_79 = arith.cmpi eq, %jit3A_77, %eq3A_78 : i32
    %jit3A_80 = arith.constant 1 : i32
    %select_n3A_81 = arith.select %eq3A_79, %jit3A_80, %jit3A_77 : i32
    %rem3A_82 = arith.remsi %mul3A_76, %select_n3A_81 : i32
    %ne3A_83 = arith.constant 0 : i32
    %ne3A_84 = arith.cmpi ne, %rem3A_82, %ne3A_83 : i32
    %lt3A_85 = arith.constant 0 : i32
    %lt3A_86 = arith.cmpi slt, %rem3A_82, %lt3A_85 : i32
    %lt3A_87 = arith.constant 0 : i32
    %lt3A_88 = arith.cmpi slt, %select_n3A_81, %lt3A_87 : i32
    %ne3A_89 = arith.xori %lt3A_86, %lt3A_88 : i1
    %and3A_90 = arith.andi %ne3A_89, %ne3A_84 : i1
    %add3A_91 = arith.addi %rem3A_82, %select_n3A_81 : i32
    %select_n3A_92 = arith.select %and3A_90, %add3A_91, %rem3A_82 : i32
    %swap3A_93 = arith.index_cast %select_n3A_74 : i32 to index
    %swap3A_94 = arith.index_cast %select_n3A_92 : i32 to index
    %swap3A_95 = tpu.vector_load %arg16[%swap3A_93, %swap3A_94] {strides = array<i32>} : memref<65x128xi32, #tpu.memory_space<vmem>>, vector<16xi32>,
    tpu.vector_store %arg16[%swap3A_93, %swap3A_94], %add3A_51 {strides = array<i32>} : memref<65x128xi32, #tpu.memory_space<vmem>>, vector<16xi32>,
    %scan3A_96 = arith.constant 513 : i32
    "tpu.trace_start"() <{level = 10 : i32, message = "scan"}> : () -> ()
    %scan3A_97 = arith.constant 0 : i32
    %scan3A_98 = arith.constant 5 : i32
    %scan3A_99 = arith.addi %scan3A_97, %scan3A_98 : i32
    %scan3A_100 = arith.constant 1 : i32
    scf.for %scan3A_252 = %scan3A_97 to %scan3A_99 step %scan3A_100  : i32 {
      %mul3A_253 = arith.constant 2 : i32
      %mul3A_254 = arith.muli %scan3A_252, %mul3A_253 : i32
      %add3A_255 = arith.constant 0 : i32
      %add3A_256 = arith.addi %add3A_255, %mul3A_254 : i32
      %mul3A_257 = arith.constant 4000 : i32
      %mul3A_258 = arith.muli %add3A_256, %mul3A_257 : i32
      %dma_wait3A_259 = tpu.memref_slice %arg3[%mul3A_258] : memref<40000xi32, #tpu.memory_space<hbm>> -> memref<4000xi32, #tpu.memory_space<hbm>>
      %dma_wait3A_260 = tpu.memref_slice %arg3[%mul3A_258] : memref<40000xi32, #tpu.memory_space<hbm>> -> memref<4000xi32, #tpu.memory_space<hbm>>
      tpu.wait_dma2 semaphore(%arg21 : memref<!tpu.dma_semaphore, #tpu.memory_space<semaphore_mem>>) src(%dma_wait3A_260 : memref<4000xi32, #tpu.memory_space<hbm>>) dst(%arg8 : memref<4000xi32, #tpu.memory_space<vmem>>)
      %dma_wait3A_261 = tpu.memref_slice %arg4[%mul3A_258] : memref<40000xi32, #tpu.memory_space<hbm>> -> memref<4000xi32, #tpu.memory_space<hbm>>
      %dma_wait3A_262 = tpu.memref_slice %arg4[%mul3A_258] : memref<40000xi32, #tpu.memory_space<hbm>> -> memref<4000xi32, #tpu.memory_space<hbm>>
      tpu.wait_dma2 semaphore(%arg21 : memref<!tpu.dma_semaphore, #tpu.memory_space<semaphore_mem>>) src(%dma_wait3A_262 : memref<4000xi32, #tpu.memory_space<hbm>>) dst(%arg9 : memref<4000xi32, #tpu.memory_space<vmem>>)
      %dma_wait3A_263 = tpu.memref_slice %arg5[%mul3A_258] : memref<40000xi32, #tpu.memory_space<hbm>> -> memref<4000xi32, #tpu.memory_space<hbm>>
      %dma_wait3A_264 = tpu.memref_slice %arg5[%mul3A_258] : memref<40000xi32, #tpu.memory_space<hbm>> -> memref<4000xi32, #tpu.memory_space<hbm>>
      tpu.wait_dma2 semaphore(%arg21 : memref<!tpu.dma_semaphore, #tpu.memory_space<semaphore_mem>>) src(%dma_wait3A_264 : memref<4000xi32, #tpu.memory_space<hbm>>) dst(%arg10 : memref<4000xi32, #tpu.memory_space<vmem>>)
      %add3A_265 = arith.constant 1 : i32
      %add3A_266 = arith.addi %add3A_256, %add3A_265 : i32
      %lt3A_267 = arith.constant 10 : i32
      %lt3A_268 = arith.cmpi slt, %add3A_266, %lt3A_267 : i32
      %convert_element_type3A_269 = arith.extui %lt3A_268 : i1 to i32
      %cond3A_270 = arith.constant 0 : i32
      %cond3A_271 = arith.cmpi ne, %convert_element_type3A_269, %cond3A_270 : i32
      scf.if %cond3A_271 {
        %add3A_305 = arith.constant 1 : i32
        %add3A_306 = arith.addi %add3A_256, %add3A_305 : i32
        %mul3A_307 = arith.constant 4000 : i32
        %mul3A_308 = arith.muli %add3A_306, %mul3A_307 : i32
        %dma_start3A_309 = tpu.memref_slice %arg3[%mul3A_308] : memref<40000xi32, #tpu.memory_space<hbm>> -> memref<4000xi32, #tpu.memory_space<hbm>>
        %dma_start3A_310 = tpu.memref_slice %arg3[%mul3A_308] : memref<40000xi32, #tpu.memory_space<hbm>> -> memref<4000xi32, #tpu.memory_space<hbm>>
        tpu.enqueue_dma source(%dma_start3A_310 : memref<4000xi32, #tpu.memory_space<hbm>>) target(%arg11 : memref<4000xi32, #tpu.memory_space<vmem>>) target_semaphore(%arg22 : memref<!tpu.dma_semaphore, #tpu.memory_space<semaphore_mem>>)
        %dma_start3A_311 = tpu.memref_slice %arg4[%mul3A_308] : memref<40000xi32, #tpu.memory_space<hbm>> -> memref<4000xi32, #tpu.memory_space<hbm>>
        %dma_start3A_312 = tpu.memref_slice %arg4[%mul3A_308] : memref<40000xi32, #tpu.memory_space<hbm>> -> memref<4000xi32, #tpu.memory_space<hbm>>
        tpu.enqueue_dma source(%dma_start3A_312 : memref<4000xi32, #tpu.memory_space<hbm>>) target(%arg12 : memref<4000xi32, #tpu.memory_space<vmem>>) target_semaphore(%arg22 : memref<!tpu.dma_semaphore, #tpu.memory_space<semaphore_mem>>)
        %dma_start3A_313 = tpu.memref_slice %arg5[%mul3A_308] : memref<40000xi32, #tpu.memory_space<hbm>> -> memref<4000xi32, #tpu.memory_space<hbm>>
        %dma_start3A_314 = tpu.memref_slice %arg5[%mul3A_308] : memref<40000xi32, #tpu.memory_space<hbm>> -> memref<4000xi32, #tpu.memory_space<hbm>>
        tpu.enqueue_dma source(%dma_start3A_314 : memref<4000xi32, #tpu.memory_space<hbm>>) target(%arg13 : memref<4000xi32, #tpu.memory_space<vmem>>) target_semaphore(%arg22 : memref<!tpu.dma_semaphore, #tpu.memory_space<semaphore_mem>>)
      } else {
      }
      %mul3A_272 = arith.constant 4000 : i32
      %mul3A_273 = arith.muli %add3A_256, %mul3A_272 : i32
      %scan3A_274 = arith.constant 0 : i32
      %scan3A_275 = arith.constant 50 : i32
      %scan3A_276 = arith.addi %scan3A_274, %scan3A_275 : i32
      %scan3A_277 = arith.constant 1 : i32
      scf.for %scan3A_305 = %scan3A_274 to %scan3A_276 step %scan3A_277  : i32 {
        %mul3A_306 = arith.constant 1 : i32
        %mul3A_307 = arith.muli %scan3A_305, %mul3A_306 : i32
        %add3A_308 = arith.constant 0 : i32
        %add3A_309 = arith.addi %add3A_308, %mul3A_307 : i32
        %mul3A_310 = arith.constant 5 : i32
        %mul3A_311 = arith.muli %add3A_309, %mul3A_310 : i32
        %add3A_312 = arith.constant 0 : i32
        %add3A_313 = arith.addi %mul3A_311, %add3A_312 : i32
        %mul3A_314 = arith.constant 16 : i32
        %mul3A_315 = arith.muli %add3A_313, %mul3A_314 : i32
        %get3A = arith.index_cast %mul3A_315 : i32 to index
        %get3A_316 = tpu.vector_load %arg8[%get3A] {strides = array<i32>} : memref<4000xi32, #tpu.memory_space<vmem>>, vector<16xi32>,
        %add3A_317 = arith.constant 1 : i32
        %add3A_318 = arith.addi %mul3A_311, %add3A_317 : i32
        %mul3A_319 = arith.constant 16 : i32
        %mul3A_320 = arith.muli %add3A_318, %mul3A_319 : i32
        %get3A_321 = arith.index_cast %mul3A_320 : i32 to index
        %get3A_322 = tpu.vector_load %arg8[%get3A_321] {strides = array<i32>} : memref<4000xi32, #tpu.memory_space<vmem>>, vector<16xi32>,
        %add3A_323 = arith.constant 2 : i32
        %add3A_324 = arith.addi %mul3A_311, %add3A_323 : i32
        %mul3A_325 = arith.constant 16 : i32
        %mul3A_326 = arith.muli %add3A_324, %mul3A_325 : i32
        %get3A_327 = arith.index_cast %mul3A_326 : i32 to index
        %get3A_328 = tpu.vector_load %arg8[%get3A_327] {strides = array<i32>} : memref<4000xi32, #tpu.memory_space<vmem>>, vector<16xi32>,
        %add3A_329 = arith.constant 3 : i32
        %add3A_330 = arith.addi %mul3A_311, %add3A_329 : i32
        %mul3A_331 = arith.constant 16 : i32
        %mul3A_332 = arith.muli %add3A_330, %mul3A_331 : i32
        %get3A_333 = arith.index_cast %mul3A_332 : i32 to index
        %get3A_334 = tpu.vector_load %arg8[%get3A_333] {strides = array<i32>} : memref<4000xi32, #tpu.memory_space<vmem>>, vector<16xi32>,
        %add3A_335 = arith.constant 4 : i32
        %add3A_336 = arith.addi %mul3A_311, %add3A_335 : i32
        %mul3A_337 = arith.constant 16 : i32
        %mul3A_338 = arith.muli %add3A_336, %mul3A_337 : i32
        %get3A_339 = arith.index_cast %mul3A_338 : i32 to index
        %get3A_340 = tpu.vector_load %arg8[%get3A_339] {strides = array<i32>} : memref<4000xi32, #tpu.memory_space<vmem>>, vector<16xi32>,
        %add3A_341 = arith.constant 0 : i32
        %add3A_342 = arith.addi %mul3A_311, %add3A_341 : i32
        %mul3A_343 = arith.constant 16 : i32
        %mul3A_344 = arith.muli %add3A_342, %mul3A_343 : i32
        %get3A_345 = arith.index_cast %mul3A_344 : i32 to index
        %get3A_346 = tpu.vector_load %arg9[%get3A_345] {strides = array<i32>} : memref<4000xi32, #tpu.memory_space<vmem>>, vector<16xi32>,
        %add3A_347 = arith.constant 1 : i32
        %add3A_348 = arith.addi %mul3A_311, %add3A_347 : i32
        %mul3A_349 = arith.constant 16 : i32
        %mul3A_350 = arith.muli %add3A_348, %mul3A_349 : i32
        %get3A_351 = arith.index_cast %mul3A_350 : i32 to index
        %get3A_352 = tpu.vector_load %arg9[%get3A_351] {strides = array<i32>} : memref<4000xi32, #tpu.memory_space<vmem>>, vector<16xi32>,
        %add3A_353 = arith.constant 2 : i32
        %add3A_354 = arith.addi %mul3A_311, %add3A_353 : i32
        %mul3A_355 = arith.constant 16 : i32
        %mul3A_356 = arith.muli %add3A_354, %mul3A_355 : i32
        %get3A_357 = arith.index_cast %mul3A_356 : i32 to index
        %get3A_358 = tpu.vector_load %arg9[%get3A_357] {strides = array<i32>} : memref<4000xi32, #tpu.memory_space<vmem>>, vector<16xi32>,
        %add3A_359 = arith.constant 3 : i32
        %add3A_360 = arith.addi %mul3A_311, %add3A_359 : i32
        %mul3A_361 = arith.constant 16 : i32
        %mul3A_362 = arith.muli %add3A_360, %mul3A_361 : i32
        %get3A_363 = arith.index_cast %mul3A_362 : i32 to index
        %get3A_364 = tpu.vector_load %arg9[%get3A_363] {strides = array<i32>} : memref<4000xi32, #tpu.memory_space<vmem>>, vector<16xi32>,
        %add3A_365 = arith.constant 4 : i32
        %add3A_366 = arith.addi %mul3A_311, %add3A_365 : i32
        %mul3A_367 = arith.constant 16 : i32
        %mul3A_368 = arith.muli %add3A_366, %mul3A_367 : i32
        %get3A_369 = arith.index_cast %mul3A_368 : i32 to index
        %get3A_370 = tpu.vector_load %arg9[%get3A_369] {strides = array<i32>} : memref<4000xi32, #tpu.memory_space<vmem>>, vector<16xi32>,
        %add3A_371 = arith.constant 0 : i32
        %add3A_372 = arith.addi %mul3A_311, %add3A_371 : i32
        %mul3A_373 = arith.constant 16 : i32
        %mul3A_374 = arith.muli %add3A_372, %mul3A_373 : i32
        %get3A_375 = arith.index_cast %mul3A_374 : i32 to index
        %get3A_376 = tpu.vector_load %arg10[%get3A_375] {strides = array<i32>} : memref<4000xi32, #tpu.memory_space<vmem>>, vector<16xi32>,
        %add3A_377 = arith.constant 1 : i32
        %add3A_378 = arith.addi %mul3A_311, %add3A_377 : i32
        %mul3A_379 = arith.constant 16 : i32
        %mul3A_380 = arith.muli %add3A_378, %mul3A_379 : i32
        %get3A_381 = arith.index_cast %mul3A_380 : i32 to index
        %get3A_382 = tpu.vector_load %arg10[%get3A_381] {strides = array<i32>} : memref<4000xi32, #tpu.memory_space<vmem>>, vector<16xi32>,
        %add3A_383 = arith.constant 2 : i32
        %add3A_384 = arith.addi %mul3A_311, %add3A_383 : i32
        %mul3A_385 = arith.constant 16 : i32
        %mul3A_386 = arith.muli %add3A_384, %mul3A_385 : i32
        %get3A_387 = arith.index_cast %mul3A_386 : i32 to index
        %get3A_388 = tpu.vector_load %arg10[%get3A_387] {strides = array<i32>} : memref<4000xi32, #tpu.memory_space<vmem>>, vector<16xi32>,
        %add3A_389 = arith.constant 3 : i32
        %add3A_390 = arith.addi %mul3A_311, %add3A_389 : i32
        %mul3A_391 = arith.constant 16 : i32
        %mul3A_392 = arith.muli %add3A_390, %mul3A_391 : i32
        %get3A_393 = arith.index_cast %mul3A_392 : i32 to index
        %get3A_394 = tpu.vector_load %arg10[%get3A_393] {strides = array<i32>} : memref<4000xi32, #tpu.memory_space<vmem>>, vector<16xi32>,
        %add3A_395 = arith.constant 4 : i32
        %add3A_396 = arith.addi %mul3A_311, %add3A_395 : i32
        %mul3A_397 = arith.constant 16 : i32
        %mul3A_398 = arith.muli %add3A_396, %mul3A_397 : i32
        %get3A_399 = arith.index_cast %mul3A_398 : i32 to index
        %get3A_400 = tpu.vector_load %arg10[%get3A_399] {strides = array<i32>} : memref<4000xi32, #tpu.memory_space<vmem>>, vector<16xi32>,
        %mul3A_401 = arith.constant 512 : i32
        %mul3A_402 = vector.broadcast %mul3A_401 : i32 to vector<16xi32>
        %mul3A_403 = arith.muli %get3A_346, %mul3A_402 : vector<16xi32>
        %add3A_404 = arith.addi %get3A_316, %mul3A_403 : vector<16xi32>
        %add3A_405 = arith.addi %add3A_404, %get3A_376 : vector<16xi32>
        %sub3A_406 = vector.broadcast %mul3A_2 : i32 to vector<16xi32>
        %sub3A_407 = arith.subi %add3A_405, %sub3A_406 : vector<16xi32>
        %mul3A_408 = arith.constant 512 : i32
        %mul3A_409 = vector.broadcast %mul3A_408 : i32 to vector<16xi32>
        %mul3A_410 = arith.muli %get3A_352, %mul3A_409 : vector<16xi32>
        %add3A_411 = arith.addi %get3A_322, %mul3A_410 : vector<16xi32>
        %add3A_412 = arith.addi %add3A_411, %get3A_382 : vector<16xi32>
        %sub3A_413 = vector.broadcast %mul3A_2 : i32 to vector<16xi32>
        %sub3A_414 = arith.subi %add3A_412, %sub3A_413 : vector<16xi32>
        %mul3A_415 = arith.constant 512 : i32
        %mul3A_416 = vector.broadcast %mul3A_415 : i32 to vector<16xi32>
        %mul3A_417 = arith.muli %get3A_358, %mul3A_416 : vector<16xi32>
        %add3A_418 = arith.addi %get3A_328, %mul3A_417 : vector<16xi32>
        %add3A_419 = arith.addi %add3A_418, %get3A_388 : vector<16xi32>
        %sub3A_420 = vector.broadcast %mul3A_2 : i32 to vector<16xi32>
        %sub3A_421 = arith.subi %add3A_419, %sub3A_420 : vector<16xi32>
        %mul3A_422 = arith.constant 512 : i32
        %mul3A_423 = vector.broadcast %mul3A_422 : i32 to vector<16xi32>
        %mul3A_424 = arith.muli %get3A_364, %mul3A_423 : vector<16xi32>
        %add3A_425 = arith.addi %get3A_334, %mul3A_424 : vector<16xi32>
        %add3A_426 = arith.addi %add3A_425, %get3A_394 : vector<16xi32>
        %sub3A_427 = vector.broadcast %mul3A_2 : i32 to vector<16xi32>
        %sub3A_428 = arith.subi %add3A_426, %sub3A_427 : vector<16xi32>
        %mul3A_429 = arith.constant 512 : i32
        %mul3A_430 = vector.broadcast %mul3A_429 : i32 to vector<16xi32>
        %mul3A_431 = arith.muli %get3A_370, %mul3A_430 : vector<16xi32>
        %add3A_432 = arith.addi %get3A_340, %mul3A_431 : vector<16xi32>
        %add3A_433 = arith.addi %add3A_432, %get3A_400 : vector<16xi32>
        %sub3A_434 = vector.broadcast %mul3A_2 : i32 to vector<16xi32>
        %sub3A_435 = arith.subi %add3A_433, %sub3A_434 : vector<16xi32>
        %ge3A = arith.constant 0 : i32
        %ge3A_436 = vector.broadcast %ge3A : i32 to vector<16xi32>
        %ge3A_437 = arith.cmpi sge, %sub3A_407, %ge3A_436 : vector<16xi32>
        %lt3A_438 = arith.constant 8192 : i32
        %lt3A_439 = vector.broadcast %lt3A_438 : i32 to vector<16xi32>
        %lt3A_440 = arith.cmpi slt, %sub3A_407, %lt3A_439 : vector<16xi32>
        %and3A_441 = arith.andi %ge3A_437, %lt3A_440 : vector<16xi1>
        %ge3A_442 = arith.constant 0 : i32
        %ge3A_443 = vector.broadcast %ge3A_442 : i32 to vector<16xi32>
        %ge3A_444 = arith.cmpi sge, %sub3A_414, %ge3A_443 : vector<16xi32>
        %lt3A_445 = arith.constant 8192 : i32
        %lt3A_446 = vector.broadcast %lt3A_445 : i32 to vector<16xi32>
        %lt3A_447 = arith.cmpi slt, %sub3A_414, %lt3A_446 : vector<16xi32>
        %and3A_448 = arith.andi %ge3A_444, %lt3A_447 : vector<16xi1>
        %ge3A_449 = arith.constant 0 : i32
        %ge3A_450 = vector.broadcast %ge3A_449 : i32 to vector<16xi32>
        %ge3A_451 = arith.cmpi sge, %sub3A_421, %ge3A_450 : vector<16xi32>
        %lt3A_452 = arith.constant 8192 : i32
        %lt3A_453 = vector.broadcast %lt3A_452 : i32 to vector<16xi32>
        %lt3A_454 = arith.cmpi slt, %sub3A_421, %lt3A_453 : vector<16xi32>
        %and3A_455 = arith.andi %ge3A_451, %lt3A_454 : vector<16xi1>
        %ge3A_456 = arith.constant 0 : i32
        %ge3A_457 = vector.broadcast %ge3A_456 : i32 to vector<16xi32>
        %ge3A_458 = arith.cmpi sge, %sub3A_428, %ge3A_457 : vector<16xi32>
        %lt3A_459 = arith.constant 8192 : i32
        %lt3A_460 = vector.broadcast %lt3A_459 : i32 to vector<16xi32>
        %lt3A_461 = arith.cmpi slt, %sub3A_428, %lt3A_460 : vector<16xi32>
        %and3A_462 = arith.andi %ge3A_458, %lt3A_461 : vector<16xi1>
        %ge3A_463 = arith.constant 0 : i32
        %ge3A_464 = vector.broadcast %ge3A_463 : i32 to vector<16xi32>
        %ge3A_465 = arith.cmpi sge, %sub3A_435, %ge3A_464 : vector<16xi32>
        %lt3A_466 = arith.constant 8192 : i32
        %lt3A_467 = vector.broadcast %lt3A_466 : i32 to vector<16xi32>
        %lt3A_468 = arith.cmpi slt, %sub3A_435, %lt3A_467 : vector<16xi32>
        %and3A_469 = arith.andi %ge3A_465, %lt3A_468 : vector<16xi1>
        %add3A_470 = arith.constant 0 : i32
        %add3A_471 = arith.addi %mul3A_311, %add3A_470 : i32
        %mul3A_472 = arith.constant 16 : i32
        %mul3A_473 = arith.muli %add3A_471, %mul3A_472 : i32
        %add3A_474 = arith.addi %mul3A_273, %mul3A_473 : i32
        %add3A_475 = vector.broadcast %add3A_474 : i32 to vector<16xi32>
        %add3A_476 = arith.addi %add3A_475, %iota3A : vector<16xi32>
        %add3A_477 = arith.constant 1 : i32
        %add3A_478 = arith.addi %mul3A_311, %add3A_477 : i32
        %mul3A_479 = arith.constant 16 : i32
        %mul3A_480 = arith.muli %add3A_478, %mul3A_479 : i32
        %add3A_481 = arith.addi %mul3A_273, %mul3A_480 : i32
        %add3A_482 = vector.broadcast %add3A_481 : i32 to vector<16xi32>
        %add3A_483 = arith.addi %add3A_482, %iota3A : vector<16xi32>
        %add3A_484 = arith.constant 2 : i32
        %add3A_485 = arith.addi %mul3A_311, %add3A_484 : i32
        %mul3A_486 = arith.constant 16 : i32
        %mul3A_487 = arith.muli %add3A_485, %mul3A_486 : i32
        %add3A_488 = arith.addi %mul3A_273, %mul3A_487 : i32
        %add3A_489 = vector.broadcast %add3A_488 : i32 to vector<16xi32>
        %add3A_490 = arith.addi %add3A_489, %iota3A : vector<16xi32>
        %add3A_491 = arith.constant 3 : i32
        %add3A_492 = arith.addi %mul3A_311, %add3A_491 : i32
        %mul3A_493 = arith.constant 16 : i32
        %mul3A_494 = arith.muli %add3A_492, %mul3A_493 : i32
        %add3A_495 = arith.addi %mul3A_273, %mul3A_494 : i32
        %add3A_496 = vector.broadcast %add3A_495 : i32 to vector<16xi32>
        %add3A_497 = arith.addi %add3A_496, %iota3A : vector<16xi32>
        %add3A_498 = arith.constant 4 : i32
        %add3A_499 = arith.addi %mul3A_311, %add3A_498 : i32
        %mul3A_500 = arith.constant 16 : i32
        %mul3A_501 = arith.muli %add3A_499, %mul3A_500 : i32
        %add3A_502 = arith.addi %mul3A_273, %mul3A_501 : i32
        %add3A_503 = vector.broadcast %add3A_502 : i32 to vector<16xi32>
        %add3A_504 = arith.addi %add3A_503, %iota3A : vector<16xi32>
        tpu.vector_store_idx %arg14[%sub3A_407], %add3A_476 masked %and3A_441 : memref<8192xi32, #tpu.memory_space<vmem>>[vector<16xi32>], vector<16xi32>, vector<16xi1>
        tpu.vector_store_idx %arg14[%sub3A_414], %add3A_483 masked %and3A_448 : memref<8192xi32, #tpu.memory_space<vmem>>[vector<16xi32>], vector<16xi32>, vector<16xi1>
        tpu.vector_store_idx %arg14[%sub3A_421], %add3A_490 masked %and3A_455 : memref<8192xi32, #tpu.memory_space<vmem>>[vector<16xi32>], vector<16xi32>, vector<16xi1>
        tpu.vector_store_idx %arg14[%sub3A_428], %add3A_497 masked %and3A_462 : memref<8192xi32, #tpu.memory_space<vmem>>[vector<16xi32>], vector<16xi32>, vector<16xi1>
        tpu.vector_store_idx %arg14[%sub3A_435], %add3A_504 masked %and3A_469 : memref<8192xi32, #tpu.memory_space<vmem>>[vector<16xi32>], vector<16xi32>, vector<16xi1>
        %gather3A = tpu.vector_load_idx %arg14[%sub3A_407] masked %and3A_441 : memref<8192xi32, #tpu.memory_space<vmem>>[vector<16xi32>], vector<16xi32>, vector<16xi1>
        %gather3A_505 = tpu.vector_load_idx %arg14[%sub3A_414] masked %and3A_448 : memref<8192xi32, #tpu.memory_space<vmem>>[vector<16xi32>], vector<16xi32>, vector<16xi1>
        %gather3A_506 = tpu.vector_load_idx %arg14[%sub3A_421] masked %and3A_455 : memref<8192xi32, #tpu.memory_space<vmem>>[vector<16xi32>], vector<16xi32>, vector<16xi1>
        %gather3A_507 = tpu.vector_load_idx %arg14[%sub3A_428] masked %and3A_462 : memref<8192xi32, #tpu.memory_space<vmem>>[vector<16xi32>], vector<16xi32>, vector<16xi1>
        %gather3A_508 = tpu.vector_load_idx %arg14[%sub3A_435] masked %and3A_469 : memref<8192xi32, #tpu.memory_space<vmem>>[vector<16xi32>], vector<16xi32>, vector<16xi1>
        %gt3A_509 = arith.cmpi sgt, %add3A_476, %gather3A : vector<16xi32>
        %and3A_510 = arith.andi %and3A_441, %gt3A_509 : vector<16xi1>
        tpu.vector_store_idx %arg14[%sub3A_407], %add3A_476 masked %and3A_510 : memref<8192xi32, #tpu.memory_space<vmem>>[vector<16xi32>], vector<16xi32>, vector<16xi1>
        %gt3A_511 = arith.cmpi sgt, %add3A_483, %gather3A_505 : vector<16xi32>
        %and3A_512 = arith.andi %and3A_448, %gt3A_511 : vector<16xi1>
        tpu.vector_store_idx %arg14[%sub3A_414], %add3A_483 masked %and3A_512 : memref<8192xi32, #tpu.memory_space<vmem>>[vector<16xi32>], vector<16xi32>, vector<16xi1>
        %gt3A_513 = arith.cmpi sgt, %add3A_490, %gather3A_506 : vector<16xi32>
        %and3A_514 = arith.andi %and3A_455, %gt3A_513 : vector<16xi1>
        tpu.vector_store_idx %arg14[%sub3A_421], %add3A_490 masked %and3A_514 : memref<8192xi32, #tpu.memory_space<vmem>>[vector<16xi32>], vector<16xi32>, vector<16xi1>
        %gt3A_515 = arith.cmpi sgt, %add3A_497, %gather3A_507 : vector<16xi32>
        %and3A_516 = arith.andi %and3A_462, %gt3A_515 : vector<16xi1>
        tpu.vector_store_idx %arg14[%sub3A_428], %add3A_497 masked %and3A_516 : memref<8192xi32, #tpu.memory_space<vmem>>[vector<16xi32>], vector<16xi32>, vector<16xi1>
        %gt3A_517 = arith.cmpi sgt, %add3A_504, %gather3A_508 : vector<16xi32>
        %and3A_518 = arith.andi %and3A_469, %gt3A_517 : vector<16xi1>
        tpu.vector_store_idx %arg14[%sub3A_435], %add3A_504 masked %and3A_518 : memref<8192xi32, #tpu.memory_space<vmem>>[vector<16xi32>], vector<16xi32>, vector<16xi1>
        %gather3A_519 = tpu.vector_load_idx %arg14[%sub3A_407] masked %and3A_441 : memref<8192xi32, #tpu.memory_space<vmem>>[vector<16xi32>], vector<16xi32>, vector<16xi1>
        %gather3A_520 = tpu.vector_load_idx %arg14[%sub3A_414] masked %and3A_448 : memref<8192xi32, #tpu.memory_space<vmem>>[vector<16xi32>], vector<16xi32>, vector<16xi1>
        %gather3A_521 = tpu.vector_load_idx %arg14[%sub3A_421] masked %and3A_455 : memref<8192xi32, #tpu.memory_space<vmem>>[vector<16xi32>], vector<16xi32>, vector<16xi1>
        %gather3A_522 = tpu.vector_load_idx %arg14[%sub3A_428] masked %and3A_462 : memref<8192xi32, #tpu.memory_space<vmem>>[vector<16xi32>], vector<16xi32>, vector<16xi1>
        %gather3A_523 = tpu.vector_load_idx %arg14[%sub3A_435] masked %and3A_469 : memref<8192xi32, #tpu.memory_space<vmem>>[vector<16xi32>], vector<16xi32>, vector<16xi1>
        %gt3A_524 = arith.cmpi sgt, %add3A_476, %gather3A_519 : vector<16xi32>
        %and3A_525 = arith.andi %and3A_441, %gt3A_524 : vector<16xi1>
        tpu.vector_store_idx %arg14[%sub3A_407], %add3A_476 masked %and3A_525 : memref<8192xi32, #tpu.memory_space<vmem>>[vector<16xi32>], vector<16xi32>, vector<16xi1>
        %gt3A_526 = arith.cmpi sgt, %add3A_483, %gather3A_520 : vector<16xi32>
        %and3A_527 = arith.andi %and3A_448, %gt3A_526 : vector<16xi1>
        tpu.vector_store_idx %arg14[%sub3A_414], %add3A_483 masked %and3A_527 : memref<8192xi32, #tpu.memory_space<vmem>>[vector<16xi32>], vector<16xi32>, vector<16xi1>
        %gt3A_528 = arith.cmpi sgt, %add3A_490, %gather3A_521 : vector<16xi32>
        %and3A_529 = arith.andi %and3A_455, %gt3A_528 : vector<16xi1>
        tpu.vector_store_idx %arg14[%sub3A_421], %add3A_490 masked %and3A_529 : memref<8192xi32, #tpu.memory_space<vmem>>[vector<16xi32>], vector<16xi32>, vector<16xi1>
        %gt3A_530 = arith.cmpi sgt, %add3A_497, %gather3A_522 : vector<16xi32>
        %and3A_531 = arith.andi %and3A_462, %gt3A_530 : vector<16xi1>
        tpu.vector_store_idx %arg14[%sub3A_428], %add3A_497 masked %and3A_531 : memref<8192xi32, #tpu.memory_space<vmem>>[vector<16xi32>], vector<16xi32>, vector<16xi1>
        %gt3A_532 = arith.cmpi sgt, %add3A_504, %gather3A_523 : vector<16xi32>
        %and3A_533 = arith.andi %and3A_469, %gt3A_532 : vector<16xi1>
        tpu.vector_store_idx %arg14[%sub3A_435], %add3A_504 masked %and3A_533 : memref<8192xi32, #tpu.memory_space<vmem>>[vector<16xi32>], vector<16xi32>, vector<16xi1>
      }
      %scan3A_278 = arith.constant 50 : i32
      %add3A_279 = arith.constant 1 : i32
      %add3A_280 = arith.addi %add3A_256, %add3A_279 : i32
      %mul3A_281 = arith.constant 4000 : i32
      %mul3A_282 = arith.muli %add3A_280, %mul3A_281 : i32
      %dma_wait3A_283 = tpu.memref_slice %arg3[%mul3A_282] : memref<40000xi32, #tpu.memory_space<hbm>> -> memref<4000xi32, #tpu.memory_space<hbm>>
      %dma_wait3A_284 = tpu.memref_slice %arg3[%mul3A_282] : memref<40000xi32, #tpu.memory_space<hbm>> -> memref<4000xi32, #tpu.memory_space<hbm>>
      tpu.wait_dma2 semaphore(%arg22 : memref<!tpu.dma_semaphore, #tpu.memory_space<semaphore_mem>>) src(%dma_wait3A_284 : memref<4000xi32, #tpu.memory_space<hbm>>) dst(%arg11 : memref<4000xi32, #tpu.memory_space<vmem>>)
      %dma_wait3A_285 = tpu.memref_slice %arg4[%mul3A_282] : memref<40000xi32, #tpu.memory_space<hbm>> -> memref<4000xi32, #tpu.memory_space<hbm>>
      %dma_wait3A_286 = tpu.memref_slice %arg4[%mul3A_282] : memref<40000xi32, #tpu.memory_space<hbm>> -> memref<4000xi32, #tpu.memory_space<hbm>>
      tpu.wait_dma2 semaphore(%arg22 : memref<!tpu.dma_semaphore, #tpu.memory_space<semaphore_mem>>) src(%dma_wait3A_286 : memref<4000xi32, #tpu.memory_space<hbm>>) dst(%arg12 : memref<4000xi32, #tpu.memory_space<vmem>>)
      %dma_wait3A_287 = tpu.memref_slice %arg5[%mul3A_282] : memref<40000xi32, #tpu.memory_space<hbm>> -> memref<4000xi32, #tpu.memory_space<hbm>>
      %dma_wait3A_288 = tpu.memref_slice %arg5[%mul3A_282] : memref<40000xi32, #tpu.memory_space<hbm>> -> memref<4000xi32, #tpu.memory_space<hbm>>
      tpu.wait_dma2 semaphore(%arg22 : memref<!tpu.dma_semaphore, #tpu.memory_space<semaphore_mem>>) src(%dma_wait3A_288 : memref<4000xi32, #tpu.memory_space<hbm>>) dst(%arg13 : memref<4000xi32, #tpu.memory_space<vmem>>)
      %add3A_289 = arith.constant 2 : i32
      %add3A_290 = arith.addi %add3A_256, %add3A_289 : i32
      %lt3A_291 = arith.constant 10 : i32
      %lt3A_292 = arith.cmpi slt, %add3A_290, %lt3A_291 : i32
      %convert_element_type3A_293 = arith.extui %lt3A_292 : i1 to i32
      %cond3A_294 = arith.constant 0 : i32
      %cond3A_295 = arith.cmpi ne, %convert_element_type3A_293, %cond3A_294 : i32
      scf.if %cond3A_295 {
        %add3A_305 = arith.constant 2 : i32
        %add3A_306 = arith.addi %add3A_256, %add3A_305 : i32
        %mul3A_307 = arith.constant 4000 : i32
        %mul3A_308 = arith.muli %add3A_306, %mul3A_307 : i32
        %dma_start3A_309 = tpu.memref_slice %arg3[%mul3A_308] : memref<40000xi32, #tpu.memory_space<hbm>> -> memref<4000xi32, #tpu.memory_space<hbm>>
        %dma_start3A_310 = tpu.memref_slice %arg3[%mul3A_308] : memref<40000xi32, #tpu.memory_space<hbm>> -> memref<4000xi32, #tpu.memory_space<hbm>>
        tpu.enqueue_dma source(%dma_start3A_310 : memref<4000xi32, #tpu.memory_space<hbm>>) target(%arg8 : memref<4000xi32, #tpu.memory_space<vmem>>) target_semaphore(%arg21 : memref<!tpu.dma_semaphore, #tpu.memory_space<semaphore_mem>>)
        %dma_start3A_311 = tpu.memref_slice %arg4[%mul3A_308] : memref<40000xi32, #tpu.memory_space<hbm>> -> memref<4000xi32, #tpu.memory_space<hbm>>
        %dma_start3A_312 = tpu.memref_slice %arg4[%mul3A_308] : memref<40000xi32, #tpu.memory_space<hbm>> -> memref<4000xi32, #tpu.memory_space<hbm>>
        tpu.enqueue_dma source(%dma_start3A_312 : memref<4000xi32, #tpu.memory_space<hbm>>) target(%arg9 : memref<4000xi32, #tpu.memory_space<vmem>>) target_semaphore(%arg21 : memref<!tpu.dma_semaphore, #tpu.memory_space<semaphore_mem>>)
        %dma_start3A_313 = tpu.memref_slice %arg5[%mul3A_308] : memref<40000xi32, #tpu.memory_space<hbm>> -> memref<4000xi32, #tpu.memory_space<hbm>>
        %dma_start3A_314 = tpu.memref_slice %arg5[%mul3A_308] : memref<40000xi32, #tpu.memory_space<hbm>> -> memref<4000xi32, #tpu.memory_space<hbm>>
        tpu.enqueue_dma source(%dma_start3A_314 : memref<4000xi32, #tpu.memory_space<hbm>>) target(%arg10 : memref<4000xi32, #tpu.memory_space<vmem>>) target_semaphore(%arg21 : memref<!tpu.dma_semaphore, #tpu.memory_space<semaphore_mem>>)
      } else {
      }
      %add3A_296 = arith.constant 1 : i32
      %add3A_297 = arith.addi %add3A_256, %add3A_296 : i32
      %mul3A_298 = arith.constant 4000 : i32
      %mul3A_299 = arith.muli %add3A_297, %mul3A_298 : i32
      %scan3A_300 = arith.constant 0 : i32
      %scan3A_301 = arith.constant 50 : i32
      %scan3A_302 = arith.addi %scan3A_300, %scan3A_301 : i32
      %scan3A_303 = arith.constant 1 : i32
      scf.for %scan3A_305 = %scan3A_300 to %scan3A_302 step %scan3A_303  : i32 {
        %mul3A_306 = arith.constant 1 : i32
        %mul3A_307 = arith.muli %scan3A_305, %mul3A_306 : i32
        %add3A_308 = arith.constant 0 : i32
        %add3A_309 = arith.addi %add3A_308, %mul3A_307 : i32
        %mul3A_310 = arith.constant 5 : i32
        %mul3A_311 = arith.muli %add3A_309, %mul3A_310 : i32
        %add3A_312 = arith.constant 0 : i32
        %add3A_313 = arith.addi %mul3A_311, %add3A_312 : i32
        %mul3A_314 = arith.constant 16 : i32
        %mul3A_315 = arith.muli %add3A_313, %mul3A_314 : i32
        %get3A = arith.index_cast %mul3A_315 : i32 to index
        %get3A_316 = tpu.vector_load %arg11[%get3A] {strides = array<i32>} : memref<4000xi32, #tpu.memory_space<vmem>>, vector<16xi32>,
        %add3A_317 = arith.constant 1 : i32
        %add3A_318 = arith.addi %mul3A_311, %add3A_317 : i32
        %mul3A_319 = arith.constant 16 : i32
        %mul3A_320 = arith.muli %add3A_318, %mul3A_319 : i32
        %get3A_321 = arith.index_cast %mul3A_320 : i32 to index
        %get3A_322 = tpu.vector_load %arg11[%get3A_321] {strides = array<i32>} : memref<4000xi32, #tpu.memory_space<vmem>>, vector<16xi32>,
        %add3A_323 = arith.constant 2 : i32
        %add3A_324 = arith.addi %mul3A_311, %add3A_323 : i32
        %mul3A_325 = arith.constant 16 : i32
        %mul3A_326 = arith.muli %add3A_324, %mul3A_325 : i32
        %get3A_327 = arith.index_cast %mul3A_326 : i32 to index
        %get3A_328 = tpu.vector_load %arg11[%get3A_327] {strides = array<i32>} : memref<4000xi32, #tpu.memory_space<vmem>>, vector<16xi32>,
        %add3A_329 = arith.constant 3 : i32
        %add3A_330 = arith.addi %mul3A_311, %add3A_329 : i32
        %mul3A_331 = arith.constant 16 : i32
        %mul3A_332 = arith.muli %add3A_330, %mul3A_331 : i32
        %get3A_333 = arith.index_cast %mul3A_332 : i32 to index
        %get3A_334 = tpu.vector_load %arg11[%get3A_333] {strides = array<i32>} : memref<4000xi32, #tpu.memory_space<vmem>>, vector<16xi32>,
        %add3A_335 = arith.constant 4 : i32
        %add3A_336 = arith.addi %mul3A_311, %add3A_335 : i32
        %mul3A_337 = arith.constant 16 : i32
        %mul3A_338 = arith.muli %add3A_336, %mul3A_337 : i32
        %get3A_339 = arith.index_cast %mul3A_338 : i32 to index
        %get3A_340 = tpu.vector_load %arg11[%get3A_339] {strides = array<i32>} : memref<4000xi32, #tpu.memory_space<vmem>>, vector<16xi32>,
        %add3A_341 = arith.constant 0 : i32
        %add3A_342 = arith.addi %mul3A_311, %add3A_341 : i32
        %mul3A_343 = arith.constant 16 : i32
        %mul3A_344 = arith.muli %add3A_342, %mul3A_343 : i32
        %get3A_345 = arith.index_cast %mul3A_344 : i32 to index
        %get3A_346 = tpu.vector_load %arg12[%get3A_345] {strides = array<i32>} : memref<4000xi32, #tpu.memory_space<vmem>>, vector<16xi32>,
        %add3A_347 = arith.constant 1 : i32
        %add3A_348 = arith.addi %mul3A_311, %add3A_347 : i32
        %mul3A_349 = arith.constant 16 : i32
        %mul3A_350 = arith.muli %add3A_348, %mul3A_349 : i32
        %get3A_351 = arith.index_cast %mul3A_350 : i32 to index
        %get3A_352 = tpu.vector_load %arg12[%get3A_351] {strides = array<i32>} : memref<4000xi32, #tpu.memory_space<vmem>>, vector<16xi32>,
        %add3A_353 = arith.constant 2 : i32
        %add3A_354 = arith.addi %mul3A_311, %add3A_353 : i32
        %mul3A_355 = arith.constant 16 : i32
        %mul3A_356 = arith.muli %add3A_354, %mul3A_355 : i32
        %get3A_357 = arith.index_cast %mul3A_356 : i32 to index
        %get3A_358 = tpu.vector_load %arg12[%get3A_357] {strides = array<i32>} : memref<4000xi32, #tpu.memory_space<vmem>>, vector<16xi32>,
        %add3A_359 = arith.constant 3 : i32
        %add3A_360 = arith.addi %mul3A_311, %add3A_359 : i32
        %mul3A_361 = arith.constant 16 : i32
        %mul3A_362 = arith.muli %add3A_360, %mul3A_361 : i32
        %get3A_363 = arith.index_cast %mul3A_362 : i32 to index
        %get3A_364 = tpu.vector_load %arg12[%get3A_363] {strides = array<i32>} : memref<4000xi32, #tpu.memory_space<vmem>>, vector<16xi32>,
        %add3A_365 = arith.constant 4 : i32
        %add3A_366 = arith.addi %mul3A_311, %add3A_365 : i32
        %mul3A_367 = arith.constant 16 : i32
        %mul3A_368 = arith.muli %add3A_366, %mul3A_367 : i32
        %get3A_369 = arith.index_cast %mul3A_368 : i32 to index
        %get3A_370 = tpu.vector_load %arg12[%get3A_369] {strides = array<i32>} : memref<4000xi32, #tpu.memory_space<vmem>>, vector<16xi32>,
        %add3A_371 = arith.constant 0 : i32
        %add3A_372 = arith.addi %mul3A_311, %add3A_371 : i32
        %mul3A_373 = arith.constant 16 : i32
        %mul3A_374 = arith.muli %add3A_372, %mul3A_373 : i32
        %get3A_375 = arith.index_cast %mul3A_374 : i32 to index
        %get3A_376 = tpu.vector_load %arg13[%get3A_375] {strides = array<i32>} : memref<4000xi32, #tpu.memory_space<vmem>>, vector<16xi32>,
        %add3A_377 = arith.constant 1 : i32
        %add3A_378 = arith.addi %mul3A_311, %add3A_377 : i32
        %mul3A_379 = arith.constant 16 : i32
        %mul3A_380 = arith.muli %add3A_378, %mul3A_379 : i32
        %get3A_381 = arith.index_cast %mul3A_380 : i32 to index
        %get3A_382 = tpu.vector_load %arg13[%get3A_381] {strides = array<i32>} : memref<4000xi32, #tpu.memory_space<vmem>>, vector<16xi32>,
        %add3A_383 = arith.constant 2 : i32
        %add3A_384 = arith.addi %mul3A_311, %add3A_383 : i32
        %mul3A_385 = arith.constant 16 : i32
        %mul3A_386 = arith.muli %add3A_384, %mul3A_385 : i32
        %get3A_387 = arith.index_cast %mul3A_386 : i32 to index
        %get3A_388 = tpu.vector_load %arg13[%get3A_387] {strides = array<i32>} : memref<4000xi32, #tpu.memory_space<vmem>>, vector<16xi32>,
        %add3A_389 = arith.constant 3 : i32
        %add3A_390 = arith.addi %mul3A_311, %add3A_389 : i32
        %mul3A_391 = arith.constant 16 : i32
        %mul3A_392 = arith.muli %add3A_390, %mul3A_391 : i32
        %get3A_393 = arith.index_cast %mul3A_392 : i32 to index
        %get3A_394 = tpu.vector_load %arg13[%get3A_393] {strides = array<i32>} : memref<4000xi32, #tpu.memory_space<vmem>>, vector<16xi32>,
        %add3A_395 = arith.constant 4 : i32
        %add3A_396 = arith.addi %mul3A_311, %add3A_395 : i32
        %mul3A_397 = arith.constant 16 : i32
        %mul3A_398 = arith.muli %add3A_396, %mul3A_397 : i32
        %get3A_399 = arith.index_cast %mul3A_398 : i32 to index
        %get3A_400 = tpu.vector_load %arg13[%get3A_399] {strides = array<i32>} : memref<4000xi32, #tpu.memory_space<vmem>>, vector<16xi32>,
        %mul3A_401 = arith.constant 512 : i32
        %mul3A_402 = vector.broadcast %mul3A_401 : i32 to vector<16xi32>
        %mul3A_403 = arith.muli %get3A_346, %mul3A_402 : vector<16xi32>
        %add3A_404 = arith.addi %get3A_316, %mul3A_403 : vector<16xi32>
        %add3A_405 = arith.addi %add3A_404, %get3A_376 : vector<16xi32>
        %sub3A_406 = vector.broadcast %mul3A_2 : i32 to vector<16xi32>
        %sub3A_407 = arith.subi %add3A_405, %sub3A_406 : vector<16xi32>
        %mul3A_408 = arith.constant 512 : i32
        %mul3A_409 = vector.broadcast %mul3A_408 : i32 to vector<16xi32>
        %mul3A_410 = arith.muli %get3A_352, %mul3A_409 : vector<16xi32>
        %add3A_411 = arith.addi %get3A_322, %mul3A_410 : vector<16xi32>
        %add3A_412 = arith.addi %add3A_411, %get3A_382 : vector<16xi32>
        %sub3A_413 = vector.broadcast %mul3A_2 : i32 to vector<16xi32>
        %sub3A_414 = arith.subi %add3A_412, %sub3A_413 : vector<16xi32>
        %mul3A_415 = arith.constant 512 : i32
        %mul3A_416 = vector.broadcast %mul3A_415 : i32 to vector<16xi32>
        %mul3A_417 = arith.muli %get3A_358, %mul3A_416 : vector<16xi32>
        %add3A_418 = arith.addi %get3A_328, %mul3A_417 : vector<16xi32>
        %add3A_419 = arith.addi %add3A_418, %get3A_388 : vector<16xi32>
        %sub3A_420 = vector.broadcast %mul3A_2 : i32 to vector<16xi32>
        %sub3A_421 = arith.subi %add3A_419, %sub3A_420 : vector<16xi32>
        %mul3A_422 = arith.constant 512 : i32
        %mul3A_423 = vector.broadcast %mul3A_422 : i32 to vector<16xi32>
        %mul3A_424 = arith.muli %get3A_364, %mul3A_423 : vector<16xi32>
        %add3A_425 = arith.addi %get3A_334, %mul3A_424 : vector<16xi32>
        %add3A_426 = arith.addi %add3A_425, %get3A_394 : vector<16xi32>
        %sub3A_427 = vector.broadcast %mul3A_2 : i32 to vector<16xi32>
        %sub3A_428 = arith.subi %add3A_426, %sub3A_427 : vector<16xi32>
        %mul3A_429 = arith.constant 512 : i32
        %mul3A_430 = vector.broadcast %mul3A_429 : i32 to vector<16xi32>
        %mul3A_431 = arith.muli %get3A_370, %mul3A_430 : vector<16xi32>
        %add3A_432 = arith.addi %get3A_340, %mul3A_431 : vector<16xi32>
        %add3A_433 = arith.addi %add3A_432, %get3A_400 : vector<16xi32>
        %sub3A_434 = vector.broadcast %mul3A_2 : i32 to vector<16xi32>
        %sub3A_435 = arith.subi %add3A_433, %sub3A_434 : vector<16xi32>
        %ge3A = arith.constant 0 : i32
        %ge3A_436 = vector.broadcast %ge3A : i32 to vector<16xi32>
        %ge3A_437 = arith.cmpi sge, %sub3A_407, %ge3A_436 : vector<16xi32>
        %lt3A_438 = arith.constant 8192 : i32
        %lt3A_439 = vector.broadcast %lt3A_438 : i32 to vector<16xi32>
        %lt3A_440 = arith.cmpi slt, %sub3A_407, %lt3A_439 : vector<16xi32>
        %and3A_441 = arith.andi %ge3A_437, %lt3A_440 : vector<16xi1>
        %ge3A_442 = arith.constant 0 : i32
        %ge3A_443 = vector.broadcast %ge3A_442 : i32 to vector<16xi32>
        %ge3A_444 = arith.cmpi sge, %sub3A_414, %ge3A_443 : vector<16xi32>
        %lt3A_445 = arith.constant 8192 : i32
        %lt3A_446 = vector.broadcast %lt3A_445 : i32 to vector<16xi32>
        %lt3A_447 = arith.cmpi slt, %sub3A_414, %lt3A_446 : vector<16xi32>
        %and3A_448 = arith.andi %ge3A_444, %lt3A_447 : vector<16xi1>
        %ge3A_449 = arith.constant 0 : i32
        %ge3A_450 = vector.broadcast %ge3A_449 : i32 to vector<16xi32>
        %ge3A_451 = arith.cmpi sge, %sub3A_421, %ge3A_450 : vector<16xi32>
        %lt3A_452 = arith.constant 8192 : i32
        %lt3A_453 = vector.broadcast %lt3A_452 : i32 to vector<16xi32>
        %lt3A_454 = arith.cmpi slt, %sub3A_421, %lt3A_453 : vector<16xi32>
        %and3A_455 = arith.andi %ge3A_451, %lt3A_454 : vector<16xi1>
        %ge3A_456 = arith.constant 0 : i32
        %ge3A_457 = vector.broadcast %ge3A_456 : i32 to vector<16xi32>
        %ge3A_458 = arith.cmpi sge, %sub3A_428, %ge3A_457 : vector<16xi32>
        %lt3A_459 = arith.constant 8192 : i32
        %lt3A_460 = vector.broadcast %lt3A_459 : i32 to vector<16xi32>
        %lt3A_461 = arith.cmpi slt, %sub3A_428, %lt3A_460 : vector<16xi32>
        %and3A_462 = arith.andi %ge3A_458, %lt3A_461 : vector<16xi1>
        %ge3A_463 = arith.constant 0 : i32
        %ge3A_464 = vector.broadcast %ge3A_463 : i32 to vector<16xi32>
        %ge3A_465 = arith.cmpi sge, %sub3A_435, %ge3A_464 : vector<16xi32>
        %lt3A_466 = arith.constant 8192 : i32
        %lt3A_467 = vector.broadcast %lt3A_466 : i32 to vector<16xi32>
        %lt3A_468 = arith.cmpi slt, %sub3A_435, %lt3A_467 : vector<16xi32>
        %and3A_469 = arith.andi %ge3A_465, %lt3A_468 : vector<16xi1>
        %add3A_470 = arith.constant 0 : i32
        %add3A_471 = arith.addi %mul3A_311, %add3A_470 : i32
        %mul3A_472 = arith.constant 16 : i32
        %mul3A_473 = arith.muli %add3A_471, %mul3A_472 : i32
        %add3A_474 = arith.addi %mul3A_299, %mul3A_473 : i32
        %add3A_475 = vector.broadcast %add3A_474 : i32 to vector<16xi32>
        %add3A_476 = arith.addi %add3A_475, %iota3A : vector<16xi32>
        %add3A_477 = arith.constant 1 : i32
        %add3A_478 = arith.addi %mul3A_311, %add3A_477 : i32
        %mul3A_479 = arith.constant 16 : i32
        %mul3A_480 = arith.muli %add3A_478, %mul3A_479 : i32
        %add3A_481 = arith.addi %mul3A_299, %mul3A_480 : i32
        %add3A_482 = vector.broadcast %add3A_481 : i32 to vector<16xi32>
        %add3A_483 = arith.addi %add3A_482, %iota3A : vector<16xi32>
        %add3A_484 = arith.constant 2 : i32
        %add3A_485 = arith.addi %mul3A_311, %add3A_484 : i32
        %mul3A_486 = arith.constant 16 : i32
        %mul3A_487 = arith.muli %add3A_485, %mul3A_486 : i32
        %add3A_488 = arith.addi %mul3A_299, %mul3A_487 : i32
        %add3A_489 = vector.broadcast %add3A_488 : i32 to vector<16xi32>
        %add3A_490 = arith.addi %add3A_489, %iota3A : vector<16xi32>
        %add3A_491 = arith.constant 3 : i32
        %add3A_492 = arith.addi %mul3A_311, %add3A_491 : i32
        %mul3A_493 = arith.constant 16 : i32
        %mul3A_494 = arith.muli %add3A_492, %mul3A_493 : i32
        %add3A_495 = arith.addi %mul3A_299, %mul3A_494 : i32
        %add3A_496 = vector.broadcast %add3A_495 : i32 to vector<16xi32>
        %add3A_497 = arith.addi %add3A_496, %iota3A : vector<16xi32>
        %add3A_498 = arith.constant 4 : i32
        %add3A_499 = arith.addi %mul3A_311, %add3A_498 : i32
        %mul3A_500 = arith.constant 16 : i32
        %mul3A_501 = arith.muli %add3A_499, %mul3A_500 : i32
        %add3A_502 = arith.addi %mul3A_299, %mul3A_501 : i32
        %add3A_503 = vector.broadcast %add3A_502 : i32 to vector<16xi32>
        %add3A_504 = arith.addi %add3A_503, %iota3A : vector<16xi32>
        tpu.vector_store_idx %arg14[%sub3A_407], %add3A_476 masked %and3A_441 : memref<8192xi32, #tpu.memory_space<vmem>>[vector<16xi32>], vector<16xi32>, vector<16xi1>
        tpu.vector_store_idx %arg14[%sub3A_414], %add3A_483 masked %and3A_448 : memref<8192xi32, #tpu.memory_space<vmem>>[vector<16xi32>], vector<16xi32>, vector<16xi1>
        tpu.vector_store_idx %arg14[%sub3A_421], %add3A_490 masked %and3A_455 : memref<8192xi32, #tpu.memory_space<vmem>>[vector<16xi32>], vector<16xi32>, vector<16xi1>
        tpu.vector_store_idx %arg14[%sub3A_428], %add3A_497 masked %and3A_462 : memref<8192xi32, #tpu.memory_space<vmem>>[vector<16xi32>], vector<16xi32>, vector<16xi1>
        tpu.vector_store_idx %arg14[%sub3A_435], %add3A_504 masked %and3A_469 : memref<8192xi32, #tpu.memory_space<vmem>>[vector<16xi32>], vector<16xi32>, vector<16xi1>
        %gather3A = tpu.vector_load_idx %arg14[%sub3A_407] masked %and3A_441 : memref<8192xi32, #tpu.memory_space<vmem>>[vector<16xi32>], vector<16xi32>, vector<16xi1>
        %gather3A_505 = tpu.vector_load_idx %arg14[%sub3A_414] masked %and3A_448 : memref<8192xi32, #tpu.memory_space<vmem>>[vector<16xi32>], vector<16xi32>, vector<16xi1>
        %gather3A_506 = tpu.vector_load_idx %arg14[%sub3A_421] masked %and3A_455 : memref<8192xi32, #tpu.memory_space<vmem>>[vector<16xi32>], vector<16xi32>, vector<16xi1>
        %gather3A_507 = tpu.vector_load_idx %arg14[%sub3A_428] masked %and3A_462 : memref<8192xi32, #tpu.memory_space<vmem>>[vector<16xi32>], vector<16xi32>, vector<16xi1>
        %gather3A_508 = tpu.vector_load_idx %arg14[%sub3A_435] masked %and3A_469 : memref<8192xi32, #tpu.memory_space<vmem>>[vector<16xi32>], vector<16xi32>, vector<16xi1>
        %gt3A_509 = arith.cmpi sgt, %add3A_476, %gather3A : vector<16xi32>
        %and3A_510 = arith.andi %and3A_441, %gt3A_509 : vector<16xi1>
        tpu.vector_store_idx %arg14[%sub3A_407], %add3A_476 masked %and3A_510 : memref<8192xi32, #tpu.memory_space<vmem>>[vector<16xi32>], vector<16xi32>, vector<16xi1>
        %gt3A_511 = arith.cmpi sgt, %add3A_483, %gather3A_505 : vector<16xi32>
        %and3A_512 = arith.andi %and3A_448, %gt3A_511 : vector<16xi1>
        tpu.vector_store_idx %arg14[%sub3A_414], %add3A_483 masked %and3A_512 : memref<8192xi32, #tpu.memory_space<vmem>>[vector<16xi32>], vector<16xi32>, vector<16xi1>
        %gt3A_513 = arith.cmpi sgt, %add3A_490, %gather3A_506 : vector<16xi32>
        %and3A_514 = arith.andi %and3A_455, %gt3A_513 : vector<16xi1>
        tpu.vector_store_idx %arg14[%sub3A_421], %add3A_490 masked %and3A_514 : memref<8192xi32, #tpu.memory_space<vmem>>[vector<16xi32>], vector<16xi32>, vector<16xi1>
        %gt3A_515 = arith.cmpi sgt, %add3A_497, %gather3A_507 : vector<16xi32>
        %and3A_516 = arith.andi %and3A_462, %gt3A_515 : vector<16xi1>
        tpu.vector_store_idx %arg14[%sub3A_428], %add3A_497 masked %and3A_516 : memref<8192xi32, #tpu.memory_space<vmem>>[vector<16xi32>], vector<16xi32>, vector<16xi1>
        %gt3A_517 = arith.cmpi sgt, %add3A_504, %gather3A_508 : vector<16xi32>
        %and3A_518 = arith.andi %and3A_469, %gt3A_517 : vector<16xi1>
        tpu.vector_store_idx %arg14[%sub3A_435], %add3A_504 masked %and3A_518 : memref<8192xi32, #tpu.memory_space<vmem>>[vector<16xi32>], vector<16xi32>, vector<16xi1>
        %gather3A_519 = tpu.vector_load_idx %arg14[%sub3A_407] masked %and3A_441 : memref<8192xi32, #tpu.memory_space<vmem>>[vector<16xi32>], vector<16xi32>, vector<16xi1>
        %gather3A_520 = tpu.vector_load_idx %arg14[%sub3A_414] masked %and3A_448 : memref<8192xi32, #tpu.memory_space<vmem>>[vector<16xi32>], vector<16xi32>, vector<16xi1>
        %gather3A_521 = tpu.vector_load_idx %arg14[%sub3A_421] masked %and3A_455 : memref<8192xi32, #tpu.memory_space<vmem>>[vector<16xi32>], vector<16xi32>, vector<16xi1>
        %gather3A_522 = tpu.vector_load_idx %arg14[%sub3A_428] masked %and3A_462 : memref<8192xi32, #tpu.memory_space<vmem>>[vector<16xi32>], vector<16xi32>, vector<16xi1>
        %gather3A_523 = tpu.vector_load_idx %arg14[%sub3A_435] masked %and3A_469 : memref<8192xi32, #tpu.memory_space<vmem>>[vector<16xi32>], vector<16xi32>, vector<16xi1>
        %gt3A_524 = arith.cmpi sgt, %add3A_476, %gather3A_519 : vector<16xi32>
        %and3A_525 = arith.andi %and3A_441, %gt3A_524 : vector<16xi1>
        tpu.vector_store_idx %arg14[%sub3A_407], %add3A_476 masked %and3A_525 : memref<8192xi32, #tpu.memory_space<vmem>>[vector<16xi32>], vector<16xi32>, vector<16xi1>
        %gt3A_526 = arith.cmpi sgt, %add3A_483, %gather3A_520 : vector<16xi32>
        %and3A_527 = arith.andi %and3A_448, %gt3A_526 : vector<16xi1>
        tpu.vector_store_idx %arg14[%sub3A_414], %add3A_483 masked %and3A_527 : memref<8192xi32, #tpu.memory_space<vmem>>[vector<16xi32>], vector<16xi32>, vector<16xi1>
        %gt3A_528 = arith.cmpi sgt, %add3A_490, %gather3A_521 : vector<16xi32>
        %and3A_529 = arith.andi %and3A_455, %gt3A_528 : vector<16xi1>
        tpu.vector_store_idx %arg14[%sub3A_421], %add3A_490 masked %and3A_529 : memref<8192xi32, #tpu.memory_space<vmem>>[vector<16xi32>], vector<16xi32>, vector<16xi1>
        %gt3A_530 = arith.cmpi sgt, %add3A_497, %gather3A_522 : vector<16xi32>
        %and3A_531 = arith.andi %and3A_462, %gt3A_530 : vector<16xi1>
        tpu.vector_store_idx %arg14[%sub3A_428], %add3A_497 masked %and3A_531 : memref<8192xi32, #tpu.memory_space<vmem>>[vector<16xi32>], vector<16xi32>, vector<16xi1>
        %gt3A_532 = arith.cmpi sgt, %add3A_504, %gather3A_523 : vector<16xi32>
        %and3A_533 = arith.andi %and3A_469, %gt3A_532 : vector<16xi1>
        tpu.vector_store_idx %arg14[%sub3A_435], %add3A_504 masked %and3A_533 : memref<8192xi32, #tpu.memory_space<vmem>>[vector<16xi32>], vector<16xi32>, vector<16xi1>
      }
      %scan3A_304 = arith.constant 50 : i32
    }
    %scan3A_101 = arith.constant 5 : i32
    "tpu.trace_stop"() : () -> ()
    "tpu.trace_start"() <{level = 10 : i32, message = "compact"}> : () -> ()
    %scan3A_102 = arith.constant 0 : i32
    %scan3A_103 = arith.constant 0 : i32
    %scan3A_104 = arith.constant 512 : i32
    %scan3A_105 = arith.addi %scan3A_103, %scan3A_104 : i32
    %scan3A_106 = arith.constant 2 : i32
    %scan3A_107 = scf.for %scan3A_252 = %scan3A_103 to %scan3A_105 step %scan3A_106 iter_args(%scan3A_253 = %scan3A_102) -> (i32)  : i32 {
      %mul3A_254 = arith.constant 16 : i32
      %mul3A_255 = arith.muli %scan3A_252, %mul3A_254 : i32
      %get3A = arith.index_cast %mul3A_255 : i32 to index
      %get3A_256 = tpu.vector_load %arg14[%get3A] {strides = array<i32>} : memref<8192xi32, #tpu.memory_space<vmem>>, vector<16xi32>,
      %ge3A = arith.constant 0 : i32
      %ge3A_257 = vector.broadcast %ge3A : i32 to vector<16xi32>
      %ge3A_258 = arith.cmpi sge, %get3A_256, %ge3A_257 : vector<16xi32>
      %convert_element_type3A_259 = arith.extui %ge3A_258 : vector<16xi1> to vector<16xi32>
      %mul3A_260 = arith.constant 16 : i32
      %mul3A_261 = arith.muli %scan3A_252, %mul3A_260 : i32
      %add3A_262 = arith.addi %mul3A_2, %mul3A_261 : i32
      %add3A_263 = vector.broadcast %add3A_262 : i32 to vector<16xi32>
      %add3A_264 = arith.addi %add3A_263, %iota3A : vector<16xi32>
      %broadcast_in_dim3A_265 = arith.constant true
      %broadcast_in_dim3A_266 = vector.broadcast %broadcast_in_dim3A_265 : i1 to vector<16xi1>
      %masked_cumsum3A = tpu.scan <sum>, %convert_element_type3A_259 masked %broadcast_in_dim3A_266 : vector<16xi32>, vector<16xi1> -> vector<16xi32>
      %add3A_267 = vector.broadcast %scan3A_253 : i32 to vector<16xi32>
      %add3A_268 = arith.addi %add3A_267, %masked_cumsum3A : vector<16xi32>
      %sub3A_269 = arith.constant 1 : i32
      %sub3A_270 = vector.broadcast %sub3A_269 : i32 to vector<16xi32>
      %sub3A_271 = arith.subi %add3A_268, %sub3A_270 : vector<16xi32>
      tpu.vector_store_idx %arg15[%sub3A_271], %get3A_256 masked %ge3A_258 : memref<8208xi32, #tpu.memory_space<vmem>>[vector<16xi32>], vector<16xi32>, vector<16xi1>
      %shift_right_arithmetic3A = arith.constant 7 : i32
      %shift_right_arithmetic3A_272 = vector.broadcast %shift_right_arithmetic3A : i32 to vector<16xi32>
      %shift_right_arithmetic3A_273 = arith.shrsi %sub3A_271, %shift_right_arithmetic3A_272 : vector<16xi32>
      %and3A_274 = arith.constant 127 : i32
      %and3A_275 = vector.broadcast %and3A_274 : i32 to vector<16xi32>
      %and3A_276 = arith.andi %sub3A_271, %and3A_275 : vector<16xi32>
      tpu.vector_store_idx %arg16[%shift_right_arithmetic3A_273, %and3A_276], %add3A_264 masked %ge3A_258 : memref<65x128xi32, #tpu.memory_space<vmem>>[vector<16xi32>, vector<16xi32>], vector<16xi32>, vector<16xi1>
      %reduce_sum3A = arith.constant true
      %reduce_sum3A_277 = vector.broadcast %reduce_sum3A : i1 to vector<16xi1>
      %reduce_sum3A_278 = tpu.scan <sum>, %convert_element_type3A_259 masked %reduce_sum3A_277 : vector<16xi32>, vector<16xi1> -> vector<16xi32>
      %reduce_sum3A_279 = vector.extract %reduce_sum3A_278[15] : i32 from vector<16xi32>
      %add3A_280 = arith.addi %scan3A_253, %reduce_sum3A_279 : i32
      %scan3A_281 = arith.constant 1 : i32
      %scan3A_282 = arith.addi %scan3A_252, %scan3A_281 : i32
      %mul3A_283 = arith.constant 16 : i32
      %mul3A_284 = arith.muli %scan3A_282, %mul3A_283 : i32
      %get3A_285 = arith.index_cast %mul3A_284 : i32 to index
      %get3A_286 = tpu.vector_load %arg14[%get3A_285] {strides = array<i32>} : memref<8192xi32, #tpu.memory_space<vmem>>, vector<16xi32>,
      %ge3A_287 = arith.constant 0 : i32
      %ge3A_288 = vector.broadcast %ge3A_287 : i32 to vector<16xi32>
      %ge3A_289 = arith.cmpi sge, %get3A_286, %ge3A_288 : vector<16xi32>
      %convert_element_type3A_290 = arith.extui %ge3A_289 : vector<16xi1> to vector<16xi32>
      %mul3A_291 = arith.constant 16 : i32
      %mul3A_292 = arith.muli %scan3A_282, %mul3A_291 : i32
      %add3A_293 = arith.addi %mul3A_2, %mul3A_292 : i32
      %add3A_294 = vector.broadcast %add3A_293 : i32 to vector<16xi32>
      %add3A_295 = arith.addi %add3A_294, %iota3A : vector<16xi32>
      %broadcast_in_dim3A_296 = arith.constant true
      %broadcast_in_dim3A_297 = vector.broadcast %broadcast_in_dim3A_296 : i1 to vector<16xi1>
      %masked_cumsum3A_298 = tpu.scan <sum>, %convert_element_type3A_290 masked %broadcast_in_dim3A_297 : vector<16xi32>, vector<16xi1> -> vector<16xi32>
      %add3A_299 = vector.broadcast %add3A_280 : i32 to vector<16xi32>
      %add3A_300 = arith.addi %add3A_299, %masked_cumsum3A_298 : vector<16xi32>
      %sub3A_301 = arith.constant 1 : i32
      %sub3A_302 = vector.broadcast %sub3A_301 : i32 to vector<16xi32>
      %sub3A_303 = arith.subi %add3A_300, %sub3A_302 : vector<16xi32>
      tpu.vector_store_idx %arg15[%sub3A_303], %get3A_286 masked %ge3A_289 : memref<8208xi32, #tpu.memory_space<vmem>>[vector<16xi32>], vector<16xi32>, vector<16xi1>
      %shift_right_arithmetic3A_304 = arith.constant 7 : i32
      %shift_right_arithmetic3A_305 = vector.broadcast %shift_right_arithmetic3A_304 : i32 to vector<16xi32>
      %shift_right_arithmetic3A_306 = arith.shrsi %sub3A_303, %shift_right_arithmetic3A_305 : vector<16xi32>
      %and3A_307 = arith.constant 127 : i32
      %and3A_308 = vector.broadcast %and3A_307 : i32 to vector<16xi32>
      %and3A_309 = arith.andi %sub3A_303, %and3A_308 : vector<16xi32>
      tpu.vector_store_idx %arg16[%shift_right_arithmetic3A_306, %and3A_309], %add3A_295 masked %ge3A_289 : memref<65x128xi32, #tpu.memory_space<vmem>>[vector<16xi32>, vector<16xi32>], vector<16xi32>, vector<16xi1>
      %reduce_sum3A_310 = arith.constant true
      %reduce_sum3A_311 = vector.broadcast %reduce_sum3A_310 : i1 to vector<16xi1>
      %reduce_sum3A_312 = tpu.scan <sum>, %convert_element_type3A_290 masked %reduce_sum3A_311 : vector<16xi32>, vector<16xi1> -> vector<16xi32>
      %reduce_sum3A_313 = vector.extract %reduce_sum3A_312[15] : i32 from vector<16xi32>
      %add3A_314 = arith.addi %add3A_280, %reduce_sum3A_313 : i32
      scf.yield %add3A_314 : i32
    }
    %scan3A_108 = arith.constant 512 : i32
    "tpu.trace_stop"() : () -> ()
    %dma_start3A_109 = tpu.memref_slice %arg7[%mul3A_2] : memref<262144xi32, #tpu.memory_space<hbm>> -> memref<8192xi32, #tpu.memory_space<hbm>>
    %dma_start3A_110 = tpu.memref_slice %arg7[%mul3A_2] : memref<262144xi32, #tpu.memory_space<hbm>> -> memref<8192xi32, #tpu.memory_space<hbm>>
    tpu.enqueue_dma source(%arg14 : memref<8192xi32, #tpu.memory_space<vmem>>) target(%dma_start3A_110 : memref<8192xi32, #tpu.memory_space<hbm>>) target_semaphore(%arg21 : memref<!tpu.dma_semaphore, #tpu.memory_space<semaphore_mem>>)
    %add3A_111 = arith.constant 127 : i32
    %add3A_112 = arith.addi %scan3A_107, %add3A_111 : i32
    %jit3A_113 = arith.constant 128 : i32
    %div3A_114 = arith.divsi %add3A_112, %jit3A_113 : i32
    %sign3A_115 = arith.constant 0 : i32
    %sign3A_116 = arith.cmpi sgt, %add3A_112, %sign3A_115 : i32
    %sign3A_117 = arith.extui %sign3A_116 : i1 to i32
    %sign3A_118 = arith.constant 0 : i32
    %sign3A_119 = arith.cmpi slt, %add3A_112, %sign3A_118 : i32
    %sign3A_120 = arith.extui %sign3A_119 : i1 to i32
    %sign3A_121 = arith.subi %sign3A_117, %sign3A_120 : i32
    %sign3A_122 = arith.constant 0 : i32
    %sign3A_123 = arith.cmpi sgt, %jit3A_113, %sign3A_122 : i32
    %sign3A_124 = arith.extui %sign3A_123 : i1 to i32
    %sign3A_125 = arith.constant 0 : i32
    %sign3A_126 = arith.cmpi slt, %jit3A_113, %sign3A_125 : i32
    %sign3A_127 = arith.extui %sign3A_126 : i1 to i32
    %sign3A_128 = arith.subi %sign3A_124, %sign3A_127 : i32
    %ne3A_129 = arith.cmpi ne, %sign3A_121, %sign3A_128 : i32
    %rem3A_130 = arith.remsi %add3A_112, %jit3A_113 : i32
    %ne3A_131 = arith.constant 0 : i32
    %ne3A_132 = arith.cmpi ne, %rem3A_130, %ne3A_131 : i32
    %and3A_133 = arith.andi %ne3A_129, %ne3A_132 : i1
    %sub3A_134 = arith.constant 1 : i32
    %sub3A_135 = arith.subi %div3A_114, %sub3A_134 : i32
    %select_n3A_136 = arith.select %and3A_133, %sub3A_135, %div3A_114 : i32
    %gt3A = arith.constant 0 : i32
    %gt3A_137 = arith.cmpi sgt, %select_n3A_136, %gt3A : i32
    %convert_element_type3A = arith.extui %gt3A_137 : i1 to i32
    %cond3A = arith.constant 0 : i32
    %cond3A_138 = arith.cmpi ne, %convert_element_type3A, %cond3A : i32
    scf.if %cond3A_138 {
      %dma_start3A_252 = arith.constant 0 : i32
      %dma_start3A_253 = tpu.memref_slice %arg15[%dma_start3A_252] : memref<8208xi32, #tpu.memory_space<vmem>> -> memref<128xi32, #tpu.memory_space<vmem>>
      %dma_start3A_254 = arith.constant 0 : i32
      %dma_start3A_255 = arith.constant 0 : i32
      %dma_start3A_256 = tpu.memref_slice %arg2[%dma_start3A_254, %dma_start3A_255] : memref<40000x128xf32, #tpu.memory_space<hbm>> -> memref<40000x128xf32, #tpu.memory_space<hbm>>
      tpu.enqueue_indirect_dma source(%dma_start3A_256 : memref<40000x128xf32, #tpu.memory_space<hbm>>) target(%arg17 : memref<128x128xf32, #tpu.memory_space<vmem>>) offsets(%dma_start3A_253 : memref<128xi32, #tpu.memory_space<vmem>>) semaphore(%arg23 : memref<!tpu.dma_semaphore, #tpu.memory_space<semaphore_mem>>)
    } else {
    }
    %gt3A_139 = arith.constant 1 : i32
    %gt3A_140 = arith.cmpi sgt, %select_n3A_136, %gt3A_139 : i32
    %convert_element_type3A_141 = arith.extui %gt3A_140 : i1 to i32
    %cond3A_142 = arith.constant 0 : i32
    %cond3A_143 = arith.cmpi ne, %convert_element_type3A_141, %cond3A_142 : i32
    scf.if %cond3A_143 {
      %dma_start3A_252 = arith.constant 128 : i32
      %dma_start3A_253 = tpu.memref_slice %arg15[%dma_start3A_252] : memref<8208xi32, #tpu.memory_space<vmem>> -> memref<128xi32, #tpu.memory_space<vmem>>
      %dma_start3A_254 = arith.constant 0 : i32
      %dma_start3A_255 = arith.constant 0 : i32
      %dma_start3A_256 = tpu.memref_slice %arg2[%dma_start3A_254, %dma_start3A_255] : memref<40000x128xf32, #tpu.memory_space<hbm>> -> memref<40000x128xf32, #tpu.memory_space<hbm>>
      tpu.enqueue_indirect_dma source(%dma_start3A_256 : memref<40000x128xf32, #tpu.memory_space<hbm>>) target(%arg18 : memref<128x128xf32, #tpu.memory_space<vmem>>) offsets(%dma_start3A_253 : memref<128xi32, #tpu.memory_space<vmem>>) semaphore(%arg24 : memref<!tpu.dma_semaphore, #tpu.memory_space<semaphore_mem>>)
    } else {
    }
    %while3A = arith.constant 0 : i32
    %while3A_144 = arith.constant 0 : i32
    "tpu.trace_start"() <{level = 10 : i32, message = "rowdma"}> : () -> ()
    %while3A_145 = arith.subi %select_n3A_136, %while3A : i32
    %while3A_146 = arith.addi %while3A, %while3A_145 : i32
    %while3A_147 = arith.constant 1 : i32
    %while3A_148 = arith.divsi %while3A_145, %while3A_147 : i32
    %while3A_149 = arith.muli %while3A_148, %while3A_147 : i32
    %while3A_150 = arith.addi %while3A, %while3A_149 : i32
    %while3A_151 = arith.constant 1 : i32
    %while3A_152 = scf.for %while3A_252 = %while3A to %while3A_150 step %while3A_151 iter_args(%while3A_253 = %while3A_144) -> (i32)  : i32 {
      %jit3A_254 = arith.constant 4 : i32
      %eq3A_255 = arith.constant 0 : i32
      %eq3A_256 = arith.cmpi eq, %jit3A_254, %eq3A_255 : i32
      %jit3A_257 = arith.constant 1 : i32
      %select_n3A_258 = arith.select %eq3A_256, %jit3A_257, %jit3A_254 : i32
      %rem3A_259 = arith.remsi %while3A_252, %select_n3A_258 : i32
      %ne3A_260 = arith.constant 0 : i32
      %ne3A_261 = arith.cmpi ne, %rem3A_259, %ne3A_260 : i32
      %lt3A_262 = arith.constant 0 : i32
      %lt3A_263 = arith.cmpi slt, %rem3A_259, %lt3A_262 : i32
      %lt3A_264 = arith.constant 0 : i32
      %lt3A_265 = arith.cmpi slt, %select_n3A_258, %lt3A_264 : i32
      %ne3A_266 = arith.xori %lt3A_263, %lt3A_265 : i1
      %and3A_267 = arith.andi %ne3A_266, %ne3A_261 : i1
      %add3A_268 = arith.addi %rem3A_259, %select_n3A_258 : i32
      %select_n3A_269 = arith.select %and3A_267, %add3A_268, %rem3A_259 : i32
      %eq3A_270 = arith.constant 0 : i32
      %eq3A_271 = arith.cmpi eq, %select_n3A_269, %eq3A_270 : i32
      %convert_element_type3A_272 = arith.extui %eq3A_271 : i1 to i32
      %cond3A_273 = arith.constant 0 : i32
      %cond3A_274 = arith.cmpi ne, %convert_element_type3A_272, %cond3A_273 : i32
      scf.if %cond3A_274 {
        %mul3A_339 = arith.constant 128 : i32
        %mul3A_340 = arith.muli %while3A_252, %mul3A_339 : i32
        %dma_wait3A_341 = tpu.memref_slice %arg15[%mul3A_340] : memref<8208xi32, #tpu.memory_space<vmem>> -> memref<128xi32, #tpu.memory_space<vmem>>
        %dma_wait3A_342 = arith.constant 0 : i32
        %dma_wait3A_343 = arith.constant 0 : i32
        %dma_wait3A_344 = tpu.memref_slice %arg2[%dma_wait3A_342, %dma_wait3A_343] : memref<40000x128xf32, #tpu.memory_space<hbm>> -> memref<40000x128xf32, #tpu.memory_space<hbm>>
        tpu.wait_indirect_dma semaphore(%arg23 : memref<!tpu.dma_semaphore, #tpu.memory_space<semaphore_mem>>) src(%dma_wait3A_344 : memref<40000x128xf32, #tpu.memory_space<hbm>>) dst(%arg17 : memref<128x128xf32, #tpu.memory_space<vmem>>)
        %ge3A = arith.constant 2 : i32
        %ge3A_345 = arith.cmpi sge, %while3A_252, %ge3A : i32
        %convert_element_type3A_346 = arith.extui %ge3A_345 : i1 to i32
        %cond3A_347 = arith.constant 0 : i32
        %cond3A_348 = arith.cmpi ne, %convert_element_type3A_346, %cond3A_347 : i32
        scf.if %cond3A_348 {
          %sub3A_361 = arith.constant 2 : i32
          %sub3A_362 = arith.subi %while3A_252, %sub3A_361 : i32
          %dma_wait3A_363 = arith.constant 0 : i32
          %dma_wait3A_364 = tpu.memref_slice %arg16[%sub3A_362, %dma_wait3A_363] : memref<65x128xi32, #tpu.memory_space<vmem>> -> memref<1x128xi32, #tpu.memory_space<vmem>>
          %dma_wait3A_365 = tpu.memref_squeeze %dma_wait3A_364 : memref<1x128xi32, #tpu.memory_space<vmem>> -> memref<128xi32, #tpu.memory_space<vmem>>
          %dma_wait3A_366 = arith.constant 0 : i32
          %dma_wait3A_367 = arith.constant 0 : i32
          %dma_wait3A_368 = tpu.memref_slice %arg6[%dma_wait3A_366, %dma_wait3A_367] : memref<266240x128xf32, #tpu.memory_space<hbm>> -> memref<266240x128xf32, #tpu.memory_space<hbm>>
          tpu.wait_indirect_dma semaphore(%arg29 : memref<!tpu.dma_semaphore, #tpu.memory_space<semaphore_mem>>) src(%arg19 : memref<128x128xf32, #tpu.memory_space<vmem>>) dst(%dma_wait3A_368 : memref<266240x128xf32, #tpu.memory_space<hbm>>)
        } else {
        }
        %add3A_349 = arith.constant 2 : i32
        %add3A_350 = arith.addi %while3A_252, %add3A_349 : i32
        %lt3A_351 = arith.cmpi slt, %add3A_350, %select_n3A_136 : i32
        %convert_element_type3A_352 = arith.extui %lt3A_351 : i1 to i32
        %cond3A_353 = arith.constant 0 : i32
        %cond3A_354 = arith.cmpi ne, %convert_element_type3A_352, %cond3A_353 : i32
        scf.if %cond3A_354 {
          %add3A_361 = arith.constant 2 : i32
          %add3A_362 = arith.addi %while3A_252, %add3A_361 : i32
          %mul3A_363 = arith.constant 128 : i32
          %mul3A_364 = arith.muli %add3A_362, %mul3A_363 : i32
          %dma_start3A_365 = tpu.memref_slice %arg15[%mul3A_364] : memref<8208xi32, #tpu.memory_space<vmem>> -> memref<128xi32, #tpu.memory_space<vmem>>
          %dma_start3A_366 = arith.constant 0 : i32
          %dma_start3A_367 = arith.constant 0 : i32
          %dma_start3A_368 = tpu.memref_slice %arg2[%dma_start3A_366, %dma_start3A_367] : memref<40000x128xf32, #tpu.memory_space<hbm>> -> memref<40000x128xf32, #tpu.memory_space<hbm>>
          tpu.enqueue_indirect_dma source(%dma_start3A_368 : memref<40000x128xf32, #tpu.memory_space<hbm>>) target(%arg19 : memref<128x128xf32, #tpu.memory_space<vmem>>) offsets(%dma_start3A_365 : memref<128xi32, #tpu.memory_space<vmem>>) semaphore(%arg25 : memref<!tpu.dma_semaphore, #tpu.memory_space<semaphore_mem>>)
        } else {
        }
        %dma_start3A_355 = arith.constant 0 : i32
        %dma_start3A_356 = tpu.memref_slice %arg16[%while3A_252, %dma_start3A_355] : memref<65x128xi32, #tpu.memory_space<vmem>> -> memref<1x128xi32, #tpu.memory_space<vmem>>
        %dma_start3A_357 = tpu.memref_squeeze %dma_start3A_356 : memref<1x128xi32, #tpu.memory_space<vmem>> -> memref<128xi32, #tpu.memory_space<vmem>>
        %dma_start3A_358 = arith.constant 0 : i32
        %dma_start3A_359 = arith.constant 0 : i32
        %dma_start3A_360 = tpu.memref_slice %arg6[%dma_start3A_358, %dma_start3A_359] : memref<266240x128xf32, #tpu.memory_space<hbm>> -> memref<266240x128xf32, #tpu.memory_space<hbm>>
        tpu.enqueue_indirect_dma source(%arg17 : memref<128x128xf32, #tpu.memory_space<vmem>>) target(%dma_start3A_360 : memref<266240x128xf32, #tpu.memory_space<hbm>>) offsets(%dma_start3A_357 : memref<128xi32, #tpu.memory_space<vmem>>) semaphore(%arg27 : memref<!tpu.dma_semaphore, #tpu.memory_space<semaphore_mem>>)
      } else {
      }
      %jit3A_275 = arith.constant 4 : i32
      %eq3A_276 = arith.constant 0 : i32
      %eq3A_277 = arith.cmpi eq, %jit3A_275, %eq3A_276 : i32
      %jit3A_278 = arith.constant 1 : i32
      %select_n3A_279 = arith.select %eq3A_277, %jit3A_278, %jit3A_275 : i32
      %rem3A_280 = arith.remsi %while3A_252, %select_n3A_279 : i32
      %ne3A_281 = arith.constant 0 : i32
      %ne3A_282 = arith.cmpi ne, %rem3A_280, %ne3A_281 : i32
      %lt3A_283 = arith.constant 0 : i32
      %lt3A_284 = arith.cmpi slt, %rem3A_280, %lt3A_283 : i32
      %lt3A_285 = arith.constant 0 : i32
      %lt3A_286 = arith.cmpi slt, %select_n3A_279, %lt3A_285 : i32
      %ne3A_287 = arith.xori %lt3A_284, %lt3A_286 : i1
      %and3A_288 = arith.andi %ne3A_287, %ne3A_282 : i1
      %add3A_289 = arith.addi %rem3A_280, %select_n3A_279 : i32
      %select_n3A_290 = arith.select %and3A_288, %add3A_289, %rem3A_280 : i32
      %eq3A_291 = arith.constant 1 : i32
      %eq3A_292 = arith.cmpi eq, %select_n3A_290, %eq3A_291 : i32
      %convert_element_type3A_293 = arith.extui %eq3A_292 : i1 to i32
      %cond3A_294 = arith.constant 0 : i32
      %cond3A_295 = arith.cmpi ne, %convert_element_type3A_293, %cond3A_294 : i32
      scf.if %cond3A_295 {
        %mul3A_339 = arith.constant 128 : i32
        %mul3A_340 = arith.muli %while3A_252, %mul3A_339 : i32
        %dma_wait3A_341 = tpu.memref_slice %arg15[%mul3A_340] : memref<8208xi32, #tpu.memory_space<vmem>> -> memref<128xi32, #tpu.memory_space<vmem>>
        %dma_wait3A_342 = arith.constant 0 : i32
        %dma_wait3A_343 = arith.constant 0 : i32
        %dma_wait3A_344 = tpu.memref_slice %arg2[%dma_wait3A_342, %dma_wait3A_343] : memref<40000x128xf32, #tpu.memory_space<hbm>> -> memref<40000x128xf32, #tpu.memory_space<hbm>>
        tpu.wait_indirect_dma semaphore(%arg24 : memref<!tpu.dma_semaphore, #tpu.memory_space<semaphore_mem>>) src(%dma_wait3A_344 : memref<40000x128xf32, #tpu.memory_space<hbm>>) dst(%arg18 : memref<128x128xf32, #tpu.memory_space<vmem>>)
        %ge3A = arith.constant 2 : i32
        %ge3A_345 = arith.cmpi sge, %while3A_252, %ge3A : i32
        %convert_element_type3A_346 = arith.extui %ge3A_345 : i1 to i32
        %cond3A_347 = arith.constant 0 : i32
        %cond3A_348 = arith.cmpi ne, %convert_element_type3A_346, %cond3A_347 : i32
        scf.if %cond3A_348 {
          %sub3A_361 = arith.constant 2 : i32
          %sub3A_362 = arith.subi %while3A_252, %sub3A_361 : i32
          %dma_wait3A_363 = arith.constant 0 : i32
          %dma_wait3A_364 = tpu.memref_slice %arg16[%sub3A_362, %dma_wait3A_363] : memref<65x128xi32, #tpu.memory_space<vmem>> -> memref<1x128xi32, #tpu.memory_space<vmem>>
          %dma_wait3A_365 = tpu.memref_squeeze %dma_wait3A_364 : memref<1x128xi32, #tpu.memory_space<vmem>> -> memref<128xi32, #tpu.memory_space<vmem>>
          %dma_wait3A_366 = arith.constant 0 : i32
          %dma_wait3A_367 = arith.constant 0 : i32
          %dma_wait3A_368 = tpu.memref_slice %arg6[%dma_wait3A_366, %dma_wait3A_367] : memref<266240x128xf32, #tpu.memory_space<hbm>> -> memref<266240x128xf32, #tpu.memory_space<hbm>>
          tpu.wait_indirect_dma semaphore(%arg30 : memref<!tpu.dma_semaphore, #tpu.memory_space<semaphore_mem>>) src(%arg20 : memref<128x128xf32, #tpu.memory_space<vmem>>) dst(%dma_wait3A_368 : memref<266240x128xf32, #tpu.memory_space<hbm>>)
        } else {
        }
        %add3A_349 = arith.constant 2 : i32
        %add3A_350 = arith.addi %while3A_252, %add3A_349 : i32
        %lt3A_351 = arith.cmpi slt, %add3A_350, %select_n3A_136 : i32
        %convert_element_type3A_352 = arith.extui %lt3A_351 : i1 to i32
        %cond3A_353 = arith.constant 0 : i32
        %cond3A_354 = arith.cmpi ne, %convert_element_type3A_352, %cond3A_353 : i32
        scf.if %cond3A_354 {
          %add3A_361 = arith.constant 2 : i32
          %add3A_362 = arith.addi %while3A_252, %add3A_361 : i32
          %mul3A_363 = arith.constant 128 : i32
          %mul3A_364 = arith.muli %add3A_362, %mul3A_363 : i32
          %dma_start3A_365 = tpu.memref_slice %arg15[%mul3A_364] : memref<8208xi32, #tpu.memory_space<vmem>> -> memref<128xi32, #tpu.memory_space<vmem>>
          %dma_start3A_366 = arith.constant 0 : i32
          %dma_start3A_367 = arith.constant 0 : i32
          %dma_start3A_368 = tpu.memref_slice %arg2[%dma_start3A_366, %dma_start3A_367] : memref<40000x128xf32, #tpu.memory_space<hbm>> -> memref<40000x128xf32, #tpu.memory_space<hbm>>
          tpu.enqueue_indirect_dma source(%dma_start3A_368 : memref<40000x128xf32, #tpu.memory_space<hbm>>) target(%arg20 : memref<128x128xf32, #tpu.memory_space<vmem>>) offsets(%dma_start3A_365 : memref<128xi32, #tpu.memory_space<vmem>>) semaphore(%arg26 : memref<!tpu.dma_semaphore, #tpu.memory_space<semaphore_mem>>)
        } else {
        }
        %dma_start3A_355 = arith.constant 0 : i32
        %dma_start3A_356 = tpu.memref_slice %arg16[%while3A_252, %dma_start3A_355] : memref<65x128xi32, #tpu.memory_space<vmem>> -> memref<1x128xi32, #tpu.memory_space<vmem>>
        %dma_start3A_357 = tpu.memref_squeeze %dma_start3A_356 : memref<1x128xi32, #tpu.memory_space<vmem>> -> memref<128xi32, #tpu.memory_space<vmem>>
        %dma_start3A_358 = arith.constant 0 : i32
        %dma_start3A_359 = arith.constant 0 : i32
        %dma_start3A_360 = tpu.memref_slice %arg6[%dma_start3A_358, %dma_start3A_359] : memref<266240x128xf32, #tpu.memory_space<hbm>> -> memref<266240x128xf32, #tpu.memory_space<hbm>>
        tpu.enqueue_indirect_dma source(%arg18 : memref<128x128xf32, #tpu.memory_space<vmem>>) target(%dma_start3A_360 : memref<266240x128xf32, #tpu.memory_space<hbm>>) offsets(%dma_start3A_357 : memref<128xi32, #tpu.memory_space<vmem>>) semaphore(%arg28 : memref<!tpu.dma_semaphore, #tpu.memory_space<semaphore_mem>>)
      } else {
      }
      %jit3A_296 = arith.constant 4 : i32
      %eq3A_297 = arith.constant 0 : i32
      %eq3A_298 = arith.cmpi eq, %jit3A_296, %eq3A_297 : i32
      %jit3A_299 = arith.constant 1 : i32
      %select_n3A_300 = arith.select %eq3A_298, %jit3A_299, %jit3A_296 : i32
      %rem3A_301 = arith.remsi %while3A_252, %select_n3A_300 : i32
      %ne3A_302 = arith.constant 0 : i32
      %ne3A_303 = arith.cmpi ne, %rem3A_301, %ne3A_302 : i32
      %lt3A_304 = arith.constant 0 : i32
      %lt3A_305 = arith.cmpi slt, %rem3A_301, %lt3A_304 : i32
      %lt3A_306 = arith.constant 0 : i32
      %lt3A_307 = arith.cmpi slt, %select_n3A_300, %lt3A_306 : i32
      %ne3A_308 = arith.xori %lt3A_305, %lt3A_307 : i1
      %and3A_309 = arith.andi %ne3A_308, %ne3A_303 : i1
      %add3A_310 = arith.addi %rem3A_301, %select_n3A_300 : i32
      %select_n3A_311 = arith.select %and3A_309, %add3A_310, %rem3A_301 : i32
      %eq3A_312 = arith.constant 2 : i32
      %eq3A_313 = arith.cmpi eq, %select_n3A_311, %eq3A_312 : i32
      %convert_element_type3A_314 = arith.extui %eq3A_313 : i1 to i32
      %cond3A_315 = arith.constant 0 : i32
      %cond3A_316 = arith.cmpi ne, %convert_element_type3A_314, %cond3A_315 : i32
      scf.if %cond3A_316 {
        %mul3A_339 = arith.constant 128 : i32
        %mul3A_340 = arith.muli %while3A_252, %mul3A_339 : i32
        %dma_wait3A_341 = tpu.memref_slice %arg15[%mul3A_340] : memref<8208xi32, #tpu.memory_space<vmem>> -> memref<128xi32, #tpu.memory_space<vmem>>
        %dma_wait3A_342 = arith.constant 0 : i32
        %dma_wait3A_343 = arith.constant 0 : i32
        %dma_wait3A_344 = tpu.memref_slice %arg2[%dma_wait3A_342, %dma_wait3A_343] : memref<40000x128xf32, #tpu.memory_space<hbm>> -> memref<40000x128xf32, #tpu.memory_space<hbm>>
        tpu.wait_indirect_dma semaphore(%arg25 : memref<!tpu.dma_semaphore, #tpu.memory_space<semaphore_mem>>) src(%dma_wait3A_344 : memref<40000x128xf32, #tpu.memory_space<hbm>>) dst(%arg19 : memref<128x128xf32, #tpu.memory_space<vmem>>)
        %ge3A = arith.constant 2 : i32
        %ge3A_345 = arith.cmpi sge, %while3A_252, %ge3A : i32
        %convert_element_type3A_346 = arith.extui %ge3A_345 : i1 to i32
        %cond3A_347 = arith.constant 0 : i32
        %cond3A_348 = arith.cmpi ne, %convert_element_type3A_346, %cond3A_347 : i32
        scf.if %cond3A_348 {
          %sub3A_361 = arith.constant 2 : i32
          %sub3A_362 = arith.subi %while3A_252, %sub3A_361 : i32
          %dma_wait3A_363 = arith.constant 0 : i32
          %dma_wait3A_364 = tpu.memref_slice %arg16[%sub3A_362, %dma_wait3A_363] : memref<65x128xi32, #tpu.memory_space<vmem>> -> memref<1x128xi32, #tpu.memory_space<vmem>>
          %dma_wait3A_365 = tpu.memref_squeeze %dma_wait3A_364 : memref<1x128xi32, #tpu.memory_space<vmem>> -> memref<128xi32, #tpu.memory_space<vmem>>
          %dma_wait3A_366 = arith.constant 0 : i32
          %dma_wait3A_367 = arith.constant 0 : i32
          %dma_wait3A_368 = tpu.memref_slice %arg6[%dma_wait3A_366, %dma_wait3A_367] : memref<266240x128xf32, #tpu.memory_space<hbm>> -> memref<266240x128xf32, #tpu.memory_space<hbm>>
          tpu.wait_indirect_dma semaphore(%arg27 : memref<!tpu.dma_semaphore, #tpu.memory_space<semaphore_mem>>) src(%arg17 : memref<128x128xf32, #tpu.memory_space<vmem>>) dst(%dma_wait3A_368 : memref<266240x128xf32, #tpu.memory_space<hbm>>)
        } else {
        }
        %add3A_349 = arith.constant 2 : i32
        %add3A_350 = arith.addi %while3A_252, %add3A_349 : i32
        %lt3A_351 = arith.cmpi slt, %add3A_350, %select_n3A_136 : i32
        %convert_element_type3A_352 = arith.extui %lt3A_351 : i1 to i32
        %cond3A_353 = arith.constant 0 : i32
        %cond3A_354 = arith.cmpi ne, %convert_element_type3A_352, %cond3A_353 : i32
        scf.if %cond3A_354 {
          %add3A_361 = arith.constant 2 : i32
          %add3A_362 = arith.addi %while3A_252, %add3A_361 : i32
          %mul3A_363 = arith.constant 128 : i32
          %mul3A_364 = arith.muli %add3A_362, %mul3A_363 : i32
          %dma_start3A_365 = tpu.memref_slice %arg15[%mul3A_364] : memref<8208xi32, #tpu.memory_space<vmem>> -> memref<128xi32, #tpu.memory_space<vmem>>
          %dma_start3A_366 = arith.constant 0 : i32
          %dma_start3A_367 = arith.constant 0 : i32
          %dma_start3A_368 = tpu.memref_slice %arg2[%dma_start3A_366, %dma_start3A_367] : memref<40000x128xf32, #tpu.memory_space<hbm>> -> memref<40000x128xf32, #tpu.memory_space<hbm>>
          tpu.enqueue_indirect_dma source(%dma_start3A_368 : memref<40000x128xf32, #tpu.memory_space<hbm>>) target(%arg17 : memref<128x128xf32, #tpu.memory_space<vmem>>) offsets(%dma_start3A_365 : memref<128xi32, #tpu.memory_space<vmem>>) semaphore(%arg23 : memref<!tpu.dma_semaphore, #tpu.memory_space<semaphore_mem>>)
        } else {
        }
        %dma_start3A_355 = arith.constant 0 : i32
        %dma_start3A_356 = tpu.memref_slice %arg16[%while3A_252, %dma_start3A_355] : memref<65x128xi32, #tpu.memory_space<vmem>> -> memref<1x128xi32, #tpu.memory_space<vmem>>
        %dma_start3A_357 = tpu.memref_squeeze %dma_start3A_356 : memref<1x128xi32, #tpu.memory_space<vmem>> -> memref<128xi32, #tpu.memory_space<vmem>>
        %dma_start3A_358 = arith.constant 0 : i32
        %dma_start3A_359 = arith.constant 0 : i32
        %dma_start3A_360 = tpu.memref_slice %arg6[%dma_start3A_358, %dma_start3A_359] : memref<266240x128xf32, #tpu.memory_space<hbm>> -> memref<266240x128xf32, #tpu.memory_space<hbm>>
        tpu.enqueue_indirect_dma source(%arg19 : memref<128x128xf32, #tpu.memory_space<vmem>>) target(%dma_start3A_360 : memref<266240x128xf32, #tpu.memory_space<hbm>>) offsets(%dma_start3A_357 : memref<128xi32, #tpu.memory_space<vmem>>) semaphore(%arg29 : memref<!tpu.dma_semaphore, #tpu.memory_space<semaphore_mem>>)
      } else {
      }
      %jit3A_317 = arith.constant 4 : i32
      %eq3A_318 = arith.constant 0 : i32
      %eq3A_319 = arith.cmpi eq, %jit3A_317, %eq3A_318 : i32
      %jit3A_320 = arith.constant 1 : i32
      %select_n3A_321 = arith.select %eq3A_319, %jit3A_320, %jit3A_317 : i32
      %rem3A_322 = arith.remsi %while3A_252, %select_n3A_321 : i32
      %ne3A_323 = arith.constant 0 : i32
      %ne3A_324 = arith.cmpi ne, %rem3A_322, %ne3A_323 : i32
      %lt3A_325 = arith.constant 0 : i32
      %lt3A_326 = arith.cmpi slt, %rem3A_322, %lt3A_325 : i32
      %lt3A_327 = arith.constant 0 : i32
      %lt3A_328 = arith.cmpi slt, %select_n3A_321, %lt3A_327 : i32
      %ne3A_329 = arith.xori %lt3A_326, %lt3A_328 : i1
      %and3A_330 = arith.andi %ne3A_329, %ne3A_324 : i1
      %add3A_331 = arith.addi %rem3A_322, %select_n3A_321 : i32
      %select_n3A_332 = arith.select %and3A_330, %add3A_331, %rem3A_322 : i32
      %eq3A_333 = arith.constant 3 : i32
      %eq3A_334 = arith.cmpi eq, %select_n3A_332, %eq3A_333 : i32
      %convert_element_type3A_335 = arith.extui %eq3A_334 : i1 to i32
      %cond3A_336 = arith.constant 0 : i32
      %cond3A_337 = arith.cmpi ne, %convert_element_type3A_335, %cond3A_336 : i32
      scf.if %cond3A_337 {
        %mul3A_339 = arith.constant 128 : i32
        %mul3A_340 = arith.muli %while3A_252, %mul3A_339 : i32
        %dma_wait3A_341 = tpu.memref_slice %arg15[%mul3A_340] : memref<8208xi32, #tpu.memory_space<vmem>> -> memref<128xi32, #tpu.memory_space<vmem>>
        %dma_wait3A_342 = arith.constant 0 : i32
        %dma_wait3A_343 = arith.constant 0 : i32
        %dma_wait3A_344 = tpu.memref_slice %arg2[%dma_wait3A_342, %dma_wait3A_343] : memref<40000x128xf32, #tpu.memory_space<hbm>> -> memref<40000x128xf32, #tpu.memory_space<hbm>>
        tpu.wait_indirect_dma semaphore(%arg26 : memref<!tpu.dma_semaphore, #tpu.memory_space<semaphore_mem>>) src(%dma_wait3A_344 : memref<40000x128xf32, #tpu.memory_space<hbm>>) dst(%arg20 : memref<128x128xf32, #tpu.memory_space<vmem>>)
        %ge3A = arith.constant 2 : i32
        %ge3A_345 = arith.cmpi sge, %while3A_252, %ge3A : i32
        %convert_element_type3A_346 = arith.extui %ge3A_345 : i1 to i32
        %cond3A_347 = arith.constant 0 : i32
        %cond3A_348 = arith.cmpi ne, %convert_element_type3A_346, %cond3A_347 : i32
        scf.if %cond3A_348 {
          %sub3A_361 = arith.constant 2 : i32
          %sub3A_362 = arith.subi %while3A_252, %sub3A_361 : i32
          %dma_wait3A_363 = arith.constant 0 : i32
          %dma_wait3A_364 = tpu.memref_slice %arg16[%sub3A_362, %dma_wait3A_363] : memref<65x128xi32, #tpu.memory_space<vmem>> -> memref<1x128xi32, #tpu.memory_space<vmem>>
          %dma_wait3A_365 = tpu.memref_squeeze %dma_wait3A_364 : memref<1x128xi32, #tpu.memory_space<vmem>> -> memref<128xi32, #tpu.memory_space<vmem>>
          %dma_wait3A_366 = arith.constant 0 : i32
          %dma_wait3A_367 = arith.constant 0 : i32
          %dma_wait3A_368 = tpu.memref_slice %arg6[%dma_wait3A_366, %dma_wait3A_367] : memref<266240x128xf32, #tpu.memory_space<hbm>> -> memref<266240x128xf32, #tpu.memory_space<hbm>>
          tpu.wait_indirect_dma semaphore(%arg28 : memref<!tpu.dma_semaphore, #tpu.memory_space<semaphore_mem>>) src(%arg18 : memref<128x128xf32, #tpu.memory_space<vmem>>) dst(%dma_wait3A_368 : memref<266240x128xf32, #tpu.memory_space<hbm>>)
        } else {
        }
        %add3A_349 = arith.constant 2 : i32
        %add3A_350 = arith.addi %while3A_252, %add3A_349 : i32
        %lt3A_351 = arith.cmpi slt, %add3A_350, %select_n3A_136 : i32
        %convert_element_type3A_352 = arith.extui %lt3A_351 : i1 to i32
        %cond3A_353 = arith.constant 0 : i32
        %cond3A_354 = arith.cmpi ne, %convert_element_type3A_352, %cond3A_353 : i32
        scf.if %cond3A_354 {
          %add3A_361 = arith.constant 2 : i32
          %add3A_362 = arith.addi %while3A_252, %add3A_361 : i32
          %mul3A_363 = arith.constant 128 : i32
          %mul3A_364 = arith.muli %add3A_362, %mul3A_363 : i32
          %dma_start3A_365 = tpu.memref_slice %arg15[%mul3A_364] : memref<8208xi32, #tpu.memory_space<vmem>> -> memref<128xi32, #tpu.memory_space<vmem>>
          %dma_start3A_366 = arith.constant 0 : i32
          %dma_start3A_367 = arith.constant 0 : i32
          %dma_start3A_368 = tpu.memref_slice %arg2[%dma_start3A_366, %dma_start3A_367] : memref<40000x128xf32, #tpu.memory_space<hbm>> -> memref<40000x128xf32, #tpu.memory_space<hbm>>
          tpu.enqueue_indirect_dma source(%dma_start3A_368 : memref<40000x128xf32, #tpu.memory_space<hbm>>) target(%arg18 : memref<128x128xf32, #tpu.memory_space<vmem>>) offsets(%dma_start3A_365 : memref<128xi32, #tpu.memory_space<vmem>>) semaphore(%arg24 : memref<!tpu.dma_semaphore, #tpu.memory_space<semaphore_mem>>)
        } else {
        }
        %dma_start3A_355 = arith.constant 0 : i32
        %dma_start3A_356 = tpu.memref_slice %arg16[%while3A_252, %dma_start3A_355] : memref<65x128xi32, #tpu.memory_space<vmem>> -> memref<1x128xi32, #tpu.memory_space<vmem>>
        %dma_start3A_357 = tpu.memref_squeeze %dma_start3A_356 : memref<1x128xi32, #tpu.memory_space<vmem>> -> memref<128xi32, #tpu.memory_space<vmem>>
        %dma_start3A_358 = arith.constant 0 : i32
        %dma_start3A_359 = arith.constant 0 : i32
        %dma_start3A_360 = tpu.memref_slice %arg6[%dma_start3A_358, %dma_start3A_359] : memref<266240x128xf32, #tpu.memory_space<hbm>> -> memref<266240x128xf32, #tpu.memory_space<hbm>>
        tpu.enqueue_indirect_dma source(%arg20 : memref<128x128xf32, #tpu.memory_space<vmem>>) target(%dma_start3A_360 : memref<266240x128xf32, #tpu.memory_space<hbm>>) offsets(%dma_start3A_357 : memref<128xi32, #tpu.memory_space<vmem>>) semaphore(%arg30 : memref<!tpu.dma_semaphore, #tpu.memory_space<semaphore_mem>>)
      } else {
      }
      %while3A_338 = arith.constant 0 : i32
      scf.yield %while3A_338 : i32
    }
    %while3A_153 = arith.constant 1 : i32
    %while3A_154 = scf.for %while3A_252 = %while3A_150 to %while3A_146 step %while3A_153 iter_args(%while3A_253 = %while3A_152) -> (i32)  : i32 {
      %jit3A_254 = arith.constant 4 : i32
      %eq3A_255 = arith.constant 0 : i32
      %eq3A_256 = arith.cmpi eq, %jit3A_254, %eq3A_255 : i32
      %jit3A_257 = arith.constant 1 : i32
      %select_n3A_258 = arith.select %eq3A_256, %jit3A_257, %jit3A_254 : i32
      %rem3A_259 = arith.remsi %while3A_252, %select_n3A_258 : i32
      %ne3A_260 = arith.constant 0 : i32
      %ne3A_261 = arith.cmpi ne, %rem3A_259, %ne3A_260 : i32
      %lt3A_262 = arith.constant 0 : i32
      %lt3A_263 = arith.cmpi slt, %rem3A_259, %lt3A_262 : i32
      %lt3A_264 = arith.constant 0 : i32
      %lt3A_265 = arith.cmpi slt, %select_n3A_258, %lt3A_264 : i32
      %ne3A_266 = arith.xori %lt3A_263, %lt3A_265 : i1
      %and3A_267 = arith.andi %ne3A_266, %ne3A_261 : i1
      %add3A_268 = arith.addi %rem3A_259, %select_n3A_258 : i32
      %select_n3A_269 = arith.select %and3A_267, %add3A_268, %rem3A_259 : i32
      %eq3A_270 = arith.constant 0 : i32
      %eq3A_271 = arith.cmpi eq, %select_n3A_269, %eq3A_270 : i32
      %convert_element_type3A_272 = arith.extui %eq3A_271 : i1 to i32
      %cond3A_273 = arith.constant 0 : i32
      %cond3A_274 = arith.cmpi ne, %convert_element_type3A_272, %cond3A_273 : i32
      scf.if %cond3A_274 {
        %mul3A_339 = arith.constant 128 : i32
        %mul3A_340 = arith.muli %while3A_252, %mul3A_339 : i32
        %dma_wait3A_341 = tpu.memref_slice %arg15[%mul3A_340] : memref<8208xi32, #tpu.memory_space<vmem>> -> memref<128xi32, #tpu.memory_space<vmem>>
        %dma_wait3A_342 = arith.constant 0 : i32
        %dma_wait3A_343 = arith.constant 0 : i32
        %dma_wait3A_344 = tpu.memref_slice %arg2[%dma_wait3A_342, %dma_wait3A_343] : memref<40000x128xf32, #tpu.memory_space<hbm>> -> memref<40000x128xf32, #tpu.memory_space<hbm>>
        tpu.wait_indirect_dma semaphore(%arg23 : memref<!tpu.dma_semaphore, #tpu.memory_space<semaphore_mem>>) src(%dma_wait3A_344 : memref<40000x128xf32, #tpu.memory_space<hbm>>) dst(%arg17 : memref<128x128xf32, #tpu.memory_space<vmem>>)
        %ge3A = arith.constant 2 : i32
        %ge3A_345 = arith.cmpi sge, %while3A_252, %ge3A : i32
        %convert_element_type3A_346 = arith.extui %ge3A_345 : i1 to i32
        %cond3A_347 = arith.constant 0 : i32
        %cond3A_348 = arith.cmpi ne, %convert_element_type3A_346, %cond3A_347 : i32
        scf.if %cond3A_348 {
          %sub3A_361 = arith.constant 2 : i32
          %sub3A_362 = arith.subi %while3A_252, %sub3A_361 : i32
          %dma_wait3A_363 = arith.constant 0 : i32
          %dma_wait3A_364 = tpu.memref_slice %arg16[%sub3A_362, %dma_wait3A_363] : memref<65x128xi32, #tpu.memory_space<vmem>> -> memref<1x128xi32, #tpu.memory_space<vmem>>
          %dma_wait3A_365 = tpu.memref_squeeze %dma_wait3A_364 : memref<1x128xi32, #tpu.memory_space<vmem>> -> memref<128xi32, #tpu.memory_space<vmem>>
          %dma_wait3A_366 = arith.constant 0 : i32
          %dma_wait3A_367 = arith.constant 0 : i32
          %dma_wait3A_368 = tpu.memref_slice %arg6[%dma_wait3A_366, %dma_wait3A_367] : memref<266240x128xf32, #tpu.memory_space<hbm>> -> memref<266240x128xf32, #tpu.memory_space<hbm>>
          tpu.wait_indirect_dma semaphore(%arg29 : memref<!tpu.dma_semaphore, #tpu.memory_space<semaphore_mem>>) src(%arg19 : memref<128x128xf32, #tpu.memory_space<vmem>>) dst(%dma_wait3A_368 : memref<266240x128xf32, #tpu.memory_space<hbm>>)
        } else {
        }
        %add3A_349 = arith.constant 2 : i32
        %add3A_350 = arith.addi %while3A_252, %add3A_349 : i32
        %lt3A_351 = arith.cmpi slt, %add3A_350, %select_n3A_136 : i32
        %convert_element_type3A_352 = arith.extui %lt3A_351 : i1 to i32
        %cond3A_353 = arith.constant 0 : i32
        %cond3A_354 = arith.cmpi ne, %convert_element_type3A_352, %cond3A_353 : i32
        scf.if %cond3A_354 {
          %add3A_361 = arith.constant 2 : i32
          %add3A_362 = arith.addi %while3A_252, %add3A_361 : i32
          %mul3A_363 = arith.constant 128 : i32
          %mul3A_364 = arith.muli %add3A_362, %mul3A_363 : i32
          %dma_start3A_365 = tpu.memref_slice %arg15[%mul3A_364] : memref<8208xi32, #tpu.memory_space<vmem>> -> memref<128xi32, #tpu.memory_space<vmem>>
          %dma_start3A_366 = arith.constant 0 : i32
          %dma_start3A_367 = arith.constant 0 : i32
          %dma_start3A_368 = tpu.memref_slice %arg2[%dma_start3A_366, %dma_start3A_367] : memref<40000x128xf32, #tpu.memory_space<hbm>> -> memref<40000x128xf32, #tpu.memory_space<hbm>>
          tpu.enqueue_indirect_dma source(%dma_start3A_368 : memref<40000x128xf32, #tpu.memory_space<hbm>>) target(%arg19 : memref<128x128xf32, #tpu.memory_space<vmem>>) offsets(%dma_start3A_365 : memref<128xi32, #tpu.memory_space<vmem>>) semaphore(%arg25 : memref<!tpu.dma_semaphore, #tpu.memory_space<semaphore_mem>>)
        } else {
        }
        %dma_start3A_355 = arith.constant 0 : i32
        %dma_start3A_356 = tpu.memref_slice %arg16[%while3A_252, %dma_start3A_355] : memref<65x128xi32, #tpu.memory_space<vmem>> -> memref<1x128xi32, #tpu.memory_space<vmem>>
        %dma_start3A_357 = tpu.memref_squeeze %dma_start3A_356 : memref<1x128xi32, #tpu.memory_space<vmem>> -> memref<128xi32, #tpu.memory_space<vmem>>
        %dma_start3A_358 = arith.constant 0 : i32
        %dma_start3A_359 = arith.constant 0 : i32
        %dma_start3A_360 = tpu.memref_slice %arg6[%dma_start3A_358, %dma_start3A_359] : memref<266240x128xf32, #tpu.memory_space<hbm>> -> memref<266240x128xf32, #tpu.memory_space<hbm>>
        tpu.enqueue_indirect_dma source(%arg17 : memref<128x128xf32, #tpu.memory_space<vmem>>) target(%dma_start3A_360 : memref<266240x128xf32, #tpu.memory_space<hbm>>) offsets(%dma_start3A_357 : memref<128xi32, #tpu.memory_space<vmem>>) semaphore(%arg27 : memref<!tpu.dma_semaphore, #tpu.memory_space<semaphore_mem>>)
      } else {
      }
      %jit3A_275 = arith.constant 4 : i32
      %eq3A_276 = arith.constant 0 : i32
      %eq3A_277 = arith.cmpi eq, %jit3A_275, %eq3A_276 : i32
      %jit3A_278 = arith.constant 1 : i32
      %select_n3A_279 = arith.select %eq3A_277, %jit3A_278, %jit3A_275 : i32
      %rem3A_280 = arith.remsi %while3A_252, %select_n3A_279 : i32
      %ne3A_281 = arith.constant 0 : i32
      %ne3A_282 = arith.cmpi ne, %rem3A_280, %ne3A_281 : i32
      %lt3A_283 = arith.constant 0 : i32
      %lt3A_284 = arith.cmpi slt, %rem3A_280, %lt3A_283 : i32
      %lt3A_285 = arith.constant 0 : i32
      %lt3A_286 = arith.cmpi slt, %select_n3A_279, %lt3A_285 : i32
      %ne3A_287 = arith.xori %lt3A_284, %lt3A_286 : i1
      %and3A_288 = arith.andi %ne3A_287, %ne3A_282 : i1
      %add3A_289 = arith.addi %rem3A_280, %select_n3A_279 : i32
      %select_n3A_290 = arith.select %and3A_288, %add3A_289, %rem3A_280 : i32
      %eq3A_291 = arith.constant 1 : i32
      %eq3A_292 = arith.cmpi eq, %select_n3A_290, %eq3A_291 : i32
      %convert_element_type3A_293 = arith.extui %eq3A_292 : i1 to i32
      %cond3A_294 = arith.constant 0 : i32
      %cond3A_295 = arith.cmpi ne, %convert_element_type3A_293, %cond3A_294 : i32
      scf.if %cond3A_295 {
        %mul3A_339 = arith.constant 128 : i32
        %mul3A_340 = arith.muli %while3A_252, %mul3A_339 : i32
        %dma_wait3A_341 = tpu.memref_slice %arg15[%mul3A_340] : memref<8208xi32, #tpu.memory_space<vmem>> -> memref<128xi32, #tpu.memory_space<vmem>>
        %dma_wait3A_342 = arith.constant 0 : i32
        %dma_wait3A_343 = arith.constant 0 : i32
        %dma_wait3A_344 = tpu.memref_slice %arg2[%dma_wait3A_342, %dma_wait3A_343] : memref<40000x128xf32, #tpu.memory_space<hbm>> -> memref<40000x128xf32, #tpu.memory_space<hbm>>
        tpu.wait_indirect_dma semaphore(%arg24 : memref<!tpu.dma_semaphore, #tpu.memory_space<semaphore_mem>>) src(%dma_wait3A_344 : memref<40000x128xf32, #tpu.memory_space<hbm>>) dst(%arg18 : memref<128x128xf32, #tpu.memory_space<vmem>>)
        %ge3A = arith.constant 2 : i32
        %ge3A_345 = arith.cmpi sge, %while3A_252, %ge3A : i32
        %convert_element_type3A_346 = arith.extui %ge3A_345 : i1 to i32
        %cond3A_347 = arith.constant 0 : i32
        %cond3A_348 = arith.cmpi ne, %convert_element_type3A_346, %cond3A_347 : i32
        scf.if %cond3A_348 {
          %sub3A_361 = arith.constant 2 : i32
          %sub3A_362 = arith.subi %while3A_252, %sub3A_361 : i32
          %dma_wait3A_363 = arith.constant 0 : i32
          %dma_wait3A_364 = tpu.memref_slice %arg16[%sub3A_362, %dma_wait3A_363] : memref<65x128xi32, #tpu.memory_space<vmem>> -> memref<1x128xi32, #tpu.memory_space<vmem>>
          %dma_wait3A_365 = tpu.memref_squeeze %dma_wait3A_364 : memref<1x128xi32, #tpu.memory_space<vmem>> -> memref<128xi32, #tpu.memory_space<vmem>>
          %dma_wait3A_366 = arith.constant 0 : i32
          %dma_wait3A_367 = arith.constant 0 : i32
          %dma_wait3A_368 = tpu.memref_slice %arg6[%dma_wait3A_366, %dma_wait3A_367] : memref<266240x128xf32, #tpu.memory_space<hbm>> -> memref<266240x128xf32, #tpu.memory_space<hbm>>
          tpu.wait_indirect_dma semaphore(%arg30 : memref<!tpu.dma_semaphore, #tpu.memory_space<semaphore_mem>>) src(%arg20 : memref<128x128xf32, #tpu.memory_space<vmem>>) dst(%dma_wait3A_368 : memref<266240x128xf32, #tpu.memory_space<hbm>>)
        } else {
        }
        %add3A_349 = arith.constant 2 : i32
        %add3A_350 = arith.addi %while3A_252, %add3A_349 : i32
        %lt3A_351 = arith.cmpi slt, %add3A_350, %select_n3A_136 : i32
        %convert_element_type3A_352 = arith.extui %lt3A_351 : i1 to i32
        %cond3A_353 = arith.constant 0 : i32
        %cond3A_354 = arith.cmpi ne, %convert_element_type3A_352, %cond3A_353 : i32
        scf.if %cond3A_354 {
          %add3A_361 = arith.constant 2 : i32
          %add3A_362 = arith.addi %while3A_252, %add3A_361 : i32
          %mul3A_363 = arith.constant 128 : i32
          %mul3A_364 = arith.muli %add3A_362, %mul3A_363 : i32
          %dma_start3A_365 = tpu.memref_slice %arg15[%mul3A_364] : memref<8208xi32, #tpu.memory_space<vmem>> -> memref<128xi32, #tpu.memory_space<vmem>>
          %dma_start3A_366 = arith.constant 0 : i32
          %dma_start3A_367 = arith.constant 0 : i32
          %dma_start3A_368 = tpu.memref_slice %arg2[%dma_start3A_366, %dma_start3A_367] : memref<40000x128xf32, #tpu.memory_space<hbm>> -> memref<40000x128xf32, #tpu.memory_space<hbm>>
          tpu.enqueue_indirect_dma source(%dma_start3A_368 : memref<40000x128xf32, #tpu.memory_space<hbm>>) target(%arg20 : memref<128x128xf32, #tpu.memory_space<vmem>>) offsets(%dma_start3A_365 : memref<128xi32, #tpu.memory_space<vmem>>) semaphore(%arg26 : memref<!tpu.dma_semaphore, #tpu.memory_space<semaphore_mem>>)
        } else {
        }
        %dma_start3A_355 = arith.constant 0 : i32
        %dma_start3A_356 = tpu.memref_slice %arg16[%while3A_252, %dma_start3A_355] : memref<65x128xi32, #tpu.memory_space<vmem>> -> memref<1x128xi32, #tpu.memory_space<vmem>>
        %dma_start3A_357 = tpu.memref_squeeze %dma_start3A_356 : memref<1x128xi32, #tpu.memory_space<vmem>> -> memref<128xi32, #tpu.memory_space<vmem>>
        %dma_start3A_358 = arith.constant 0 : i32
        %dma_start3A_359 = arith.constant 0 : i32
        %dma_start3A_360 = tpu.memref_slice %arg6[%dma_start3A_358, %dma_start3A_359] : memref<266240x128xf32, #tpu.memory_space<hbm>> -> memref<266240x128xf32, #tpu.memory_space<hbm>>
        tpu.enqueue_indirect_dma source(%arg18 : memref<128x128xf32, #tpu.memory_space<vmem>>) target(%dma_start3A_360 : memref<266240x128xf32, #tpu.memory_space<hbm>>) offsets(%dma_start3A_357 : memref<128xi32, #tpu.memory_space<vmem>>) semaphore(%arg28 : memref<!tpu.dma_semaphore, #tpu.memory_space<semaphore_mem>>)
      } else {
      }
      %jit3A_296 = arith.constant 4 : i32
      %eq3A_297 = arith.constant 0 : i32
      %eq3A_298 = arith.cmpi eq, %jit3A_296, %eq3A_297 : i32
      %jit3A_299 = arith.constant 1 : i32
      %select_n3A_300 = arith.select %eq3A_298, %jit3A_299, %jit3A_296 : i32
      %rem3A_301 = arith.remsi %while3A_252, %select_n3A_300 : i32
      %ne3A_302 = arith.constant 0 : i32
      %ne3A_303 = arith.cmpi ne, %rem3A_301, %ne3A_302 : i32
      %lt3A_304 = arith.constant 0 : i32
      %lt3A_305 = arith.cmpi slt, %rem3A_301, %lt3A_304 : i32
      %lt3A_306 = arith.constant 0 : i32
      %lt3A_307 = arith.cmpi slt, %select_n3A_300, %lt3A_306 : i32
      %ne3A_308 = arith.xori %lt3A_305, %lt3A_307 : i1
      %and3A_309 = arith.andi %ne3A_308, %ne3A_303 : i1
      %add3A_310 = arith.addi %rem3A_301, %select_n3A_300 : i32
      %select_n3A_311 = arith.select %and3A_309, %add3A_310, %rem3A_301 : i32
      %eq3A_312 = arith.constant 2 : i32
      %eq3A_313 = arith.cmpi eq, %select_n3A_311, %eq3A_312 : i32
      %convert_element_type3A_314 = arith.extui %eq3A_313 : i1 to i32
      %cond3A_315 = arith.constant 0 : i32
      %cond3A_316 = arith.cmpi ne, %convert_element_type3A_314, %cond3A_315 : i32
      scf.if %cond3A_316 {
        %mul3A_339 = arith.constant 128 : i32
        %mul3A_340 = arith.muli %while3A_252, %mul3A_339 : i32
        %dma_wait3A_341 = tpu.memref_slice %arg15[%mul3A_340] : memref<8208xi32, #tpu.memory_space<vmem>> -> memref<128xi32, #tpu.memory_space<vmem>>
        %dma_wait3A_342 = arith.constant 0 : i32
        %dma_wait3A_343 = arith.constant 0 : i32
        %dma_wait3A_344 = tpu.memref_slice %arg2[%dma_wait3A_342, %dma_wait3A_343] : memref<40000x128xf32, #tpu.memory_space<hbm>> -> memref<40000x128xf32, #tpu.memory_space<hbm>>
        tpu.wait_indirect_dma semaphore(%arg25 : memref<!tpu.dma_semaphore, #tpu.memory_space<semaphore_mem>>) src(%dma_wait3A_344 : memref<40000x128xf32, #tpu.memory_space<hbm>>) dst(%arg19 : memref<128x128xf32, #tpu.memory_space<vmem>>)
        %ge3A = arith.constant 2 : i32
        %ge3A_345 = arith.cmpi sge, %while3A_252, %ge3A : i32
        %convert_element_type3A_346 = arith.extui %ge3A_345 : i1 to i32
        %cond3A_347 = arith.constant 0 : i32
        %cond3A_348 = arith.cmpi ne, %convert_element_type3A_346, %cond3A_347 : i32
        scf.if %cond3A_348 {
          %sub3A_361 = arith.constant 2 : i32
          %sub3A_362 = arith.subi %while3A_252, %sub3A_361 : i32
          %dma_wait3A_363 = arith.constant 0 : i32
          %dma_wait3A_364 = tpu.memref_slice %arg16[%sub3A_362, %dma_wait3A_363] : memref<65x128xi32, #tpu.memory_space<vmem>> -> memref<1x128xi32, #tpu.memory_space<vmem>>
          %dma_wait3A_365 = tpu.memref_squeeze %dma_wait3A_364 : memref<1x128xi32, #tpu.memory_space<vmem>> -> memref<128xi32, #tpu.memory_space<vmem>>
          %dma_wait3A_366 = arith.constant 0 : i32
          %dma_wait3A_367 = arith.constant 0 : i32
          %dma_wait3A_368 = tpu.memref_slice %arg6[%dma_wait3A_366, %dma_wait3A_367] : memref<266240x128xf32, #tpu.memory_space<hbm>> -> memref<266240x128xf32, #tpu.memory_space<hbm>>
          tpu.wait_indirect_dma semaphore(%arg27 : memref<!tpu.dma_semaphore, #tpu.memory_space<semaphore_mem>>) src(%arg17 : memref<128x128xf32, #tpu.memory_space<vmem>>) dst(%dma_wait3A_368 : memref<266240x128xf32, #tpu.memory_space<hbm>>)
        } else {
        }
        %add3A_349 = arith.constant 2 : i32
        %add3A_350 = arith.addi %while3A_252, %add3A_349 : i32
        %lt3A_351 = arith.cmpi slt, %add3A_350, %select_n3A_136 : i32
        %convert_element_type3A_352 = arith.extui %lt3A_351 : i1 to i32
        %cond3A_353 = arith.constant 0 : i32
        %cond3A_354 = arith.cmpi ne, %convert_element_type3A_352, %cond3A_353 : i32
        scf.if %cond3A_354 {
          %add3A_361 = arith.constant 2 : i32
          %add3A_362 = arith.addi %while3A_252, %add3A_361 : i32
          %mul3A_363 = arith.constant 128 : i32
          %mul3A_364 = arith.muli %add3A_362, %mul3A_363 : i32
          %dma_start3A_365 = tpu.memref_slice %arg15[%mul3A_364] : memref<8208xi32, #tpu.memory_space<vmem>> -> memref<128xi32, #tpu.memory_space<vmem>>
          %dma_start3A_366 = arith.constant 0 : i32
          %dma_start3A_367 = arith.constant 0 : i32
          %dma_start3A_368 = tpu.memref_slice %arg2[%dma_start3A_366, %dma_start3A_367] : memref<40000x128xf32, #tpu.memory_space<hbm>> -> memref<40000x128xf32, #tpu.memory_space<hbm>>
          tpu.enqueue_indirect_dma source(%dma_start3A_368 : memref<40000x128xf32, #tpu.memory_space<hbm>>) target(%arg17 : memref<128x128xf32, #tpu.memory_space<vmem>>) offsets(%dma_start3A_365 : memref<128xi32, #tpu.memory_space<vmem>>) semaphore(%arg23 : memref<!tpu.dma_semaphore, #tpu.memory_space<semaphore_mem>>)
        } else {
        }
        %dma_start3A_355 = arith.constant 0 : i32
        %dma_start3A_356 = tpu.memref_slice %arg16[%while3A_252, %dma_start3A_355] : memref<65x128xi32, #tpu.memory_space<vmem>> -> memref<1x128xi32, #tpu.memory_space<vmem>>
        %dma_start3A_357 = tpu.memref_squeeze %dma_start3A_356 : memref<1x128xi32, #tpu.memory_space<vmem>> -> memref<128xi32, #tpu.memory_space<vmem>>
        %dma_start3A_358 = arith.constant 0 : i32
        %dma_start3A_359 = arith.constant 0 : i32
        %dma_start3A_360 = tpu.memref_slice %arg6[%dma_start3A_358, %dma_start3A_359] : memref<266240x128xf32, #tpu.memory_space<hbm>> -> memref<266240x128xf32, #tpu.memory_space<hbm>>
        tpu.enqueue_indirect_dma source(%arg19 : memref<128x128xf32, #tpu.memory_space<vmem>>) target(%dma_start3A_360 : memref<266240x128xf32, #tpu.memory_space<hbm>>) offsets(%dma_start3A_357 : memref<128xi32, #tpu.memory_space<vmem>>) semaphore(%arg29 : memref<!tpu.dma_semaphore, #tpu.memory_space<semaphore_mem>>)
      } else {
      }
      %jit3A_317 = arith.constant 4 : i32
      %eq3A_318 = arith.constant 0 : i32
      %eq3A_319 = arith.cmpi eq, %jit3A_317, %eq3A_318 : i32
      %jit3A_320 = arith.constant 1 : i32
      %select_n3A_321 = arith.select %eq3A_319, %jit3A_320, %jit3A_317 : i32
      %rem3A_322 = arith.remsi %while3A_252, %select_n3A_321 : i32
      %ne3A_323 = arith.constant 0 : i32
      %ne3A_324 = arith.cmpi ne, %rem3A_322, %ne3A_323 : i32
      %lt3A_325 = arith.constant 0 : i32
      %lt3A_326 = arith.cmpi slt, %rem3A_322, %lt3A_325 : i32
      %lt3A_327 = arith.constant 0 : i32
      %lt3A_328 = arith.cmpi slt, %select_n3A_321, %lt3A_327 : i32
      %ne3A_329 = arith.xori %lt3A_326, %lt3A_328 : i1
      %and3A_330 = arith.andi %ne3A_329, %ne3A_324 : i1
      %add3A_331 = arith.addi %rem3A_322, %select_n3A_321 : i32
      %select_n3A_332 = arith.select %and3A_330, %add3A_331, %rem3A_322 : i32
      %eq3A_333 = arith.constant 3 : i32
      %eq3A_334 = arith.cmpi eq, %select_n3A_332, %eq3A_333 : i32
      %convert_element_type3A_335 = arith.extui %eq3A_334 : i1 to i32
      %cond3A_336 = arith.constant 0 : i32
      %cond3A_337 = arith.cmpi ne, %convert_element_type3A_335, %cond3A_336 : i32
      scf.if %cond3A_337 {
        %mul3A_339 = arith.constant 128 : i32
        %mul3A_340 = arith.muli %while3A_252, %mul3A_339 : i32
        %dma_wait3A_341 = tpu.memref_slice %arg15[%mul3A_340] : memref<8208xi32, #tpu.memory_space<vmem>> -> memref<128xi32, #tpu.memory_space<vmem>>
        %dma_wait3A_342 = arith.constant 0 : i32
        %dma_wait3A_343 = arith.constant 0 : i32
        %dma_wait3A_344 = tpu.memref_slice %arg2[%dma_wait3A_342, %dma_wait3A_343] : memref<40000x128xf32, #tpu.memory_space<hbm>> -> memref<40000x128xf32, #tpu.memory_space<hbm>>
        tpu.wait_indirect_dma semaphore(%arg26 : memref<!tpu.dma_semaphore, #tpu.memory_space<semaphore_mem>>) src(%dma_wait3A_344 : memref<40000x128xf32, #tpu.memory_space<hbm>>) dst(%arg20 : memref<128x128xf32, #tpu.memory_space<vmem>>)
        %ge3A = arith.constant 2 : i32
        %ge3A_345 = arith.cmpi sge, %while3A_252, %ge3A : i32
        %convert_element_type3A_346 = arith.extui %ge3A_345 : i1 to i32
        %cond3A_347 = arith.constant 0 : i32
        %cond3A_348 = arith.cmpi ne, %convert_element_type3A_346, %cond3A_347 : i32
        scf.if %cond3A_348 {
          %sub3A_361 = arith.constant 2 : i32
          %sub3A_362 = arith.subi %while3A_252, %sub3A_361 : i32
          %dma_wait3A_363 = arith.constant 0 : i32
          %dma_wait3A_364 = tpu.memref_slice %arg16[%sub3A_362, %dma_wait3A_363] : memref<65x128xi32, #tpu.memory_space<vmem>> -> memref<1x128xi32, #tpu.memory_space<vmem>>
          %dma_wait3A_365 = tpu.memref_squeeze %dma_wait3A_364 : memref<1x128xi32, #tpu.memory_space<vmem>> -> memref<128xi32, #tpu.memory_space<vmem>>
          %dma_wait3A_366 = arith.constant 0 : i32
          %dma_wait3A_367 = arith.constant 0 : i32
          %dma_wait3A_368 = tpu.memref_slice %arg6[%dma_wait3A_366, %dma_wait3A_367] : memref<266240x128xf32, #tpu.memory_space<hbm>> -> memref<266240x128xf32, #tpu.memory_space<hbm>>
          tpu.wait_indirect_dma semaphore(%arg28 : memref<!tpu.dma_semaphore, #tpu.memory_space<semaphore_mem>>) src(%arg18 : memref<128x128xf32, #tpu.memory_space<vmem>>) dst(%dma_wait3A_368 : memref<266240x128xf32, #tpu.memory_space<hbm>>)
        } else {
        }
        %add3A_349 = arith.constant 2 : i32
        %add3A_350 = arith.addi %while3A_252, %add3A_349 : i32
        %lt3A_351 = arith.cmpi slt, %add3A_350, %select_n3A_136 : i32
        %convert_element_type3A_352 = arith.extui %lt3A_351 : i1 to i32
        %cond3A_353 = arith.constant 0 : i32
        %cond3A_354 = arith.cmpi ne, %convert_element_type3A_352, %cond3A_353 : i32
        scf.if %cond3A_354 {
          %add3A_361 = arith.constant 2 : i32
          %add3A_362 = arith.addi %while3A_252, %add3A_361 : i32
          %mul3A_363 = arith.constant 128 : i32
          %mul3A_364 = arith.muli %add3A_362, %mul3A_363 : i32
          %dma_start3A_365 = tpu.memref_slice %arg15[%mul3A_364] : memref<8208xi32, #tpu.memory_space<vmem>> -> memref<128xi32, #tpu.memory_space<vmem>>
          %dma_start3A_366 = arith.constant 0 : i32
          %dma_start3A_367 = arith.constant 0 : i32
          %dma_start3A_368 = tpu.memref_slice %arg2[%dma_start3A_366, %dma_start3A_367] : memref<40000x128xf32, #tpu.memory_space<hbm>> -> memref<40000x128xf32, #tpu.memory_space<hbm>>
          tpu.enqueue_indirect_dma source(%dma_start3A_368 : memref<40000x128xf32, #tpu.memory_space<hbm>>) target(%arg18 : memref<128x128xf32, #tpu.memory_space<vmem>>) offsets(%dma_start3A_365 : memref<128xi32, #tpu.memory_space<vmem>>) semaphore(%arg24 : memref<!tpu.dma_semaphore, #tpu.memory_space<semaphore_mem>>)
        } else {
        }
        %dma_start3A_355 = arith.constant 0 : i32
        %dma_start3A_356 = tpu.memref_slice %arg16[%while3A_252, %dma_start3A_355] : memref<65x128xi32, #tpu.memory_space<vmem>> -> memref<1x128xi32, #tpu.memory_space<vmem>>
        %dma_start3A_357 = tpu.memref_squeeze %dma_start3A_356 : memref<1x128xi32, #tpu.memory_space<vmem>> -> memref<128xi32, #tpu.memory_space<vmem>>
        %dma_start3A_358 = arith.constant 0 : i32
        %dma_start3A_359 = arith.constant 0 : i32
        %dma_start3A_360 = tpu.memref_slice %arg6[%dma_start3A_358, %dma_start3A_359] : memref<266240x128xf32, #tpu.memory_space<hbm>> -> memref<266240x128xf32, #tpu.memory_space<hbm>>
        tpu.enqueue_indirect_dma source(%arg20 : memref<128x128xf32, #tpu.memory_space<vmem>>) target(%dma_start3A_360 : memref<266240x128xf32, #tpu.memory_space<hbm>>) offsets(%dma_start3A_357 : memref<128xi32, #tpu.memory_space<vmem>>) semaphore(%arg30 : memref<!tpu.dma_semaphore, #tpu.memory_space<semaphore_mem>>)
      } else {
      }
      %while3A_338 = arith.constant 0 : i32
      scf.yield %while3A_338 : i32
    }
    %gt3A_155 = arith.constant 1 : i32
    "tpu.trace_stop"() : () -> ()
    %gt3A_156 = arith.cmpi sgt, %select_n3A_136, %gt3A_155 : i32
    %sub3A_157 = arith.constant 2 : i32
    %sub3A_158 = arith.subi %select_n3A_136, %sub3A_157 : i32
    %rem3A_159 = arith.constant 4 : i32
    %rem3A_160 = arith.remsi %sub3A_158, %rem3A_159 : i32
    %eq3A_161 = arith.constant 0 : i32
    %eq3A_162 = arith.cmpi eq, %rem3A_160, %eq3A_161 : i32
    %and3A_163 = arith.andi %gt3A_156, %eq3A_162 : i1
    %convert_element_type3A_164 = arith.extui %and3A_163 : i1 to i32
    %cond3A_165 = arith.constant 0 : i32
    %cond3A_166 = arith.cmpi ne, %convert_element_type3A_164, %cond3A_165 : i32
    scf.if %cond3A_166 {
      %sub3A_252 = arith.constant 2 : i32
      %sub3A_253 = arith.subi %select_n3A_136, %sub3A_252 : i32
      %dma_wait3A_254 = arith.constant 0 : i32
      %dma_wait3A_255 = tpu.memref_slice %arg16[%sub3A_253, %dma_wait3A_254] : memref<65x128xi32, #tpu.memory_space<vmem>> -> memref<1x128xi32, #tpu.memory_space<vmem>>
      %dma_wait3A_256 = tpu.memref_squeeze %dma_wait3A_255 : memref<1x128xi32, #tpu.memory_space<vmem>> -> memref<128xi32, #tpu.memory_space<vmem>>
      %dma_wait3A_257 = arith.constant 0 : i32
      %dma_wait3A_258 = arith.constant 0 : i32
      %dma_wait3A_259 = tpu.memref_slice %arg6[%dma_wait3A_257, %dma_wait3A_258] : memref<266240x128xf32, #tpu.memory_space<hbm>> -> memref<266240x128xf32, #tpu.memory_space<hbm>>
      tpu.wait_indirect_dma semaphore(%arg27 : memref<!tpu.dma_semaphore, #tpu.memory_space<semaphore_mem>>) src(%arg17 : memref<128x128xf32, #tpu.memory_space<vmem>>) dst(%dma_wait3A_259 : memref<266240x128xf32, #tpu.memory_space<hbm>>)
    } else {
    }
    %gt3A_167 = arith.constant 0 : i32
    %gt3A_168 = arith.cmpi sgt, %select_n3A_136, %gt3A_167 : i32
    %sub3A_169 = arith.constant 1 : i32
    %sub3A_170 = arith.subi %select_n3A_136, %sub3A_169 : i32
    %rem3A_171 = arith.constant 4 : i32
    %rem3A_172 = arith.remsi %sub3A_170, %rem3A_171 : i32
    %eq3A_173 = arith.constant 0 : i32
    %eq3A_174 = arith.cmpi eq, %rem3A_172, %eq3A_173 : i32
    %and3A_175 = arith.andi %gt3A_168, %eq3A_174 : i1
    %convert_element_type3A_176 = arith.extui %and3A_175 : i1 to i32
    %cond3A_177 = arith.constant 0 : i32
    %cond3A_178 = arith.cmpi ne, %convert_element_type3A_176, %cond3A_177 : i32
    scf.if %cond3A_178 {
      %sub3A_252 = arith.constant 1 : i32
      %sub3A_253 = arith.subi %select_n3A_136, %sub3A_252 : i32
      %dma_wait3A_254 = arith.constant 0 : i32
      %dma_wait3A_255 = tpu.memref_slice %arg16[%sub3A_253, %dma_wait3A_254] : memref<65x128xi32, #tpu.memory_space<vmem>> -> memref<1x128xi32, #tpu.memory_space<vmem>>
      %dma_wait3A_256 = tpu.memref_squeeze %dma_wait3A_255 : memref<1x128xi32, #tpu.memory_space<vmem>> -> memref<128xi32, #tpu.memory_space<vmem>>
      %dma_wait3A_257 = arith.constant 0 : i32
      %dma_wait3A_258 = arith.constant 0 : i32
      %dma_wait3A_259 = tpu.memref_slice %arg6[%dma_wait3A_257, %dma_wait3A_258] : memref<266240x128xf32, #tpu.memory_space<hbm>> -> memref<266240x128xf32, #tpu.memory_space<hbm>>
      tpu.wait_indirect_dma semaphore(%arg27 : memref<!tpu.dma_semaphore, #tpu.memory_space<semaphore_mem>>) src(%arg17 : memref<128x128xf32, #tpu.memory_space<vmem>>) dst(%dma_wait3A_259 : memref<266240x128xf32, #tpu.memory_space<hbm>>)
    } else {
    }
    %gt3A_179 = arith.constant 1 : i32
    %gt3A_180 = arith.cmpi sgt, %select_n3A_136, %gt3A_179 : i32
    %sub3A_181 = arith.constant 2 : i32
    %sub3A_182 = arith.subi %select_n3A_136, %sub3A_181 : i32
    %rem3A_183 = arith.constant 4 : i32
    %rem3A_184 = arith.remsi %sub3A_182, %rem3A_183 : i32
    %eq3A_185 = arith.constant 1 : i32
    %eq3A_186 = arith.cmpi eq, %rem3A_184, %eq3A_185 : i32
    %and3A_187 = arith.andi %gt3A_180, %eq3A_186 : i1
    %convert_element_type3A_188 = arith.extui %and3A_187 : i1 to i32
    %cond3A_189 = arith.constant 0 : i32
    %cond3A_190 = arith.cmpi ne, %convert_element_type3A_188, %cond3A_189 : i32
    scf.if %cond3A_190 {
      %sub3A_252 = arith.constant 2 : i32
      %sub3A_253 = arith.subi %select_n3A_136, %sub3A_252 : i32
      %dma_wait3A_254 = arith.constant 0 : i32
      %dma_wait3A_255 = tpu.memref_slice %arg16[%sub3A_253, %dma_wait3A_254] : memref<65x128xi32, #tpu.memory_space<vmem>> -> memref<1x128xi32, #tpu.memory_space<vmem>>
      %dma_wait3A_256 = tpu.memref_squeeze %dma_wait3A_255 : memref<1x128xi32, #tpu.memory_space<vmem>> -> memref<128xi32, #tpu.memory_space<vmem>>
      %dma_wait3A_257 = arith.constant 0 : i32
      %dma_wait3A_258 = arith.constant 0 : i32
      %dma_wait3A_259 = tpu.memref_slice %arg6[%dma_wait3A_257, %dma_wait3A_258] : memref<266240x128xf32, #tpu.memory_space<hbm>> -> memref<266240x128xf32, #tpu.memory_space<hbm>>
      tpu.wait_indirect_dma semaphore(%arg28 : memref<!tpu.dma_semaphore, #tpu.memory_space<semaphore_mem>>) src(%arg18 : memref<128x128xf32, #tpu.memory_space<vmem>>) dst(%dma_wait3A_259 : memref<266240x128xf32, #tpu.memory_space<hbm>>)
    } else {
    }
    %gt3A_191 = arith.constant 0 : i32
    %gt3A_192 = arith.cmpi sgt, %select_n3A_136, %gt3A_191 : i32
    %sub3A_193 = arith.constant 1 : i32
    %sub3A_194 = arith.subi %select_n3A_136, %sub3A_193 : i32
    %rem3A_195 = arith.constant 4 : i32
    %rem3A_196 = arith.remsi %sub3A_194, %rem3A_195 : i32
    %eq3A_197 = arith.constant 1 : i32
    %eq3A_198 = arith.cmpi eq, %rem3A_196, %eq3A_197 : i32
    %and3A_199 = arith.andi %gt3A_192, %eq3A_198 : i1
    %convert_element_type3A_200 = arith.extui %and3A_199 : i1 to i32
    %cond3A_201 = arith.constant 0 : i32
    %cond3A_202 = arith.cmpi ne, %convert_element_type3A_200, %cond3A_201 : i32
    scf.if %cond3A_202 {
      %sub3A_252 = arith.constant 1 : i32
      %sub3A_253 = arith.subi %select_n3A_136, %sub3A_252 : i32
      %dma_wait3A_254 = arith.constant 0 : i32
      %dma_wait3A_255 = tpu.memref_slice %arg16[%sub3A_253, %dma_wait3A_254] : memref<65x128xi32, #tpu.memory_space<vmem>> -> memref<1x128xi32, #tpu.memory_space<vmem>>
      %dma_wait3A_256 = tpu.memref_squeeze %dma_wait3A_255 : memref<1x128xi32, #tpu.memory_space<vmem>> -> memref<128xi32, #tpu.memory_space<vmem>>
      %dma_wait3A_257 = arith.constant 0 : i32
      %dma_wait3A_258 = arith.constant 0 : i32
      %dma_wait3A_259 = tpu.memref_slice %arg6[%dma_wait3A_257, %dma_wait3A_258] : memref<266240x128xf32, #tpu.memory_space<hbm>> -> memref<266240x128xf32, #tpu.memory_space<hbm>>
      tpu.wait_indirect_dma semaphore(%arg28 : memref<!tpu.dma_semaphore, #tpu.memory_space<semaphore_mem>>) src(%arg18 : memref<128x128xf32, #tpu.memory_space<vmem>>) dst(%dma_wait3A_259 : memref<266240x128xf32, #tpu.memory_space<hbm>>)
    } else {
    }
    %gt3A_203 = arith.constant 1 : i32
    %gt3A_204 = arith.cmpi sgt, %select_n3A_136, %gt3A_203 : i32
    %sub3A_205 = arith.constant 2 : i32
    %sub3A_206 = arith.subi %select_n3A_136, %sub3A_205 : i32
    %rem3A_207 = arith.constant 4 : i32
    %rem3A_208 = arith.remsi %sub3A_206, %rem3A_207 : i32
    %eq3A_209 = arith.constant 2 : i32
    %eq3A_210 = arith.cmpi eq, %rem3A_208, %eq3A_209 : i32
    %and3A_211 = arith.andi %gt3A_204, %eq3A_210 : i1
    %convert_element_type3A_212 = arith.extui %and3A_211 : i1 to i32
    %cond3A_213 = arith.constant 0 : i32
    %cond3A_214 = arith.cmpi ne, %convert_element_type3A_212, %cond3A_213 : i32
    scf.if %cond3A_214 {
      %sub3A_252 = arith.constant 2 : i32
      %sub3A_253 = arith.subi %select_n3A_136, %sub3A_252 : i32
      %dma_wait3A_254 = arith.constant 0 : i32
      %dma_wait3A_255 = tpu.memref_slice %arg16[%sub3A_253, %dma_wait3A_254] : memref<65x128xi32, #tpu.memory_space<vmem>> -> memref<1x128xi32, #tpu.memory_space<vmem>>
      %dma_wait3A_256 = tpu.memref_squeeze %dma_wait3A_255 : memref<1x128xi32, #tpu.memory_space<vmem>> -> memref<128xi32, #tpu.memory_space<vmem>>
      %dma_wait3A_257 = arith.constant 0 : i32
      %dma_wait3A_258 = arith.constant 0 : i32
      %dma_wait3A_259 = tpu.memref_slice %arg6[%dma_wait3A_257, %dma_wait3A_258] : memref<266240x128xf32, #tpu.memory_space<hbm>> -> memref<266240x128xf32, #tpu.memory_space<hbm>>
      tpu.wait_indirect_dma semaphore(%arg29 : memref<!tpu.dma_semaphore, #tpu.memory_space<semaphore_mem>>) src(%arg19 : memref<128x128xf32, #tpu.memory_space<vmem>>) dst(%dma_wait3A_259 : memref<266240x128xf32, #tpu.memory_space<hbm>>)
    } else {
    }
    %gt3A_215 = arith.constant 0 : i32
    %gt3A_216 = arith.cmpi sgt, %select_n3A_136, %gt3A_215 : i32
    %sub3A_217 = arith.constant 1 : i32
    %sub3A_218 = arith.subi %select_n3A_136, %sub3A_217 : i32
    %rem3A_219 = arith.constant 4 : i32
    %rem3A_220 = arith.remsi %sub3A_218, %rem3A_219 : i32
    %eq3A_221 = arith.constant 2 : i32
    %eq3A_222 = arith.cmpi eq, %rem3A_220, %eq3A_221 : i32
    %and3A_223 = arith.andi %gt3A_216, %eq3A_222 : i1
    %convert_element_type3A_224 = arith.extui %and3A_223 : i1 to i32
    %cond3A_225 = arith.constant 0 : i32
    %cond3A_226 = arith.cmpi ne, %convert_element_type3A_224, %cond3A_225 : i32
    scf.if %cond3A_226 {
      %sub3A_252 = arith.constant 1 : i32
      %sub3A_253 = arith.subi %select_n3A_136, %sub3A_252 : i32
      %dma_wait3A_254 = arith.constant 0 : i32
      %dma_wait3A_255 = tpu.memref_slice %arg16[%sub3A_253, %dma_wait3A_254] : memref<65x128xi32, #tpu.memory_space<vmem>> -> memref<1x128xi32, #tpu.memory_space<vmem>>
      %dma_wait3A_256 = tpu.memref_squeeze %dma_wait3A_255 : memref<1x128xi32, #tpu.memory_space<vmem>> -> memref<128xi32, #tpu.memory_space<vmem>>
      %dma_wait3A_257 = arith.constant 0 : i32
      %dma_wait3A_258 = arith.constant 0 : i32
      %dma_wait3A_259 = tpu.memref_slice %arg6[%dma_wait3A_257, %dma_wait3A_258] : memref<266240x128xf32, #tpu.memory_space<hbm>> -> memref<266240x128xf32, #tpu.memory_space<hbm>>
      tpu.wait_indirect_dma semaphore(%arg29 : memref<!tpu.dma_semaphore, #tpu.memory_space<semaphore_mem>>) src(%arg19 : memref<128x128xf32, #tpu.memory_space<vmem>>) dst(%dma_wait3A_259 : memref<266240x128xf32, #tpu.memory_space<hbm>>)
    } else {
    }
    %gt3A_227 = arith.constant 1 : i32
    %gt3A_228 = arith.cmpi sgt, %select_n3A_136, %gt3A_227 : i32
    %sub3A_229 = arith.constant 2 : i32
    %sub3A_230 = arith.subi %select_n3A_136, %sub3A_229 : i32
    %rem3A_231 = arith.constant 4 : i32
    %rem3A_232 = arith.remsi %sub3A_230, %rem3A_231 : i32
    %eq3A_233 = arith.constant 3 : i32
    %eq3A_234 = arith.cmpi eq, %rem3A_232, %eq3A_233 : i32
    %and3A_235 = arith.andi %gt3A_228, %eq3A_234 : i1
    %convert_element_type3A_236 = arith.extui %and3A_235 : i1 to i32
    %cond3A_237 = arith.constant 0 : i32
    %cond3A_238 = arith.cmpi ne, %convert_element_type3A_236, %cond3A_237 : i32
    scf.if %cond3A_238 {
      %sub3A_252 = arith.constant 2 : i32
      %sub3A_253 = arith.subi %select_n3A_136, %sub3A_252 : i32
      %dma_wait3A_254 = arith.constant 0 : i32
      %dma_wait3A_255 = tpu.memref_slice %arg16[%sub3A_253, %dma_wait3A_254] : memref<65x128xi32, #tpu.memory_space<vmem>> -> memref<1x128xi32, #tpu.memory_space<vmem>>
      %dma_wait3A_256 = tpu.memref_squeeze %dma_wait3A_255 : memref<1x128xi32, #tpu.memory_space<vmem>> -> memref<128xi32, #tpu.memory_space<vmem>>
      %dma_wait3A_257 = arith.constant 0 : i32
      %dma_wait3A_258 = arith.constant 0 : i32
      %dma_wait3A_259 = tpu.memref_slice %arg6[%dma_wait3A_257, %dma_wait3A_258] : memref<266240x128xf32, #tpu.memory_space<hbm>> -> memref<266240x128xf32, #tpu.memory_space<hbm>>
      tpu.wait_indirect_dma semaphore(%arg30 : memref<!tpu.dma_semaphore, #tpu.memory_space<semaphore_mem>>) src(%arg20 : memref<128x128xf32, #tpu.memory_space<vmem>>) dst(%dma_wait3A_259 : memref<266240x128xf32, #tpu.memory_space<hbm>>)
    } else {
    }
    %gt3A_239 = arith.constant 0 : i32
    %gt3A_240 = arith.cmpi sgt, %select_n3A_136, %gt3A_239 : i32
    %sub3A_241 = arith.constant 1 : i32
    %sub3A_242 = arith.subi %select_n3A_136, %sub3A_241 : i32
    %rem3A_243 = arith.constant 4 : i32
    %rem3A_244 = arith.remsi %sub3A_242, %rem3A_243 : i32
    %eq3A_245 = arith.constant 3 : i32
    %eq3A_246 = arith.cmpi eq, %rem3A_244, %eq3A_245 : i32
    %and3A_247 = arith.andi %gt3A_240, %eq3A_246 : i1
    %convert_element_type3A_248 = arith.extui %and3A_247 : i1 to i32
    %cond3A_249 = arith.constant 0 : i32
    %cond3A_250 = arith.cmpi ne, %convert_element_type3A_248, %cond3A_249 : i32
    scf.if %cond3A_250 {
      %sub3A_252 = arith.constant 1 : i32
      %sub3A_253 = arith.subi %select_n3A_136, %sub3A_252 : i32
      %dma_wait3A_254 = arith.constant 0 : i32
      %dma_wait3A_255 = tpu.memref_slice %arg16[%sub3A_253, %dma_wait3A_254] : memref<65x128xi32, #tpu.memory_space<vmem>> -> memref<1x128xi32, #tpu.memory_space<vmem>>
      %dma_wait3A_256 = tpu.memref_squeeze %dma_wait3A_255 : memref<1x128xi32, #tpu.memory_space<vmem>> -> memref<128xi32, #tpu.memory_space<vmem>>
      %dma_wait3A_257 = arith.constant 0 : i32
      %dma_wait3A_258 = arith.constant 0 : i32
      %dma_wait3A_259 = tpu.memref_slice %arg6[%dma_wait3A_257, %dma_wait3A_258] : memref<266240x128xf32, #tpu.memory_space<hbm>> -> memref<266240x128xf32, #tpu.memory_space<hbm>>
      tpu.wait_indirect_dma semaphore(%arg30 : memref<!tpu.dma_semaphore, #tpu.memory_space<semaphore_mem>>) src(%arg20 : memref<128x128xf32, #tpu.memory_space<vmem>>) dst(%dma_wait3A_259 : memref<266240x128xf32, #tpu.memory_space<hbm>>)
    } else {
    }
    %dma_wait3A = tpu.memref_slice %arg7[%mul3A_2] : memref<262144xi32, #tpu.memory_space<hbm>> -> memref<8192xi32, #tpu.memory_space<hbm>>
    %dma_wait3A_251 = tpu.memref_slice %arg7[%mul3A_2] : memref<262144xi32, #tpu.memory_space<hbm>> -> memref<8192xi32, #tpu.memory_space<hbm>>
    tpu.wait_dma2 semaphore(%arg21 : memref<!tpu.dma_semaphore, #tpu.memory_space<semaphore_mem>>) src(%arg14 : memref<8192xi32, #tpu.memory_space<vmem>>) dst(%dma_wait3A_251 : memref<8192xi32, #tpu.memory_space<hbm>>)
    return
  }
}

module attributes {stable_mosaic.version = 14 : i64} {
  func.func @_tc_body(%arg0: i32, %arg1: memref<4096x128xf32, #tpu.memory_space<vmem>>, %arg2: memref<1x1x4096xi32, #tpu.memory_space<vmem>>, %arg3: memref<128x8x512xf32, #tpu.memory_space<vmem>>) attributes {dimension_semantics = [#tpu.dimension_semantics<arbitrary>], iteration_bounds = array<i64: 64>, scalar_prefetch = 0 : i64, scratch_operands = 0 : i64, tpu.core_type = #tpu.core_type<tc>, window_params = [{transform_indices = @transform_0, window_bounds = array<i64: 4096, 128>}, {transform_indices = @transform_1, window_bounds = array<i64: 1, 1, 4096>}, {transform_indices = @transform_2, window_bounds = array<i64: 128, 8, 512>}]} {
    %get3A = arith.constant 0 : index
    %get3A_0 = arith.constant 0 : index
    %get3A_1 = vector.load %arg1[%get3A, %get3A_0] : memref<4096x128xf32, #tpu.memory_space<vmem>>, vector<512x128xf32>
    %get3A_2 = arith.constant 0 : index
    %get3A_3 = arith.constant 0 : index
    %get3A_4 = arith.constant 0 : index
    %get3A_5 = vector.load %arg2[%get3A_2, %get3A_3, %get3A_4] : memref<1x1x4096xi32, #tpu.memory_space<vmem>>, vector<1x1x512xi32>
    %get3A_6 = vector.shape_cast %get3A_5 : vector<1x1x512xi32> to vector<512xi32>
    %ge3A = arith.constant 0 : i32
    %ge3A_7 = vector.broadcast %ge3A : i32 to vector<512xi32>
    %ge3A_8 = arith.cmpi sge, %get3A_6, %ge3A_7 : vector<512xi32>
    %reshape3A = vector.shape_cast %ge3A_8 : vector<512xi1> to vector<1x512xi1>
    %transpose3A = tpu.transpose %get3A_1, [1, 0] : vector<512x128xf32> -> vector<128x512xf32>
    %jit3A = arith.constant 0.000000e+00 : f32
    %broadcast_in_dim3A = vector.shape_cast %reshape3A : vector<1x512xi1> to vector<1x512xi1>
    %broadcast_in_dim3A_9 = vector.broadcast %broadcast_in_dim3A : vector<1x512xi1> to vector<128x512xi1>
    %broadcast_in_dim3A_10 = vector.broadcast %jit3A : f32 to vector<128x512xf32>
    %select_n3A = arith.select %broadcast_in_dim3A_9, %transpose3A, %broadcast_in_dim3A_10 : vector<128x512xi1>, vector<128x512xf32>
    %swap3A = arith.constant 0 : index
    %swap3A_11 = arith.constant 0 : index
    %swap3A_12 = arith.constant 0 : index
    %swap3A_13 = vector.load %arg3[%swap3A, %swap3A_11, %swap3A_12] : memref<128x8x512xf32, #tpu.memory_space<vmem>>, vector<128x1x512xf32>
    %swap3A_14 = vector.shape_cast %swap3A_13 : vector<128x1x512xf32> to vector<128x512xf32>
    %swap3A_15 = vector.shape_cast %select_n3A : vector<128x512xf32> to vector<128x1x512xf32>
    tpu.vector_store %arg3[%swap3A, %swap3A_11, %swap3A_12], %swap3A_15 {strides = array<i32>} : memref<128x8x512xf32, #tpu.memory_space<vmem>>, vector<128x1x512xf32>,
    %get3A_16 = arith.constant 512 : index
    %get3A_17 = arith.constant 0 : index
    %get3A_18 = vector.load %arg1[%get3A_16, %get3A_17] : memref<4096x128xf32, #tpu.memory_space<vmem>>, vector<512x128xf32>
    %get3A_19 = arith.constant 0 : index
    %get3A_20 = arith.constant 0 : index
    %get3A_21 = arith.constant 512 : index
    %get3A_22 = vector.load %arg2[%get3A_19, %get3A_20, %get3A_21] : memref<1x1x4096xi32, #tpu.memory_space<vmem>>, vector<1x1x512xi32>
    %get3A_23 = vector.shape_cast %get3A_22 : vector<1x1x512xi32> to vector<512xi32>
    %ge3A_24 = arith.constant 0 : i32
    %ge3A_25 = vector.broadcast %ge3A_24 : i32 to vector<512xi32>
    %ge3A_26 = arith.cmpi sge, %get3A_23, %ge3A_25 : vector<512xi32>
    %reshape3A_27 = vector.shape_cast %ge3A_26 : vector<512xi1> to vector<1x512xi1>
    %transpose3A_28 = tpu.transpose %get3A_18, [1, 0] : vector<512x128xf32> -> vector<128x512xf32>
    %jit3A_29 = arith.constant 0.000000e+00 : f32
    %broadcast_in_dim3A_30 = vector.shape_cast %reshape3A_27 : vector<1x512xi1> to vector<1x512xi1>
    %broadcast_in_dim3A_31 = vector.broadcast %broadcast_in_dim3A_30 : vector<1x512xi1> to vector<128x512xi1>
    %broadcast_in_dim3A_32 = vector.broadcast %jit3A_29 : f32 to vector<128x512xf32>
    %select_n3A_33 = arith.select %broadcast_in_dim3A_31, %transpose3A_28, %broadcast_in_dim3A_32 : vector<128x512xi1>, vector<128x512xf32>
    %swap3A_34 = arith.constant 0 : index
    %swap3A_35 = arith.constant 1 : index
    %swap3A_36 = arith.constant 0 : index
    %swap3A_37 = vector.load %arg3[%swap3A_34, %swap3A_35, %swap3A_36] : memref<128x8x512xf32, #tpu.memory_space<vmem>>, vector<128x1x512xf32>
    %swap3A_38 = vector.shape_cast %swap3A_37 : vector<128x1x512xf32> to vector<128x512xf32>
    %swap3A_39 = vector.shape_cast %select_n3A_33 : vector<128x512xf32> to vector<128x1x512xf32>
    tpu.vector_store %arg3[%swap3A_34, %swap3A_35, %swap3A_36], %swap3A_39 {strides = array<i32>} : memref<128x8x512xf32, #tpu.memory_space<vmem>>, vector<128x1x512xf32>,
    %get3A_40 = arith.constant 1024 : index
    %get3A_41 = arith.constant 0 : index
    %get3A_42 = vector.load %arg1[%get3A_40, %get3A_41] : memref<4096x128xf32, #tpu.memory_space<vmem>>, vector<512x128xf32>
    %get3A_43 = arith.constant 0 : index
    %get3A_44 = arith.constant 0 : index
    %get3A_45 = arith.constant 1024 : index
    %get3A_46 = vector.load %arg2[%get3A_43, %get3A_44, %get3A_45] : memref<1x1x4096xi32, #tpu.memory_space<vmem>>, vector<1x1x512xi32>
    %get3A_47 = vector.shape_cast %get3A_46 : vector<1x1x512xi32> to vector<512xi32>
    %ge3A_48 = arith.constant 0 : i32
    %ge3A_49 = vector.broadcast %ge3A_48 : i32 to vector<512xi32>
    %ge3A_50 = arith.cmpi sge, %get3A_47, %ge3A_49 : vector<512xi32>
    %reshape3A_51 = vector.shape_cast %ge3A_50 : vector<512xi1> to vector<1x512xi1>
    %transpose3A_52 = tpu.transpose %get3A_42, [1, 0] : vector<512x128xf32> -> vector<128x512xf32>
    %jit3A_53 = arith.constant 0.000000e+00 : f32
    %broadcast_in_dim3A_54 = vector.shape_cast %reshape3A_51 : vector<1x512xi1> to vector<1x512xi1>
    %broadcast_in_dim3A_55 = vector.broadcast %broadcast_in_dim3A_54 : vector<1x512xi1> to vector<128x512xi1>
    %broadcast_in_dim3A_56 = vector.broadcast %jit3A_53 : f32 to vector<128x512xf32>
    %select_n3A_57 = arith.select %broadcast_in_dim3A_55, %transpose3A_52, %broadcast_in_dim3A_56 : vector<128x512xi1>, vector<128x512xf32>
    %swap3A_58 = arith.constant 0 : index
    %swap3A_59 = arith.constant 2 : index
    %swap3A_60 = arith.constant 0 : index
    %swap3A_61 = vector.load %arg3[%swap3A_58, %swap3A_59, %swap3A_60] : memref<128x8x512xf32, #tpu.memory_space<vmem>>, vector<128x1x512xf32>
    %swap3A_62 = vector.shape_cast %swap3A_61 : vector<128x1x512xf32> to vector<128x512xf32>
    %swap3A_63 = vector.shape_cast %select_n3A_57 : vector<128x512xf32> to vector<128x1x512xf32>
    tpu.vector_store %arg3[%swap3A_58, %swap3A_59, %swap3A_60], %swap3A_63 {strides = array<i32>} : memref<128x8x512xf32, #tpu.memory_space<vmem>>, vector<128x1x512xf32>,
    %get3A_64 = arith.constant 1536 : index
    %get3A_65 = arith.constant 0 : index
    %get3A_66 = vector.load %arg1[%get3A_64, %get3A_65] : memref<4096x128xf32, #tpu.memory_space<vmem>>, vector<512x128xf32>
    %get3A_67 = arith.constant 0 : index
    %get3A_68 = arith.constant 0 : index
    %get3A_69 = arith.constant 1536 : index
    %get3A_70 = vector.load %arg2[%get3A_67, %get3A_68, %get3A_69] : memref<1x1x4096xi32, #tpu.memory_space<vmem>>, vector<1x1x512xi32>
    %get3A_71 = vector.shape_cast %get3A_70 : vector<1x1x512xi32> to vector<512xi32>
    %ge3A_72 = arith.constant 0 : i32
    %ge3A_73 = vector.broadcast %ge3A_72 : i32 to vector<512xi32>
    %ge3A_74 = arith.cmpi sge, %get3A_71, %ge3A_73 : vector<512xi32>
    %reshape3A_75 = vector.shape_cast %ge3A_74 : vector<512xi1> to vector<1x512xi1>
    %transpose3A_76 = tpu.transpose %get3A_66, [1, 0] : vector<512x128xf32> -> vector<128x512xf32>
    %jit3A_77 = arith.constant 0.000000e+00 : f32
    %broadcast_in_dim3A_78 = vector.shape_cast %reshape3A_75 : vector<1x512xi1> to vector<1x512xi1>
    %broadcast_in_dim3A_79 = vector.broadcast %broadcast_in_dim3A_78 : vector<1x512xi1> to vector<128x512xi1>
    %broadcast_in_dim3A_80 = vector.broadcast %jit3A_77 : f32 to vector<128x512xf32>
    %select_n3A_81 = arith.select %broadcast_in_dim3A_79, %transpose3A_76, %broadcast_in_dim3A_80 : vector<128x512xi1>, vector<128x512xf32>
    %swap3A_82 = arith.constant 0 : index
    %swap3A_83 = arith.constant 3 : index
    %swap3A_84 = arith.constant 0 : index
    %swap3A_85 = vector.load %arg3[%swap3A_82, %swap3A_83, %swap3A_84] : memref<128x8x512xf32, #tpu.memory_space<vmem>>, vector<128x1x512xf32>
    %swap3A_86 = vector.shape_cast %swap3A_85 : vector<128x1x512xf32> to vector<128x512xf32>
    %swap3A_87 = vector.shape_cast %select_n3A_81 : vector<128x512xf32> to vector<128x1x512xf32>
    tpu.vector_store %arg3[%swap3A_82, %swap3A_83, %swap3A_84], %swap3A_87 {strides = array<i32>} : memref<128x8x512xf32, #tpu.memory_space<vmem>>, vector<128x1x512xf32>,
    %get3A_88 = arith.constant 2048 : index
    %get3A_89 = arith.constant 0 : index
    %get3A_90 = vector.load %arg1[%get3A_88, %get3A_89] : memref<4096x128xf32, #tpu.memory_space<vmem>>, vector<512x128xf32>
    %get3A_91 = arith.constant 0 : index
    %get3A_92 = arith.constant 0 : index
    %get3A_93 = arith.constant 2048 : index
    %get3A_94 = vector.load %arg2[%get3A_91, %get3A_92, %get3A_93] : memref<1x1x4096xi32, #tpu.memory_space<vmem>>, vector<1x1x512xi32>
    %get3A_95 = vector.shape_cast %get3A_94 : vector<1x1x512xi32> to vector<512xi32>
    %ge3A_96 = arith.constant 0 : i32
    %ge3A_97 = vector.broadcast %ge3A_96 : i32 to vector<512xi32>
    %ge3A_98 = arith.cmpi sge, %get3A_95, %ge3A_97 : vector<512xi32>
    %reshape3A_99 = vector.shape_cast %ge3A_98 : vector<512xi1> to vector<1x512xi1>
    %transpose3A_100 = tpu.transpose %get3A_90, [1, 0] : vector<512x128xf32> -> vector<128x512xf32>
    %jit3A_101 = arith.constant 0.000000e+00 : f32
    %broadcast_in_dim3A_102 = vector.shape_cast %reshape3A_99 : vector<1x512xi1> to vector<1x512xi1>
    %broadcast_in_dim3A_103 = vector.broadcast %broadcast_in_dim3A_102 : vector<1x512xi1> to vector<128x512xi1>
    %broadcast_in_dim3A_104 = vector.broadcast %jit3A_101 : f32 to vector<128x512xf32>
    %select_n3A_105 = arith.select %broadcast_in_dim3A_103, %transpose3A_100, %broadcast_in_dim3A_104 : vector<128x512xi1>, vector<128x512xf32>
    %swap3A_106 = arith.constant 0 : index
    %swap3A_107 = arith.constant 4 : index
    %swap3A_108 = arith.constant 0 : index
    %swap3A_109 = vector.load %arg3[%swap3A_106, %swap3A_107, %swap3A_108] : memref<128x8x512xf32, #tpu.memory_space<vmem>>, vector<128x1x512xf32>
    %swap3A_110 = vector.shape_cast %swap3A_109 : vector<128x1x512xf32> to vector<128x512xf32>
    %swap3A_111 = vector.shape_cast %select_n3A_105 : vector<128x512xf32> to vector<128x1x512xf32>
    tpu.vector_store %arg3[%swap3A_106, %swap3A_107, %swap3A_108], %swap3A_111 {strides = array<i32>} : memref<128x8x512xf32, #tpu.memory_space<vmem>>, vector<128x1x512xf32>,
    %get3A_112 = arith.constant 2560 : index
    %get3A_113 = arith.constant 0 : index
    %get3A_114 = vector.load %arg1[%get3A_112, %get3A_113] : memref<4096x128xf32, #tpu.memory_space<vmem>>, vector<512x128xf32>
    %get3A_115 = arith.constant 0 : index
    %get3A_116 = arith.constant 0 : index
    %get3A_117 = arith.constant 2560 : index
    %get3A_118 = vector.load %arg2[%get3A_115, %get3A_116, %get3A_117] : memref<1x1x4096xi32, #tpu.memory_space<vmem>>, vector<1x1x512xi32>
    %get3A_119 = vector.shape_cast %get3A_118 : vector<1x1x512xi32> to vector<512xi32>
    %ge3A_120 = arith.constant 0 : i32
    %ge3A_121 = vector.broadcast %ge3A_120 : i32 to vector<512xi32>
    %ge3A_122 = arith.cmpi sge, %get3A_119, %ge3A_121 : vector<512xi32>
    %reshape3A_123 = vector.shape_cast %ge3A_122 : vector<512xi1> to vector<1x512xi1>
    %transpose3A_124 = tpu.transpose %get3A_114, [1, 0] : vector<512x128xf32> -> vector<128x512xf32>
    %jit3A_125 = arith.constant 0.000000e+00 : f32
    %broadcast_in_dim3A_126 = vector.shape_cast %reshape3A_123 : vector<1x512xi1> to vector<1x512xi1>
    %broadcast_in_dim3A_127 = vector.broadcast %broadcast_in_dim3A_126 : vector<1x512xi1> to vector<128x512xi1>
    %broadcast_in_dim3A_128 = vector.broadcast %jit3A_125 : f32 to vector<128x512xf32>
    %select_n3A_129 = arith.select %broadcast_in_dim3A_127, %transpose3A_124, %broadcast_in_dim3A_128 : vector<128x512xi1>, vector<128x512xf32>
    %swap3A_130 = arith.constant 0 : index
    %swap3A_131 = arith.constant 5 : index
    %swap3A_132 = arith.constant 0 : index
    %swap3A_133 = vector.load %arg3[%swap3A_130, %swap3A_131, %swap3A_132] : memref<128x8x512xf32, #tpu.memory_space<vmem>>, vector<128x1x512xf32>
    %swap3A_134 = vector.shape_cast %swap3A_133 : vector<128x1x512xf32> to vector<128x512xf32>
    %swap3A_135 = vector.shape_cast %select_n3A_129 : vector<128x512xf32> to vector<128x1x512xf32>
    tpu.vector_store %arg3[%swap3A_130, %swap3A_131, %swap3A_132], %swap3A_135 {strides = array<i32>} : memref<128x8x512xf32, #tpu.memory_space<vmem>>, vector<128x1x512xf32>,
    %get3A_136 = arith.constant 3072 : index
    %get3A_137 = arith.constant 0 : index
    %get3A_138 = vector.load %arg1[%get3A_136, %get3A_137] : memref<4096x128xf32, #tpu.memory_space<vmem>>, vector<512x128xf32>
    %get3A_139 = arith.constant 0 : index
    %get3A_140 = arith.constant 0 : index
    %get3A_141 = arith.constant 3072 : index
    %get3A_142 = vector.load %arg2[%get3A_139, %get3A_140, %get3A_141] : memref<1x1x4096xi32, #tpu.memory_space<vmem>>, vector<1x1x512xi32>
    %get3A_143 = vector.shape_cast %get3A_142 : vector<1x1x512xi32> to vector<512xi32>
    %ge3A_144 = arith.constant 0 : i32
    %ge3A_145 = vector.broadcast %ge3A_144 : i32 to vector<512xi32>
    %ge3A_146 = arith.cmpi sge, %get3A_143, %ge3A_145 : vector<512xi32>
    %reshape3A_147 = vector.shape_cast %ge3A_146 : vector<512xi1> to vector<1x512xi1>
    %transpose3A_148 = tpu.transpose %get3A_138, [1, 0] : vector<512x128xf32> -> vector<128x512xf32>
    %jit3A_149 = arith.constant 0.000000e+00 : f32
    %broadcast_in_dim3A_150 = vector.shape_cast %reshape3A_147 : vector<1x512xi1> to vector<1x512xi1>
    %broadcast_in_dim3A_151 = vector.broadcast %broadcast_in_dim3A_150 : vector<1x512xi1> to vector<128x512xi1>
    %broadcast_in_dim3A_152 = vector.broadcast %jit3A_149 : f32 to vector<128x512xf32>
    %select_n3A_153 = arith.select %broadcast_in_dim3A_151, %transpose3A_148, %broadcast_in_dim3A_152 : vector<128x512xi1>, vector<128x512xf32>
    %swap3A_154 = arith.constant 0 : index
    %swap3A_155 = arith.constant 6 : index
    %swap3A_156 = arith.constant 0 : index
    %swap3A_157 = vector.load %arg3[%swap3A_154, %swap3A_155, %swap3A_156] : memref<128x8x512xf32, #tpu.memory_space<vmem>>, vector<128x1x512xf32>
    %swap3A_158 = vector.shape_cast %swap3A_157 : vector<128x1x512xf32> to vector<128x512xf32>
    %swap3A_159 = vector.shape_cast %select_n3A_153 : vector<128x512xf32> to vector<128x1x512xf32>
    tpu.vector_store %arg3[%swap3A_154, %swap3A_155, %swap3A_156], %swap3A_159 {strides = array<i32>} : memref<128x8x512xf32, #tpu.memory_space<vmem>>, vector<128x1x512xf32>,
    %get3A_160 = arith.constant 3584 : index
    %get3A_161 = arith.constant 0 : index
    %get3A_162 = vector.load %arg1[%get3A_160, %get3A_161] : memref<4096x128xf32, #tpu.memory_space<vmem>>, vector<512x128xf32>
    %get3A_163 = arith.constant 0 : index
    %get3A_164 = arith.constant 0 : index
    %get3A_165 = arith.constant 3584 : index
    %get3A_166 = vector.load %arg2[%get3A_163, %get3A_164, %get3A_165] : memref<1x1x4096xi32, #tpu.memory_space<vmem>>, vector<1x1x512xi32>
    %get3A_167 = vector.shape_cast %get3A_166 : vector<1x1x512xi32> to vector<512xi32>
    %ge3A_168 = arith.constant 0 : i32
    %ge3A_169 = vector.broadcast %ge3A_168 : i32 to vector<512xi32>
    %ge3A_170 = arith.cmpi sge, %get3A_167, %ge3A_169 : vector<512xi32>
    %reshape3A_171 = vector.shape_cast %ge3A_170 : vector<512xi1> to vector<1x512xi1>
    %transpose3A_172 = tpu.transpose %get3A_162, [1, 0] : vector<512x128xf32> -> vector<128x512xf32>
    %jit3A_173 = arith.constant 0.000000e+00 : f32
    %broadcast_in_dim3A_174 = vector.shape_cast %reshape3A_171 : vector<1x512xi1> to vector<1x512xi1>
    %broadcast_in_dim3A_175 = vector.broadcast %broadcast_in_dim3A_174 : vector<1x512xi1> to vector<128x512xi1>
    %broadcast_in_dim3A_176 = vector.broadcast %jit3A_173 : f32 to vector<128x512xf32>
    %select_n3A_177 = arith.select %broadcast_in_dim3A_175, %transpose3A_172, %broadcast_in_dim3A_176 : vector<128x512xi1>, vector<128x512xf32>
    %swap3A_178 = arith.constant 0 : index
    %swap3A_179 = arith.constant 7 : index
    %swap3A_180 = arith.constant 0 : index
    %swap3A_181 = vector.load %arg3[%swap3A_178, %swap3A_179, %swap3A_180] : memref<128x8x512xf32, #tpu.memory_space<vmem>>, vector<128x1x512xf32>
    %swap3A_182 = vector.shape_cast %swap3A_181 : vector<128x1x512xf32> to vector<128x512xf32>
    %swap3A_183 = vector.shape_cast %select_n3A_177 : vector<128x512xf32> to vector<128x1x512xf32>
    tpu.vector_store %arg3[%swap3A_178, %swap3A_179, %swap3A_180], %swap3A_183 {strides = array<i32>} : memref<128x8x512xf32, #tpu.memory_space<vmem>>, vector<128x1x512xf32>,
    return
  }
  func.func @transform_0(%arg0: i32) -> (i32, i32) {
    %c0_i32 = arith.constant 0 : i32
    %c0_i32_0 = arith.constant 0 : i32
    return %arg0, %c0_i32 : i32, i32
  }
  func.func @transform_1(%arg0: i32) -> (i32, i32, i32) {
    %c0_i32 = arith.constant 0 : i32
    %c0_i32_0 = arith.constant 0 : i32
    %c0_i32_1 = arith.constant 0 : i32
    return %arg0, %c0_i32, %c0_i32_0 : i32, i32, i32
  }
  func.func @transform_2(%arg0: i32) -> (i32, i32, i32) {
    %c0_i32 = arith.constant 0 : i32
    %c0_i32_0 = arith.constant 0 : i32
    %c0_i32_1 = arith.constant 0 : i32
    return %c0_i32, %arg0, %c0_i32_0 : i32, i32, i32
  }
}

</mosaic_0001>

<sc_bundles>
// kernel: kernel.4.cloned.1.call-start
scs
__scs_entry_jumppad:
0x0: {  	(pc) =	sbr.rel $0x88, $3  }
0x1: {  	(tag) =	ssettag $0x0;
	lr =	simm.s32 $0x1  }
0x2: {  	[smem:$0x3F9F] =	sst lr;
	_ =	strace $0xD0000000  }
0x3: {  	_ = 	snop  }
0x4: {  	_ = 	snop  }
0x5: {  	_ = 	snop  }
0x6: {  	_ = 	snop  }
0x7: {  	_ = 	snop  }
__scs_overlays_trampoline_lowered:
0x8: {  	[smem:$0x3FAE] =	sst s0  }
0x9: {  	[smem:$0x3FAF] =	sst s1  }
0xa: {  	[smem:$0x3FB0] =	sst s2  }
0xb: {  	[smem:$0x3FB1] =	sst s3  }
0xc: {  	[smem:$0x3FB2] =	sst s4  }
0xd: {  	[smem:$0x3FB3] =	sst s5  }
0xe: {  	[smem:$0x3FB4] =	sst s6  }
0xf: {  	[smem:$0x3FB5] =	sst s7  }
0x10: {  	[smem:$0x3FB6] =	sst s8  }
0x11: {  	[smem:$0x3FB7] =	sst s9;
	s0 =	simm.s32 @!p0 $0x0  }
0x12: {  	s1 =	sld [smem:$0x3F9D];
	s0 =	simm.s32 @p0 $0x1  }
0x13: {  	[smem:$0x3FB8] =	sst s0;
	s0 =	simm.s32 @!p1 $0x0  }
0x14: {  	s2 =	sld [smem:$0x3F9C];
	s0 =	simm.s32 @p1 $0x1  }
0x15: {  	[smem:$0x3FB9] =	sst s0;
	s0 =	simm.s32 @!p2 $0x0  }
0x16: {  	s3 =	sld [smem:$0x3FDB];
	s0 =	simm.s32 @p2 $0x1  }
0x17: {  	s4 =	simm.s32 $0x1BF5;
	[smem:$0x3FBB] =	sst s0  }
0x18: {  	s0 =	sld [smem:$0x3F9E];
	_ =	swait.ge [sflag:s4], $0x0  }
0x19: {  	s7 =	sld [smem:$0x3F9F]  }
0x1a: {  	s8 =	sadd.s32 $0xFFFFE003, lr  }
0x1b: {  	s9 =	sadd.s32 $0xFFFFFEF7, lr;
	s5 =	simm.s32 $0xFFFFFFFF;
	p2 =	slt.u32 s8, $0xFFFFF086  }
0x1c: {  	p1 =	slt.u32 s9, $0xF7A;
	s5 =	simm.s32 @!p2 $0x0  }
0x1d: {  	s5 =	simm.s32 @p1 $0x1;
	p0 =	seq.s32 s7, s2  }
0x1e: {  	s7 =	smul.u32 @!p0 $0xF7A, s2;
	p2 =	seq.s32 @!p0 s5, $0x0  }
0x1f: {  	s9 =	smul.u32 $0xF7A, s1;
	s8 =	simm.s32 @!p0 $0x1BF5;
	p2 =	por !p2, p0  }
0x20: {  	[sflag:s8] =	ssyncset.s32 @!p0 $0xFFFFF086;
	s6 =	sadd.s32 @!p0 s3, s7;
	s7 =	simm.s32 @!p0 $0x108  }
0x21: {  	s3 =	sadd.s32 s3, s9;
	s6 =	sadd.s32 @!p0 $0x88, s6;
	s7 =	simm.s32 @p2 $0x1082  }
0x22: {  	[simem:s7], [sflag:s8] =	dma.local @!p0 [hbm:s6], $0xF7A  }
0x23: {  	s9 =	sor.u32 $0xD0000000, s2;
	s6 =	simm.s32 $0x108;
	_ =	swait.ge @!p0 [sflag:s8], $0x0  }
0x24: {  	s3 =	sadd.s32 $0x88, s3;
	s6 =	simm.s32 @!p1 $0x1082;
	[sflag:s4] =	ssyncset.s32 $0xFFFFF086  }
0x25: {  	[simem:s6], [sflag:s4] =	dma.local [hbm:s3], $0xF7A  }
0x26: {  	[smem:$0x3F9F] =	sst s1;
	(tag) =	ssettag s2;
	_ =	strace s9  }
0x27: {  	s1 =	sld [smem:$0x3FAF]  }
0x28: {  	s2 =	sld [smem:$0x3FB0]  }
0x29: {  	s4 =	sld [smem:$0x3FB2]  }
0x2a: {  	p0 =	seq.s32 s5, $0x0;
	s5 =	sld [smem:$0x3FB3]  }
0x2b: {  	s6 =	sld [smem:$0x3FB4]  }
0x2c: {  	s7 =	sld [smem:$0x3FB5]  }
0x2d: {  	s3 =	simm.s32 $0x108;
	s8 =	sld [smem:$0x3FB6]  }
0x2e: {  	s3 =	simm.s32 @!p0 $0x1082;
	s9 =	sld [smem:$0x3FB7]  }
0x2f: {  	lr =	sadd.s32 s0, s3;
	s0 =	sld [smem:$0x3FAE]  }
0x30: {  	s3 =	sld [smem:$0x3FB1]  }
0x31: {  	[smem:$0x3FBA] =	sst s10  }
0x32: {  	s10 =	sld [smem:$0x3FB8];
	_ =	sdelay $0x3  }
0x33: {  	p0 =	seq.s32 s10, $0x1;
	s10 =	sld [smem:$0x3FBA];
	_ =	sdelay $0x3  }
0x34: {  	[smem:$0x3FBA] =	sst s10  }
0x35: {  	s10 =	sld [smem:$0x3FB9];
	_ =	sdelay $0x3  }
0x36: {  	p1 =	seq.s32 s10, $0x1;
	s10 =	sld [smem:$0x3FBA];
	_ =	sdelay $0x3  }
0x37: {  	[smem:$0x3FBA] =	sst s10  }
0x38: {  	s10 =	sld [smem:$0x3FBB]  }
0x39: {  	_ = 	snop;
	(pc) =	sbr.ind lr, $3  }
0x3a: {  	_ = 	snop  }
0x3b: {  	_ = 	snop  }
0x3c: {  	p2 =	seq.s32 s10, $0x1;
	s10 =	sld [smem:$0x3FBA]  }
0x3d: {  	_ =	shalt  }
0x3e: {  	_ =	shalt  }
0x3f: {  	_ =	shalt  }
0x40: {  	_ =	shalt  }
0x41: {  	_ =	shalt  }
0x42: {  	_ =	shalt  }
0x43: {  	_ =	shalt  }
0x44: {  	_ =	shalt  }
0x45: {  	_ =	shalt  }
0x46: {  	_ =	shalt  }
0x47: {  	_ =	shalt  }
0x48: {  	_ =	shalt  }
0x49: {  	_ =	shalt  }
0x4a: {  	_ =	shalt  }
0x4b: {  	_ =	shalt  }
0x4c: {  	_ =	shalt  }
0x4d: {  	_ =	shalt  }
0x4e: {  	_ =	shalt  }
0x4f: {  	_ =	shalt  }
0x50: {  	_ =	shalt  }
0x51: {  	_ =	shalt  }
0x52: {  	_ =	shalt  }
0x53: {  	_ =	shalt  }
0x54: {  	_ =	shalt  }
0x55: {  	_ =	shalt  }
0x56: {  	_ =	shalt  }
0x57: {  	_ =	shalt  }
0x58: {  	_ =	shalt  }
0x59: {  	_ =	shalt  }
0x5a: {  	_ =	shalt  }
0x5b: {  	_ =	shalt  }
0x5c: {  	_ =	shalt  }
0x5d: {  	_ =	shalt  }
0x5e: {  	_ =	shalt  }
0x5f: {  	_ =	shalt  }
0x60: {  	_ =	shalt  }
0x61: {  	_ =	shalt  }
0x62: {  	_ =	shalt  }
0x63: {  	_ =	shalt  }
0x64: {  	_ =	shalt  }
0x65: {  	_ =	shalt  }
0x66: {  	_ =	shalt  }
0x67: {  	_ =	shalt  }
0x68: {  	_ =	shalt  }
0x69: {  	_ =	shalt  }
0x6a: {  	_ =	shalt  }
0x6b: {  	_ =	shalt  }
0x6c: {  	_ =	shalt  }
0x6d: {  	_ =	shalt  }
0x6e: {  	_ =	shalt  }
0x6f: {  	_ =	shalt  }
0x70: {  	_ =	shalt  }
0x71: {  	_ =	shalt  }
0x72: {  	_ =	shalt  }
0x73: {  	_ =	shalt  }
0x74: {  	_ =	shalt  }
0x75: {  	_ =	shalt  }
0x76: {  	_ =	shalt  }
0x77: {  	_ =	shalt  }
0x78: {  	_ =	shalt  }
0x79: {  	_ =	shalt  }
0x7a: {  	_ =	shalt  }
0x7b: {  	_ =	shalt  }
0x7c: {  	_ =	shalt  }
0x7d: {  	_ =	shalt  }
0x7e: {  	_ =	shalt  }
0x7f: {  	_ =	shalt  }
0x80: {  	_ =	shalt  }
0x81: {  	_ =	shalt  }
0x82: {  	_ =	shalt  }
0x83: {  	_ =	shalt  }
0x84: {  	_ =	shalt  }
0x85: {  	_ =	shalt  }
0x86: {  	_ =	shalt  }
0x87: {  	_ =	shalt  }
.Lfunc_end0:
.L_simem_size_0:
called_computation_lowered:
.L_overlay_start_0:
0x88: {  	s2 =	sld [smem:$0x3FD9]  }
0x89: {  	s3 =	sld [smem:$0x3FFE];
	_ =	sdelay $0x1  }
0x8a: {  	s1 =	srdreg.scid  }
0x8b: {  	s0 =	sand.u32 $0x1, s1  }
0x8c: {  	s17 =	sshll.u32 s0, $0xA;
	s2 =	sadd.s32 s3, s2  }
0x8d: {  	s2 =	sadd.s32 s2, s17  }
0x8e: {  	[smem:$0x3FC6] =	sst s2  }
0x8f: {  	_ = 	snop  }
0x90: {  	s2 =	sld [smem:$0x3FC9]  }
0x91: {  	s18 =	sld [smem:$0x3FD0];
	(tm) =	ssettm $0x1  }
0x92: {  	s4 =	sld [smem:$0x3FFB];
	_ =	sdelay $0x3  }
0x93: {  	_ =	strace s4  }
0x94: {  	s4 =	sld [smem:$0x3FFC];
	_ =	sdelay $0x3  }
0x95: {  	_ =	strace s4  }
0x96: {  	s4 =	sld [smem:$0x3FFD];
	_ =	sdelay $0x3  }
0x97: {  	_ =	strace s4  }
0x98: {  	_ =	strace $0x8FFFFFFF  }
0x99: {  	s19 =	sld [smem:$0x3FDB];
	_ =	sdelay $0x1  }
0x9a: {  	s5 =	simm.s32 $_scs_section_size  }
0x9b: {  	s6 =	simm.s32 $_size__tile_overlayer_lowered;
	s7 =	simm.s32 $_tile_overlayer_lowered  }
0x9c: {  	s22 =	simm.s32 $0x1BFF;
	s21 =	sshll.u32 s7, $0x1;
	s4 =	sadd.s32 s5, s19  }
0x9d: {  	s8 =	simm.s32 $0x0;
	s20 =	sshll.u32 s6, $0x1;
	s6 =	sadd.s32 s21, s4  }
0x9e: {  	[timem:s8], [sflag:s22] =	dma.local [hbm:s6], s20  }
0x9f: {  	_ =	swait.ge [sflag:s22], s20  }
0xa0: {  	s5 =	ssub.s32 $0x0, s20;
	[sflag:s22] =	ssyncset.done $0x0  }
0xa1: {  	[sflag:s22] =	ssyncadd.s32 s5;
	_ =	sdelay $0x1  }
0xa2: {  	s23 =	simm.s32 $0x1B8B  }
0xa3: {  	_ =	swait.ge [sflag:s23], $0x1  }
0xa4: {  	[sflag:s23] =	ssyncset.done $0x0  }
0xa5: {  	s25 =	simm.s32 $0x1B8E;
	s24 =	sld [smem:$0x3FFE];
	[sflag:s23] =	ssyncadd.s32 $0xFFFFFFFF  }
0xa6: {  	s26 =	simm.s32 $execute0_lowered;
	[smem:$0x3FD2] =	sst s25  }
0xa7: {  	s6 =	sshll.u32 s26, $0x1;
	_ =	strace $0x80000046;
	[dreg:$0x1] =	wrdreg $0xFFFFFFFF  }
0xa8: {  	s28 =	simm.s32 $_size_execute0_lowered;
	s4 =	sadd.s32 s4, s6;
	[dreg:$0x0] =	wrdreg $0x0  }
0xa9: {  	s6 =	sshll.u32 s28, $0x1;
	[dreg:$0x2] =	wrdreg s4  }
0xaa: {  	[dreg:$0x3] =	wrdreg s6  }
0xab: {  	[dreg:$0x4] =	wrdreg $0xC0  }
0xac: {  	_ =	task [dreg:s8], $0x5FFFF  }
0xad: {  	[dreg:$0x1] =	wrdreg $0xFFFFFFFF  }
0xae: {  	[dreg:$0x0] =	wrdreg $0x60  }
0xaf: {  	[dreg:$0x2] =	wrdreg s2  }
0xb0: {  	[dreg:$0x3] =	wrdreg s24  }
0xb1: {  	[dreg:$0x4] =	wrdreg s18  }
0xb2: {  	[dreg:$0x5] =	wrdreg $0x9  }
0xb3: {  	_ =	task.clear_ibuf [dreg:s8], $0x6FFFF;
	_ =	strace $0x90000046  }
0xb4: {  	s29 =	simm.s32 $0x9;
	_ =	strace $0x8000004B  }
0xb5: {  	_ =	swait.ge [sflag:s29], $0x1  }
0xb6: {  	[sflag:s29] =	ssyncadd.s32 $0xFFFFFFFF  }
0xb7: {  	_ =	strace $0x9000004B  }
0xb8: {  	_ =	sfence  }
0xb9: {  	s30 =	sld [smem:$0x0];
	_ =	sdelay $0x2  }
0xba: {  	s31 =	sshll.u32 s1, $0xD;
	s1 =	sshrl.u32 s1, $0x2  }
0xbb: {  	s3 =	sand.u32 $0x4000, s31;
	s1 =	sadd.s32 s1, s30  }
0xbc: {  	s0 =	sor.u32 s3, s0;
	s1 =	sshll.u32 s1, $0x11  }
0xbd: {  	s0 =	sor.u32 s1, s0  }
0xbe: {  	s0 =	sadd.s32 $0x8F2B, s0  }
0xbf: {  	[sflag:s0] =	ssyncadd.remote.s32 $0x1  }
0xc0: {  	_ =	sfence.sel $0xFFFF  }
0xc1: {  	[dreg:$0x0] =	wrdreg $0xFFFFFFFF;
	(pc) =	sbr.abs _section_cstart, $3  }
0xc2: {  	[dreg:$0x1] =	wrdreg $0xFFFFFFFF  }
0xc3: {  	_ =	task.clear_ibuf [dreg:s8], $0x2FFFF;
	_ =	strace $0x9FFFFFFF  }
0xc4: {  	(tm) =	ssettm $0x7FFFFFFF  }
0xc5: {  	_ =	shalt  }
tec
execute0_lowered:
.L_overlay_start_1:
0x0: {  	(tag) =	ssettag $0x1  }
0x1: {  	s1 =	rddreg [dreg:$0x0]  }
0x2: {  	s2 =	rddreg [dreg:$0x1]  }
0x3: {  	s0 =	rddreg [dreg:$0x2];
	s4 =	simm.s32 $0x0;
	s6 =	srdreg.scid  }
0x4: {  	s3 =	stileid.u32;
	s23 =	simm.s32 $0x0;
	[smem:$0x7FF] =	sst s4  }
0x5: {  	s5 =	sadd.s32 $0x2800, s2;
	s8 =	sand.u32 $0x1, s6;
	s7 =	sshll.u32 s3, $0x1  }
0x6: {  	s6 =	sadd.s32 $0x1400, s2;
	s30 =	sshll.u32 s3, $0xE;
	_ =	strace $0x80000047  }
0x7: {  	s9 =	ssub.s32 $0x2, s8;
	s10 =	sor.u32 s8, s7;
	s7 =	sadd.s32 $0x3C00, s2  }
0x8: {  	s20 =	sshll.u32 s8, $0xD;
	s11 =	sshrl.u32 s9, $0x1;
	s12 =	sshll.u32 s10, $0x7  }
0x9: {  	s21 =	sshll.u32 s10, $0xD;
	s10 =	sshll.u32 s10, $0xA;
	s31 =	sor.u32 s20, s30  }
0xa: {  	s20 =	simm.s32 $0xA080;
	s9 =	ssub.s32 s9, s11;
	s13 =	sor.u32 $0x40000, s12  }
0xb: {  	s14 =	sor.u32 $0x40010, s12;
	s15 =	sor.u32 $0x40020, s12;
	s16 =	sor.u32 $0x40030, s12  }
0xc: {  	s17 =	sor.u32 $0x40040, s12;
	s18 =	sor.u32 $0x40050, s12;
	s19 =	sor.u32 $0x40060, s12  }
.Ltmp0:
0xd: {  	s22 =	sor.u32 $0x40070, s12;
	s8 =	sadd.s32 s0, s10;
	(pc) =	sbr.rel .LBB2_1-.Ltmp0, $4  }
0xe: {  	v0 =	vlaneseq.u32;
	v10 =	vimm.s32 $0xFFFFFFFF;
	v11 =	vimm.s32 $0x0;
	s10 =	sor.u32 $0x10, s31;
	s11 =	simm.s32 $0x1000;
	s12 =	simm.s32 $0x2000  }
0xf: {  	v9 =	vmov s21;
	s9 =	smax.u32 s9, $0x1;
	v1 =	vor.u32 s13, v0;
	v2 =	vor.u32 s14, v0;
	s13 =	simm.s32 $0x1;
	s14 =	simm.s32 $0x3000  }
0x10: {  	v3 =	vor.u32 s15, v0;
	v4 =	vor.u32 s16, v0;
	v5 =	vor.u32 s17, v0;
	s15 =	simm.s32 $0x4000;
	s16 =	simm.s32 $0x5000;
	s17 =	simm.s32 $0x6000  }
0x11: {  	v6 =	vor.u32 s18, v0;
	v7 =	vor.u32 s19, v0;
	v8 =	vor.u32 s22, v0;
	s18 =	simm.s32 $0x2;
	s19 =	simm.s32 $0x8000;
	s22 =	simm.s32 $0xC480  }
.LBB2_19:
0x12: {  	_ =	strace $0x8000004A  }
0x13: {  	_ =	strace $0x9000004A  }
.LBB2_17:
0x14: {  	s23 =	sadd.s32 $0x1, s23  }
0x15: {  	p0 =	sne.s32 s23, s9  }
.Ltmp1:
0x16: {  	_ = 	snop;
	(pc) =	sbr.rel @!p0 .LBB2_18-.Ltmp1, $4  }
0x17: {  	_ = 	snop  }
0x18: {  	_ =	swait.ge [sflag:s13], $0x2000  }
0x19: {  	[sflag:s13] =	ssyncset.done $0x0  }
0x1a: {  	[sflag:s13] =	ssyncadd.s32 $0xFFFFE000  }
.LBB2_1:
0x1b: {  	[tilespmem:s4], [sflag:$0x1] =	stream.linear.gather [hbm4b:s5+s4], $0xFA0, $0x38;
	[tilespmem:$0x1C480] =	vst v63  }
0x1c: {  	_ = 	snop  }
0x1d: {  	[tilespmem:s11], [sflag:$0x1] =	stream.linear.gather [hbm4b:s6+s4], $0xFA0, $0x38;
	[tilespmem:$0x1C480] =	vst v63  }
0x1e: {  	s25 =	simm.s32 $0x6040  }
0x1f: {  	[tilespmem:s12], [sflag:$0x1] =	stream.linear.gather [hbm4b:s2+s4], $0xFA0, $0x38;
	[tilespmem:$0x1C480] =	vst v63  }
0x20: {  	[tilespmem:s25+$0xFFFFFFC0] =	vst v10  }
0x21: {  	[tilespmem:s25+$0x30] =	vst v10  }
0x22: {  	[tilespmem:s25+$0x20] =	vst v10  }
0x23: {  	[tilespmem:s25+$0x10] =	vst v10  }
0x24: {  	[tilespmem:s25+$0x0] =	vst v10  }
0x25: {  	[tilespmem:s25+$0xFFFFFFF0] =	vst v10  }
0x26: {  	s26 =	simm.s32 $0x0;
	s24 =	simm.s32 $0x8040;
	[tilespmem:s25+$0xFFFFFFE0] =	vst v10  }
.LBB2_2:
0x27: {  	s26 =	sadd.s32 $0x8, s26;
	[tilespmem:s25+$0xFFFFFFD0] =	vst v10;
	s25 =	sadd.s32 $0x80, s25;
	s0 =	simm.s32 $0xA0C0  }
0x28: {  	[tilespmem:s25+$0xFFFFFFC0] =	vst v10;
	p0 =	slt.u32 s26, $0x1F8  }
0x29: {  	[tilespmem:s25+$0x30] =	vst v10  }
.Ltmp2:
0x2a: {  	[tilespmem:s25+$0x20] =	vst v10;
	(pc) =	sbr.rel @p0 .LBB2_2-.Ltmp2, $4  }
0x2b: {  	[tilespmem:s25+$0x10] =	vst v10  }
0x2c: {  	[tilespmem:s25+$0x0] =	vst v10  }
0x2d: {  	[tilespmem:s25+$0xFFFFFFF0] =	vst v10  }
0x2e: {  	[tilespmem:s25+$0xFFFFFFE0] =	vst v10  }
0x2f: {  	[tilespmem:s25+$0xFFFFFFD0] =	vst v10  }
0x30: {  	[tilespmem:s24+$0xFFFFFFC0] =	vst v11  }
0x31: {  	[tilespmem:s0+$0xFFFFFFC0] =	vst v1  }
0x32: {  	[tilespmem:s24+$0xFFFFFFD0] =	vst v11  }
0x33: {  	[tilespmem:s0+$0xFFFFFFD0] =	vst v2  }
0x34: {  	[tilespmem:s24+$0xFFFFFFE0] =	vst v11  }
0x35: {  	[tilespmem:s0+$0xFFFFFFE0] =	vst v3  }
0x36: {  	[tilespmem:s24+$0xFFFFFFF0] =	vst v11  }
0x37: {  	[tilespmem:s0+$0xFFFFFFF0] =	vst v4  }
0x38: {  	[tilespmem:s24+$0x0] =	vst v11  }
0x39: {  	[tilespmem:s0+$0x0] =	vst v5  }
0x3a: {  	[tilespmem:s24+$0x10] =	vst v11  }
0x3b: {  	[tilespmem:s0+$0x10] =	vst v6  }
0x3c: {  	[tilespmem:s24+$0x20] =	vst v11  }
0x3d: {  	[tilespmem:s0+$0x20] =	vst v7  }
0x3e: {  	[tilespmem:s24+$0x30] =	vst v11  }
0x3f: {  	s25 =	simm.s32 $0x80C0;
	s24 =	simm.s32 $0x0;
	[tilespmem:s0+$0x30] =	vst v8  }
.LBB2_4:
0x40: {  	[tilespmem:s25+$0xFFFFFFC0] =	vst v11;
	s0 =	sadd.s32 $0x80, s0  }
0x41: {  	[tilespmem:s0+$0xFFFFFFC0] =	vst v1  }
0x42: {  	[tilespmem:s25+$0xFFFFFFD0] =	vst v11  }
0x43: {  	[tilespmem:s0+$0xFFFFFFD0] =	vst v2  }
0x44: {  	[tilespmem:s25+$0xFFFFFFE0] =	vst v11  }
0x45: {  	[tilespmem:s0+$0xFFFFFFE0] =	vst v3  }
0x46: {  	[tilespmem:s25+$0xFFFFFFF0] =	vst v11  }
0x47: {  	[tilespmem:s0+$0xFFFFFFF0] =	vst v4  }
0x48: {  	[tilespmem:s25+$0x0] =	vst v11  }
0x49: {  	s24 =	sadd.s32 $0x8, s24;
	[tilespmem:s0+$0x0] =	vst v5  }
0x4a: {  	p0 =	slt.u32 s24, $0x1F8;
	[tilespmem:s25+$0x10] =	vst v11  }
.Ltmp3:
0x4b: {  	[tilespmem:s0+$0x10] =	vst v6;
	(pc) =	sbr.rel @p0 .LBB2_4-.Ltmp3, $4  }
0x4c: {  	[tilespmem:s25+$0x20] =	vst v11  }
0x4d: {  	[tilespmem:s0+$0x20] =	vst v7  }
0x4e: {  	[tilespmem:s25+$0x30] =	vst v11  }
0x4f: {  	s25 =	sadd.s32 $0x80, s25;
	[tilespmem:s0+$0x30] =	vst v8  }
0x50: {  	[tilespmem:$0xA000] =	vst v11  }
0x51: {  	[tilespmem:$0xC080] =	vst v1;
	s24 =	simm.s32 $0x0  }
0x52: {  	s25 =	simm.s32 $0x0;
	s26 =	simm.s32 $0x0;
	_ =	strace $0x80000048  }
.LBB2_6:
0x53: {  	_ =	swait.ge [sflag:s13], $0xFA0  }
0x54: {  	[sflag:s13] =	ssyncset.done $0x0  }
0x55: {  	[sflag:s13] =	ssyncadd.s32 $0xFFFFF060  }
0x56: {  	_ =	swait.ge [sflag:s13], $0xFA0  }
0x57: {  	[sflag:s13] =	ssyncset.done $0x0  }
0x58: {  	s0 =	sshllo.u32 s26, $0x1;
	[sflag:s13] =	ssyncadd.s32 $0xFFFFF060  }
0x59: {  	s0 =	smul.u32 $0x1F4, s0;
	_ =	swait.ge [sflag:s13], $0xFA0  }
0x5a: {  	[sflag:s13] =	ssyncset.done $0x0  }
0x5b: {  	s28 =	sadd.s32 s5, s0;
	[sflag:s13] =	ssyncadd.s32 $0xFFFFF060  }
0x5c: {  	[tilespmem:s14], [sflag:$0x2] =	stream.linear.gather [hbm4b:s28+s24], $0xFA0, $0x200038;
	[tilespmem:$0x1C480] =	vst v63  }
0x5d: {  	s28 =	sadd.s32 s6, s0  }
0x5e: {  	[tilespmem:s15], [sflag:$0x2] =	stream.linear.gather [hbm4b:s28+s24], $0xFA0, $0x200038;
	[tilespmem:$0x1C480] =	vst v63  }
0x5f: {  	s29 =	simm.s32 $0x2020;
	s30 =	simm.s32 $0x1020;
	s0 =	sadd.s32 s2, s0  }
0x60: {  	[tilespmem:s16], [sflag:$0x2] =	stream.linear.gather [hbm4b:s0+s24], $0xFA0, $0x200038;
	[tilespmem:$0x1C480] =	vst v63  }
0x61: {  	s31 =	simm.s32 $0x20;
	s28 =	smul.u32 $0x1F40, s26;
	s0 =	simm.s32 $0x0  }
.LBB2_7:
0x62: {  	v12 =	vld [tilespmem:s31+$0xFFFFFFE0]  }
0x63: {  	v13 =	vld [tilespmem:s31+$0xFFFFFFF0]  }
0x64: {  	v14 =	vld [tilespmem:s31+$0x0]  }
0x65: {  	v15 =	vld [tilespmem:s31+$0x10]  }
0x66: {  	v16 =	vld [tilespmem:s31+$0x20]  }
0x67: {  	v17 =	vld [tilespmem:s30+$0xFFFFFFE0]  }
0x68: {  	v18 =	vld [tilespmem:s30+$0xFFFFFFF0]  }
0x69: {  	v19 =	vld [tilespmem:s30+$0x0]  }
0x6a: {  	v20 =	vld [tilespmem:s30+$0x10]  }
0x6b: {  	v21 =	vld [tilespmem:s29+$0xFFFFFFE0]  }
0x6c: {  	v22 =	vld [tilespmem:s29+$0xFFFFFFF0]  }
0x6d: {  	v23 =	vld [tilespmem:s30+$0x20]  }
0x6e: {  	v24 =	vld [tilespmem:s29+$0x0]  }
0x6f: {  	v25 =	vld [tilespmem:s29+$0x10]  }
0x70: {  	v26 =	vld [tilespmem:s29+$0x20]  }
0x71: {  	v17 =	vshll.u32 v17, $0x9;
	v18 =	vshll.u32 v18, $0x9;
	v19 =	vshll.u32 v19, $0x9  }
0x72: {  	v40 =	vshll.u32 v20, $0x9;
	v41 =	vshll.u32 v23, $0x9;
	v12 =	vadd.s32 v12, v17  }
0x73: {  	v13 =	vadd.s32 v13, v18;
	v14 =	vadd.s32 v14, v19;
	v15 =	vadd.s32 v15, v40  }
0x74: {  	v16 =	vadd.s32 v16, v41;
	v12 =	vadd.s32 v21, v12;
	v13 =	vadd.s32 v22, v13  }
0x75: {  	v14 =	vadd.s32 v24, v14;
	v15 =	vadd.s32 v25, v15;
	v16 =	vadd.s32 v26, v16  }
0x76: {  	v38 =	vsub.s32 v12, v9;
	v39 =	vsub.s32 v13, v9;
	v42 =	vsub.s32 v14, v9  }
0x77: {  	v43 =	vsub.s32 v15, v9;
	v44 =	vsub.s32 v16, v9;
	v12 =	vand.u32 $0x7F, v12  }
0x78: {  	v13 =	vand.u32 $0x7F, v13;
	v14 =	vand.u32 $0x7F, v14;
	v15 =	vand.u32 $0x7F, v15  }
0x79: {  	v16 =	vand.u32 $0x7F, v16;
	vm4 =	vlt.u32 v38, $0x2000;
	v17 =	vand.u32 $0xFFFFFF80, v38  }
0x7a: {  	vm3 =	vlt.u32 v39, $0x2000;
	v45 =	vand.u32 $0xFFFFFF80, v39;
	v12 =	vor.u32 v12, v17  }
0x7b: {  	vm2 =	vlt.u32 v42, $0x2000;
	v46 =	vand.u32 $0xFFFFFF80, v42;
	v13 =	vor.u32 v13, v45  }
0x7c: {  	vm1 =	vlt.u32 v43, $0x2000;
	v47 =	vand.u32 $0xFFFFFF80, v43;
	v14 =	vor.u32 v14, v46  }
0x7d: {  	s3 =	sadd.s32 s0, s25;
	vm0 =	vlt.u32 v44, $0x2000;
	v48 =	vand.u32 $0xFFFFFF80, v44;
	v15 =	vor.u32 v15, v47  }
0x7e: {  	v49 =	vor.u32 s3, v0;
	s21 =	sadd.s32 $0x10, s3;
	v16 =	vor.u32 v16, v48  }
0x7f: {  	v50 =	vor.u32 s21, v0;
	s21 =	sadd.s32 $0x20, s3;
	[tilespmem:v12+s17+$0x0] =	vst.idx.msk vm4, v49  }
0x80: {  	v51 =	vor.u32 s21, v0;
	s21 =	sadd.s32 $0x30, s3;
	[tilespmem:v13+s17+$0x0] =	vst.idx.msk vm3, v50  }
0x81: {  	s3 =	sadd.s32 $0x40, s3;
	v52 =	vor.u32 s21, v0;
	[tilespmem:v14+s17+$0x0] =	vst.idx.msk vm2, v51  }
0x82: {  	v53 =	vor.u32 s3, v0;
	[tilespmem:v15+s17+$0x0] =	vst.idx.msk vm1, v52  }
0x83: {  	[tilespmem:v16+s17+$0x0] =	vst.idx.msk vm0, v53  }
0x84: {  	v54 =	vld.idx.msk [tilespmem:v12+s17+$0x0], vm4  }
0x85: {  	v55 =	vld.idx.msk [tilespmem:v13+s17+$0x0], vm3  }
0x86: {  	v56 =	vld.idx.msk [tilespmem:v14+s17+$0x0], vm2  }
0x87: {  	v57 =	vld.idx.msk [tilespmem:v15+s17+$0x0], vm1  }
0x88: {  	v58 =	vld.idx.msk [tilespmem:v16+s17+$0x0], vm0  }
0x89: {  	vm5 =	vgt.s32 v49, v54  }
0x8a: {  	vm6 =	vgt.s32 v50, v55;
	vm5 =	vmand vm4, vm5  }
0x8b: {  	vm7 =	vgt.s32 v51, v56;
	vm6 =	vmand vm3, vm6  }
0x8c: {  	vm8 =	vgt.s32 v52, v57;
	vm7 =	vmand vm2, vm7  }
0x8d: {  	vm9 =	vgt.s32 v53, v58;
	vm8 =	vmand vm1, vm8  }
0x8e: {  	vm9 =	vmand vm0, vm9;
	_ =	sdelay $0x1  }
0x8f: {  	[tilespmem:v12+s17+$0x0] =	vst.idx.msk vm5, v49  }
0x90: {  	[tilespmem:v13+s17+$0x0] =	vst.idx.msk vm6, v50  }
0x91: {  	[tilespmem:v14+s17+$0x0] =	vst.idx.msk vm7, v51  }
0x92: {  	[tilespmem:v15+s17+$0x0] =	vst.idx.msk vm8, v52  }
0x93: {  	[tilespmem:v16+s17+$0x0] =	vst.idx.msk vm9, v53  }
0x94: {  	v59 =	vld.idx.msk [tilespmem:v12+s17+$0x0], vm4  }
0x95: {  	v60 =	vld.idx.msk [tilespmem:v13+s17+$0x0], vm3  }
0x96: {  	v61 =	vld.idx.msk [tilespmem:v14+s17+$0x0], vm2  }
0x97: {  	v62 =	vld.idx.msk [tilespmem:v15+s17+$0x0], vm1  }
0x98: {  	v63 =	vld.idx.msk [tilespmem:v16+s17+$0x0], vm0  }
0x99: {  	vm11 =	vgt.s32 v49, v59  }
0x9a: {  	vm12 =	vgt.s32 v50, v60;
	vm4 =	vmand vm4, vm11  }
0x9b: {  	vm13 =	vgt.s32 v51, v61;
	vm3 =	vmand vm3, vm12  }
0x9c: {  	vm14 =	vgt.s32 v52, v62;
	vm2 =	vmand vm2, vm13  }
0x9d: {  	vm15 =	vgt.s32 v53, v63;
	vm1 =	vmand vm1, vm14  }
0x9e: {  	vm0 =	vmand vm0, vm15  }
0x9f: {  	p0 =	sne.s32 s0, $0xF50  }
.Ltmp4:
0xa0: {  	[tilespmem:v12+s17+$0x0] =	vst.idx.msk vm4, v49;
	(pc) =	sbr.rel @p0 .LBB2_7-.Ltmp4, $4  }
0xa1: {  	[tilespmem:v13+s17+$0x0] =	vst.idx.msk vm3, v50  }
0xa2: {  	[tilespmem:v14+s17+$0x0] =	vst.idx.msk vm2, v51  }
0xa3: {  	s29 =	sadd.s32 $0x50, s29;
	[tilespmem:v15+s17+$0x0] =	vst.idx.msk vm1, v52  }
0xa4: {  	s30 =	sadd.s32 $0x50, s30;
	s31 =	sadd.s32 $0x50, s31;
	s0 =	sadd.s32 $0x50, s0;
	[tilespmem:v16+s17+$0x0] =	vst.idx.msk vm0, v53  }
0xa5: {  	_ =	swait.ge [sflag:s18], $0xFA0  }
0xa6: {  	[sflag:s18] =	ssyncset.done $0x0  }
0xa7: {  	[sflag:s18] =	ssyncadd.s32 $0xFFFFF060  }
0xa8: {  	_ =	swait.ge [sflag:s18], $0xFA0  }
0xa9: {  	[sflag:s18] =	ssyncset.done $0x0  }
0xaa: {  	p0 =	seq.s32 s26, $0x4;
	[sflag:s18] =	ssyncadd.s32 $0xFFFFF060  }
0xab: {  	s29 =	simm.s32 $0x5020;
	s0 =	sshrl.u32 @!p0 s28, $0x3;
	_ =	swait.ge [sflag:s18], $0xFA0  }
0xac: {  	s30 =	simm.s32 $0x4020;
	s0 =	sadd.s32 @!p0 $0x3E8, s0;
	[sflag:s18] =	ssyncset.done $0x0  }
0xad: {  	s21 =	simm.s32 @!p0 $0x0;
	s3 =	sadd.s32 @!p0 s5, s0;
	[sflag:s18] =	ssyncadd.s32 $0xFFFFF060  }
0xae: {  	[tilespmem:s21], [sflag:$0x1] =	stream.linear.gather @!p0 [hbm4b:s3+s21], $0xFA0, $0x200038;
	[tilespmem:$0x1C480] =	vst v63  }
0xaf: {  	s31 =	simm.s32 $0x3020;
	s28 =	simm.s32 @!p0 $0x1000;
	s3 =	sadd.s32 @!p0 s6, s0  }
0xb0: {  	[tilespmem:s28], [sflag:$0x1] =	stream.linear.gather @!p0 [hbm4b:s3+s21], $0xFA0, $0x200038;
	[tilespmem:$0x1C480] =	vst v63  }
0xb1: {  	s0 =	sadd.s32 @!p0 s2, s0;
	s3 =	simm.s32 @!p0 $0x2000;
	s28 =	simm.s32 $0x0  }
0xb2: {  	[tilespmem:s3], [sflag:$0x1] =	stream.linear.gather @!p0 [hbm4b:s0+s21], $0xFA0, $0x200038;
	[tilespmem:$0x1C480] =	vst v63  }
.LBB2_9:
0xb3: {  	v12 =	vld [tilespmem:s31+$0xFFFFFFE0]  }
0xb4: {  	v13 =	vld [tilespmem:s31+$0xFFFFFFF0]  }
0xb5: {  	v14 =	vld [tilespmem:s31+$0x0]  }
0xb6: {  	v15 =	vld [tilespmem:s31+$0x10]  }
0xb7: {  	v16 =	vld [tilespmem:s31+$0x20]  }
0xb8: {  	v17 =	vld [tilespmem:s30+$0xFFFFFFE0]  }
0xb9: {  	v18 =	vld [tilespmem:s30+$0xFFFFFFF0]  }
0xba: {  	v19 =	vld [tilespmem:s30+$0x0]  }
0xbb: {  	v20 =	vld [tilespmem:s30+$0x10]  }
0xbc: {  	v21 =	vld [tilespmem:s29+$0xFFFFFFE0]  }
0xbd: {  	v22 =	vld [tilespmem:s29+$0xFFFFFFF0]  }
0xbe: {  	v23 =	vld [tilespmem:s30+$0x20]  }
0xbf: {  	v24 =	vld [tilespmem:s29+$0x0]  }
0xc0: {  	v25 =	vld [tilespmem:s29+$0x10]  }
0xc1: {  	v26 =	vld [tilespmem:s29+$0x20]  }
0xc2: {  	v17 =	vshll.u32 v17, $0x9;
	v18 =	vshll.u32 v18, $0x9;
	v19 =	vshll.u32 v19, $0x9  }
0xc3: {  	v40 =	vshll.u32 v20, $0x9;
	v41 =	vshll.u32 v23, $0x9;
	v12 =	vadd.s32 v12, v17  }
0xc4: {  	v13 =	vadd.s32 v13, v18;
	v14 =	vadd.s32 v14, v19;
	v15 =	vadd.s32 v15, v40  }
0xc5: {  	v16 =	vadd.s32 v16, v41;
	v12 =	vadd.s32 v21, v12;
	v13 =	vadd.s32 v22, v13  }
0xc6: {  	v14 =	vadd.s32 v24, v14;
	v15 =	vadd.s32 v25, v15;
	v16 =	vadd.s32 v26, v16  }
0xc7: {  	v38 =	vsub.s32 v12, v9;
	v39 =	vsub.s32 v13, v9;
	v42 =	vsub.s32 v14, v9  }
0xc8: {  	v43 =	vsub.s32 v15, v9;
	v44 =	vsub.s32 v16, v9;
	v12 =	vand.u32 $0x7F, v12  }
0xc9: {  	v13 =	vand.u32 $0x7F, v13;
	v14 =	vand.u32 $0x7F, v14;
	v15 =	vand.u32 $0x7F, v15  }
0xca: {  	v16 =	vand.u32 $0x7F, v16;
	vm4 =	vlt.u32 v38, $0x2000;
	v17 =	vand.u32 $0xFFFFFF80, v38  }
0xcb: {  	vm3 =	vlt.u32 v39, $0x2000;
	v45 =	vand.u32 $0xFFFFFF80, v39;
	v12 =	vor.u32 v12, v17  }
0xcc: {  	vm2 =	vlt.u32 v42, $0x2000;
	v46 =	vand.u32 $0xFFFFFF80, v42;
	v13 =	vor.u32 v13, v45  }
0xcd: {  	s0 =	sadd.s32 s28, s25;
	vm1 =	vlt.u32 v43, $0x2000;
	v47 =	vand.u32 $0xFFFFFF80, v43;
	v14 =	vor.u32 v14, v46  }
0xce: {  	s3 =	sadd.s32 $0xFA0, s0;
	vm0 =	vlt.u32 v44, $0x2000;
	v48 =	vand.u32 $0xFFFFFF80, v44;
	v15 =	vor.u32 v15, v47  }
0xcf: {  	s21 =	sadd.s32 $0xFB0, s0;
	v49 =	vor.u32 s3, v0;
	v16 =	vor.u32 v16, v48  }
0xd0: {  	v50 =	vor.u32 s21, v0;
	s21 =	sadd.s32 $0xFC0, s0;
	[tilespmem:v12+s17+$0x0] =	vst.idx.msk vm4, v49  }
0xd1: {  	v51 =	vor.u32 s21, v0;
	s21 =	sadd.s32 $0xFD0, s0;
	[tilespmem:v13+s17+$0x0] =	vst.idx.msk vm3, v50  }
0xd2: {  	s0 =	sadd.s32 $0xFE0, s0;
	v52 =	vor.u32 s21, v0;
	[tilespmem:v14+s17+$0x0] =	vst.idx.msk vm2, v51  }
0xd3: {  	v53 =	vor.u32 s0, v0;
	[tilespmem:v15+s17+$0x0] =	vst.idx.msk vm1, v52  }
0xd4: {  	[tilespmem:v16+s17+$0x0] =	vst.idx.msk vm0, v53  }
0xd5: {  	v54 =	vld.idx.msk [tilespmem:v12+s17+$0x0], vm4  }
0xd6: {  	v55 =	vld.idx.msk [tilespmem:v13+s17+$0x0], vm3  }
0xd7: {  	v56 =	vld.idx.msk [tilespmem:v14+s17+$0x0], vm2  }
0xd8: {  	v57 =	vld.idx.msk [tilespmem:v15+s17+$0x0], vm1  }
0xd9: {  	v58 =	vld.idx.msk [tilespmem:v16+s17+$0x0], vm0  }
0xda: {  	vm5 =	vgt.s32 v49, v54  }
0xdb: {  	vm6 =	vgt.s32 v50, v55;
	vm5 =	vmand vm4, vm5  }
0xdc: {  	vm7 =	vgt.s32 v51, v56;
	vm6 =	vmand vm3, vm6  }
0xdd: {  	vm8 =	vgt.s32 v52, v57;
	vm7 =	vmand vm2, vm7  }
0xde: {  	vm9 =	vgt.s32 v53, v58;
	vm8 =	vmand vm1, vm8  }
0xdf: {  	vm9 =	vmand vm0, vm9;
	_ =	sdelay $0x1  }
0xe0: {  	[tilespmem:v12+s17+$0x0] =	vst.idx.msk vm5, v49  }
0xe1: {  	[tilespmem:v13+s17+$0x0] =	vst.idx.msk vm6, v50  }
0xe2: {  	[tilespmem:v14+s17+$0x0] =	vst.idx.msk vm7, v51  }
0xe3: {  	[tilespmem:v15+s17+$0x0] =	vst.idx.msk vm8, v52  }
0xe4: {  	[tilespmem:v16+s17+$0x0] =	vst.idx.msk vm9, v53  }
0xe5: {  	v59 =	vld.idx.msk [tilespmem:v12+s17+$0x0], vm4  }
0xe6: {  	v60 =	vld.idx.msk [tilespmem:v13+s17+$0x0], vm3  }
0xe7: {  	v61 =	vld.idx.msk [tilespmem:v14+s17+$0x0], vm2  }
0xe8: {  	v62 =	vld.idx.msk [tilespmem:v15+s17+$0x0], vm1  }
0xe9: {  	v63 =	vld.idx.msk [tilespmem:v16+s17+$0x0], vm0  }
0xea: {  	vm11 =	vgt.s32 v49, v59  }
0xeb: {  	vm12 =	vgt.s32 v50, v60;
	vm4 =	vmand vm4, vm11  }
0xec: {  	vm13 =	vgt.s32 v51, v61;
	vm3 =	vmand vm3, vm12  }
0xed: {  	vm14 =	vgt.s32 v52, v62;
	vm2 =	vmand vm2, vm13  }
0xee: {  	vm15 =	vgt.s32 v53, v63;
	vm1 =	vmand vm1, vm14  }
0xef: {  	vm0 =	vmand vm0, vm15  }
0xf0: {  	p0 =	sne.s32 s28, $0xF50  }
.Ltmp5:
0xf1: {  	[tilespmem:v12+s17+$0x0] =	vst.idx.msk vm4, v49;
	(pc) =	sbr.rel @p0 .LBB2_9-.Ltmp5, $4  }
0xf2: {  	[tilespmem:v13+s17+$0x0] =	vst.idx.msk vm3, v50  }
0xf3: {  	[tilespmem:v14+s17+$0x0] =	vst.idx.msk vm2, v51  }
0xf4: {  	s29 =	sadd.s32 $0x50, s29;
	[tilespmem:v15+s17+$0x0] =	vst.idx.msk vm1, v52  }
0xf5: {  	s30 =	sadd.s32 $0x50, s30;
	s31 =	sadd.s32 $0x50, s31;
	s28 =	sadd.s32 $0x50, s28;
	[tilespmem:v16+s17+$0x0] =	vst.idx.msk vm0, v53  }
0xf6: {  	s26 =	sadd.s32 $0x1, s26  }
0xf7: {  	p0 =	sne.s32 s26, $0x5  }
.Ltmp6:
0xf8: {  	_ = 	snop;
	(pc) =	sbr.rel @p0 .LBB2_6-.Ltmp6, $2  }
0xf9: {  	_ =	sdelay $0x2  }
0xfa: {  	s25 =	sadd.s32 $0x1F40, s25  }
0xfb: {  	_ =	strace $0x90000048  }
0xfc: {  	s0 =	simm.s32 $0x6010;
	_ =	strace $0x80000049  }
0xfd: {  	v12 =	vld [tilespmem:s0+$0xFFFFFFF0];
	_ =	sdelay $0x4  }
0xfe: {  	vm0 =	vgt.s32 v12, $0xFFFFFFFF  }
0xff: {  	v13 =	vsel vm0, $0x1, v11  }
0x100: {  	(xrf0) =	vadd.scan.msk.s32 $0xffff, v13;
	_ =	sdelay $0x1  }
0x101: {  	s3 =	simm.s32 $0x0  }
0x102: {  	v13 =	vmov s3  }
0x103: {  	v13 =	vadd.s32 $0xFFFFFFFF, v13  }
0x104: {  	v13 =	vbroadcast v13, $0x0  }
0x105: {  	v14, _, _ =	vpop (xrf0)  }
0x106: {  	v13 =	vadd.s32 v14, v13;
	(v2sf) =	vpush v14, $0xF;
	_ =	sdelay $0x3  }
0x107: {  	s30 =	sadd.s32 $0xFFFFFFF0, s10  }
0x108: {  	v14 =	vor.u32 s30, v0;
	[tilespmem:v13+s19+$0x0] =	vst.idx.msk vm0, v12  }
0x109: {  	[tilespmem:v13+s20+$0x0] =	vst.idx.msk vm0, v14  }
0x10a: {  	v12 =	vld [tilespmem:s0+$0x0];
	_ =	sdelay $0x4  }
0x10b: {  	vm0 =	vgt.s32 v12, $0xFFFFFFFF  }
0x10c: {  	v13 =	vsel vm0, $0x1, v11  }
0x10d: {  	(xrf0) =	vadd.scan.msk.s32 $0xffff, v13  }
0x10e: {  	s31 =	spop (v2sf)  }
0x10f: {  	s26 =	sadd.s32 $0x0, s31  }
0x110: {  	v13 =	vmov s26  }
0x111: {  	v13 =	vadd.s32 $0xFFFFFFFF, v13  }
0x112: {  	v13 =	vbroadcast v13, $0x0  }
0x113: {  	v14, _, _ =	vpop (xrf0)  }
0x114: {  	(v2sf) =	vpush v14, $0xF;
	v13 =	vadd.s32 v14, v13;
	_ =	sdelay $0x4  }
0x115: {  	v14 =	vor.u32 s10, v0;
	[tilespmem:v13+s19+$0x0] =	vst.idx.msk vm0, v12  }
0x116: {  	s0 =	simm.s32 $0x6030;
	[tilespmem:v13+s20+$0x0] =	vst.idx.msk vm0, v14  }
0x117: {  	v12 =	vld [tilespmem:s0+$0xFFFFFFF0];
	_ =	sdelay $0x4  }
0x118: {  	vm0 =	vgt.s32 v12, $0xFFFFFFFF  }
0x119: {  	v13 =	vsel vm0, $0x1, v11  }
0x11a: {  	(xrf0) =	vadd.scan.msk.s32 $0xffff, v13  }
0x11b: {  	s25 =	simm.s32 $0x2;
	s24 =	smov.u32 s10;
	s28 =	spop (v2sf)  }
.LBB2_12:
0x11c: {  	s25 =	sadd.s32 $0x2, s25;
	s3 =	sadd.s32 s26, s28;
	s24 =	sadd.s32 $0x20, s24  }
0x11d: {  	p0 =	slt.u32 s25, $0x1FE;
	v13 =	vmov s3  }
0x11e: {  	v13 =	vadd.s32 $0xFFFFFFFF, v13  }
0x11f: {  	v13 =	vbroadcast v13, $0x0  }
0x120: {  	v14, _, _ =	vpop (xrf0)  }
0x121: {  	v13 =	vadd.s32 v14, v13;
	(v2sf) =	vpush v14, $0xF;
	_ =	sdelay $0x3  }
0x122: {  	s21 =	sadd.s32 $0xFFFFFFF0, s24  }
0x123: {  	v14 =	vor.u32 s21, v0;
	[tilespmem:v13+s19+$0x0] =	vst.idx.msk vm0, v12  }
0x124: {  	[tilespmem:v13+s20+$0x0] =	vst.idx.msk vm0, v14  }
0x125: {  	v12 =	vld [tilespmem:s0+$0x0];
	_ =	sdelay $0x4  }
0x126: {  	vm0 =	vgt.s32 v12, $0xFFFFFFFF  }
0x127: {  	v13 =	vsel vm0, $0x1, v11  }
0x128: {  	(xrf0) =	vadd.scan.msk.s32 $0xffff, v13  }
0x129: {  	s21 =	spop (v2sf)  }
0x12a: {  	s26 =	sadd.s32 s3, s21  }
0x12b: {  	v13 =	vmov s26  }
0x12c: {  	v13 =	vadd.s32 $0xFFFFFFFF, v13  }
0x12d: {  	v13 =	vbroadcast v13, $0x0  }
0x12e: {  	v14, _, _ =	vpop (xrf0)  }
0x12f: {  	v13 =	vadd.s32 v14, v13;
	(v2sf) =	vpush v14, $0xF;
	_ =	sdelay $0x4  }
0x130: {  	v14 =	vor.u32 s24, v0;
	[tilespmem:v13+s19+$0x0] =	vst.idx.msk vm0, v12  }
0x131: {  	s0 =	sadd.s32 $0x20, s0;
	[tilespmem:v13+s20+$0x0] =	vst.idx.msk vm0, v14  }
0x132: {  	v12 =	vld [tilespmem:s0+$0xFFFFFFF0];
	_ =	sdelay $0x3  }
.Ltmp7:
0x133: {  	(pc) =	sbr.rel @p0 .LBB2_12-.Ltmp7, $4  }
0x134: {  	vm0 =	vgt.s32 v12, $0xFFFFFFFF  }
0x135: {  	v13 =	vsel vm0, $0x1, v11  }
0x136: {  	(xrf0) =	vadd.scan.msk.s32 $0xffff, v13  }
0x137: {  	s28 =	spop (v2sf)  }
0x138: {  	s3 =	sadd.s32 s26, s28  }
0x139: {  	v13 =	vmov s3  }
0x13a: {  	v13 =	vadd.s32 $0xFFFFFFFF, v13  }
0x13b: {  	v13 =	vbroadcast v13, $0x0  }
0x13c: {  	v14, _, _ =	vpop (xrf0)  }
0x13d: {  	v13 =	vadd.s32 v14, v13;
	_ =	sdelay $0x2  }
0x13e: {  	s21 =	sadd.s32 $0x20, s24  }
0x13f: {  	s24 =	sadd.s32 $0xFFFFFFF0, s21  }
0x140: {  	v60 =	vor.u32 s24, v0;
	[tilespmem:v13+s19+$0x0] =	vst.idx.msk vm0, v12  }
0x141: {  	[tilespmem:v13+s20+$0x0] =	vst.idx.msk vm0, v60  }
0x142: {  	v12 =	vld [tilespmem:s0+$0x0];
	_ =	sdelay $0x4  }
0x143: {  	vm15 =	vgt.s32 v12, $0xFFFFFFFF  }
0x144: {  	v61 =	vsel vm15, $0x1, v11  }
0x145: {  	(xrf0) =	vadd.scan.msk.s32 $0xffff, v61;
	_ =	sdelay $0x5  }
0x146: {  	(v2sf) =	vpush v14, $0xF;
	v13, _, _ =	vpop (xrf0)  }
0x147: {  	(v2sf) =	vpush v13, $0xF;
	_ =	sdelay $0xd  }
0x148: {  	s26 =	spop (v2sf)  }
0x149: {  	s0 =	sadd.s32 s3, s26;
	s28 =	spop (v2sf)  }
0x14a: {  	v62 =	vmov s0;
	s0 =	sadd.s32 s0, s28  }
0x14b: {  	s0 =	sadd.s32 $0x7F, s0  }
0x14c: {  	v14 =	vadd.s32 $0xFFFFFFFF, v62;
	s29 =	sand.u32 $0x7F, s0  }
0x14d: {  	v14 =	vbroadcast v14, $0x0;
	s30 =	sshra.s32 s0, $0x1F;
	p0 =	slt.s32 s0, $0x1;
	p1 =	sne.s32 s29, $0x0  }
0x14e: {  	s31 =	sshrl.u32 s30, $0x19;
	p0 =	por !p0, !p1  }
0x14f: {  	s3 =	simm.s32 $0x1;
	v13 =	vadd.s32 v13, v14;
	s0 =	sadd.s32 s31, s0;
	p0 =	por !p0, !p0  }
0x150: {  	s0 =	sshra.s32 s0, $0x7;
	s3 =	simm.s32 @!p0 $0x0  }
0x151: {  	s24 =	ssub.s32 s0, s3  }
0x152: {  	p0 =	slt.s32 s24, $0x1  }
.Ltmp8:
0x153: {  	_ = 	snop;
	(pc) =	sbr.rel @p0 .LBB2_19-.Ltmp8, $4  }
0x154: {  	v63 =	vor.u32 s21, v0;
	[tilespmem:v13+s19+$0x0] =	vst.idx.msk vm15, v12  }
0x155: {  	[tilespmem:v13+s20+$0x0] =	vst.idx.msk vm15, v63  }
0x156: {  	_ =	strace $0x90000049  }
0x157: {  	[hbm4b:s8+s4] =	stream.linear.scatter [tilespmem:s17], [sflag:$0x1], $0x2000, $0x38;
	[tilespmem:$0x1C480] =	vst v63  }
0x158: {  	s0 =	simm.s32 $0x80;
	p0 =	seq.s32 s24, $0x1;
	s25 =	simm.s32 $0xA080  }
0x159: {  	[tilespmem:s22], [sflag:$0x3] =	stream.indirect.gather [hbm4b:s1+s0], $0x80, s19, s0, $0xb8;
	[tilespmem:$0x1C480] =	vst v63  }
0x15a: {  	s0 =	simm.s32 @!p0 $0x80;
	s3 =	simm.s32 @!p0 $0x8080;
	s21 =	simm.s32 @!p0 $0x10480  }
0x15b: {  	[tilespmem:s21], [sflag:$0x4] =	stream.indirect.gather @!p0 [hbm4b:s1+s0], $0x80, s3, s0, $0xb8;
	[tilespmem:$0x1C480] =	vst v63  }
0x15c: {  	s26 =	simm.s32 $0x8100;
	s0 =	simm.s32 $0x0;
	_ =	strace $0x8000004A  }
.LBB2_15:
0x15d: {  	s3 =	sand.u32 $0x3, s0  }
0x15e: {  	p0 =	sgt.s32 s3, $0x1  }
0x15f: {  	p1 =	seq.s32 @p0 s3, $0x2  }
0x160: {  	p2 =	por !p1, !p0  }
0x161: {  	p3 =	slt.u32 @!p2 s0, $0x2;
	s21 =	simm.s32 @!p2 $0x5  }
0x162: {  	_ =	swait.ge @!p2 [sflag:s21], $0x4000;
	p3 =	por @p0 p3, !p1  }
0x163: {  	s28 =	sadd.s32 @!p2 $0x2, s0;
	[sflag:s21] =	ssyncset.done @!p2 $0x0;
	p3 =	por p3, !p0  }
0x164: {  	p4 =	sge.s32 @!p2 s28, s24;
	[sflag:s21] =	ssyncadd.s32 @!p2 $0xFFFFC000;
	s21 =	simm.s32 @!p3 $0x7  }
0x165: {  	p4 =	por @p0 p4, !p1;
	_ =	swait.ge @!p3 [sflag:s21], $0x4000  }
0x166: {  	p4 =	por p4, !p0;
	[sflag:s21] =	ssyncset.done @!p3 $0x0  }
0x167: {  	s28 =	simm.s32 @!p4 $0xC480;
	[sflag:s21] =	ssyncadd.s32 @!p3 $0xFFFFC000;
	s21 =	simm.s32 @!p4 $0x80  }
0x168: {  	[tilespmem:s28], [sflag:$0x3] =	stream.indirect.gather @!p4 [hbm4b:s1+s21], $0x80, s26, s21, $0x2000b8;
	[tilespmem:$0x1C480] =	vst v63  }
0x169: {  	s21 =	simm.s32 @!p2 $0x80;
	s28 =	simm.s32 @!p2 $0x14480  }
0x16a: {  	[hbm4b:s7+s21] =	stream.indirect.scatter @!p2 [tilespmem:s28], [sflag:$0x9], $0x80, s25, s21, $0x2000b8;
	[tilespmem:$0x1C480] =	vst v63  }
0x16b: {  	p2 =	por p1, !p0  }
0x16c: {  	p3 =	slt.u32 @!p2 s0, $0x2;
	s21 =	simm.s32 @!p2 $0x6  }
0x16d: {  	_ =	swait.ge @!p2 [sflag:s21], $0x4000;
	p3 =	por @p0 p3, p1  }
0x16e: {  	s28 =	sadd.s32 @!p2 $0x2, s0;
	[sflag:s21] =	ssyncset.done @!p2 $0x0;
	p3 =	por p3, !p0  }
0x16f: {  	p4 =	sge.s32 @!p2 s28, s24;
	[sflag:s21] =	ssyncadd.s32 @!p2 $0xFFFFC000;
	s21 =	simm.s32 @!p3 $0x8  }
0x170: {  	p1 =	por @p0 p4, p1;
	_ =	swait.ge @!p3 [sflag:s21], $0x4000  }
0x171: {  	p1 =	por p1, !p0;
	[sflag:s21] =	ssyncset.done @!p3 $0x0  }
0x172: {  	s28 =	simm.s32 @!p1 $0x10480;
	[sflag:s21] =	ssyncadd.s32 @!p3 $0xFFFFC000;
	s21 =	simm.s32 @!p1 $0x80  }
0x173: {  	[tilespmem:s28], [sflag:$0x4] =	stream.indirect.gather @!p1 [hbm4b:s1+s21], $0x80, s26, s21, $0x2000b8;
	[tilespmem:$0x1C480] =	vst v63  }
0x174: {  	s21 =	simm.s32 @!p2 $0x80;
	s28 =	simm.s32 @!p2 $0x18480;
	p1 =	seq.s32 @!p0 s3, $0x0  }
0x175: {  	[hbm4b:s7+s21] =	stream.indirect.scatter @!p2 [tilespmem:s28], [sflag:$0xA], $0x80, s25, s21, $0x2000b8;
	[tilespmem:$0x1C480] =	vst v63  }
0x176: {  	p2 =	por !p1, p0  }
0x177: {  	p3 =	slt.u32 @!p2 s0, $0x2;
	s3 =	simm.s32 @!p2 $0x3  }
0x178: {  	_ =	swait.ge @!p2 [sflag:s3], $0x4000;
	p3 =	por @!p0 p3, !p1  }
0x179: {  	s21 =	sadd.s32 @!p2 $0x2, s0;
	[sflag:s3] =	ssyncset.done @!p2 $0x0;
	p3 =	por p3, p0  }
0x17a: {  	p4 =	sge.s32 @!p2 s21, s24;
	[sflag:s3] =	ssyncadd.s32 @!p2 $0xFFFFC000;
	s3 =	simm.s32 @!p3 $0x9  }
0x17b: {  	p4 =	por @!p0 p4, !p1;
	_ =	swait.ge @!p3 [sflag:s3], $0x4000  }
0x17c: {  	p4 =	por p4, p0;
	[sflag:s3] =	ssyncset.done @!p3 $0x0  }
0x17d: {  	s21 =	simm.s32 @!p4 $0x14480;
	[sflag:s3] =	ssyncadd.s32 @!p3 $0xFFFFC000;
	s3 =	simm.s32 @!p4 $0x80  }
0x17e: {  	[tilespmem:s21], [sflag:$0x5] =	stream.indirect.gather @!p4 [hbm4b:s1+s3], $0x80, s26, s3, $0x2000b8;
	[tilespmem:$0x1C480] =	vst v63  }
0x17f: {  	s3 =	simm.s32 @!p2 $0x80;
	s21 =	simm.s32 @!p2 $0xC480  }
0x180: {  	[hbm4b:s7+s3] =	stream.indirect.scatter @!p2 [tilespmem:s21], [sflag:$0x7], $0x80, s25, s3, $0x2000b8;
	[tilespmem:$0x1C480] =	vst v63  }
0x181: {  	p2 =	por p1, p0  }
0x182: {  	p3 =	slt.u32 @!p2 s0, $0x2;
	s3 =	simm.s32 @!p2 $0x4  }
0x183: {  	_ =	swait.ge @!p2 [sflag:s3], $0x4000;
	p3 =	por @!p0 p3, p1  }
0x184: {  	s21 =	sadd.s32 @!p2 $0x2, s0;
	[sflag:s3] =	ssyncset.done @!p2 $0x0;
	p3 =	por p3, p0  }
0x185: {  	p4 =	sge.s32 @!p2 s21, s24;
	[sflag:s3] =	ssyncadd.s32 @!p2 $0xFFFFC000;
	s3 =	simm.s32 @!p3 $0xA  }
0x186: {  	p1 =	por @!p0 p4, p1;
	_ =	swait.ge @!p3 [sflag:s3], $0x4000  }
0x187: {  	s0 =	sadd.s32 $0x1, s0;
	p0 =	por p1, p0;
	[sflag:s3] =	ssyncset.done @!p3 $0x0  }
0x188: {  	s21 =	simm.s32 @!p0 $0x18480;
	[sflag:s3] =	ssyncadd.s32 @!p3 $0xFFFFC000;
	s3 =	simm.s32 @!p0 $0x80  }
0x189: {  	[tilespmem:s21], [sflag:$0x6] =	stream.indirect.gather @!p0 [hbm4b:s1+s3], $0x80, s26, s3, $0x2000b8;
	[tilespmem:$0x1C480] =	vst v63  }
0x18a: {  	p0 =	sne.s32 s24, s0  }
.Ltmp9:
0x18b: {  	_ = 	snop;
	(pc) =	sbr.rel @p0 .LBB2_15-.Ltmp9, $4  }
0x18c: {  	_ = 	snop  }
0x18d: {  	s3 =	simm.s32 @!p2 $0x80;
	s21 =	simm.s32 @!p2 $0x10480  }
0x18e: {  	[hbm4b:s7+s3] =	stream.indirect.scatter @!p2 [tilespmem:s21], [sflag:$0x8], $0x80, s25, s3, $0x2000b8;
	[tilespmem:$0x1C480] =	vst v63  }
0x18f: {  	s26 =	sadd.s32 $0x80, s26;
	s25 =	sadd.s32 $0x80, s25  }
0x190: {  	s0 =	sadd.s32 $0xFFFFFFFE, s24  }
0x191: {  	s3 =	sshrl.u32 s0, $0x1E  }
0x192: {  	s3 =	sadd.s32 s3, s0  }
0x193: {  	s21 =	sadd.s32 $0xFFFFFFFF, s24;
	s3 =	sand.u32 $0xFFFFFFFC, s3  }
0x194: {  	s31 =	sshrl.u32 s21, $0x1E;
	s0 =	ssub.s32 s0, s3  }
0x195: {  	s3 =	sadd.s32 s31, s21;
	p0 =	sne.s32 s0, $0x0  }
0x196: {  	_ =	strace $0x9000004A;
	s3 =	sand.u32 $0xFFFFFFFC, s3;
	s25 =	simm.s32 @!p0 $0x7  }
0x197: {  	s3 =	ssub.s32 s21, s3;
	_ =	swait.ge @!p0 [sflag:s25], $0x4000  }
0x198: {  	s0 =	simm.s32 @!p0 $0x0;
	p1 =	sne.s32 s3, $0x0;
	[sflag:s25] =	ssyncset.done @!p0 $0x0  }
0x199: {  	s21 =	simm.s32 @!p1 $0x7;
	[sflag:s25] =	ssyncadd.s32 @!p0 $0xFFFFC000;
	p0 =	sne.s32 s0, $0x1  }
0x19a: {  	_ =	swait.ge @!p1 [sflag:s21], $0x4000;
	p2 =	seq.s32 @!p0 s24, $0x1  }
0x19b: {  	s25 =	smov.u32 s0;
	[sflag:s21] =	ssyncset.done @!p1 $0x0;
	p3 =	por p2, p0  }
0x19c: {  	p2 =	por !p2, p0;
	[sflag:s21] =	ssyncadd.s32 @!p1 $0xFFFFC000;
	s21 =	simm.s32 @!p3 $0x8  }
0x19d: {  	s3 =	simm.s32 @!p1 $0x0;
	s25 =	simm.s32 @p2 $0x1;
	_ =	swait.ge @!p3 [sflag:s21], $0x4000  }
0x19e: {  	s25 =	smov.u32 @p0 s0;
	p0 =	sne.s32 s3, $0x1;
	[sflag:s21] =	ssyncset.done @!p3 $0x0  }
0x19f: {  	s0 =	simm.s32 @!p0 $0x8;
	p1 =	sne.s32 s25, $0x2;
	[sflag:s21] =	ssyncadd.s32 @!p3 $0xFFFFC000  }
0x1a0: {  	p2 =	seq.s32 @!p1 s24, $0x1;
	_ =	swait.ge @!p0 [sflag:s0], $0x4000  }
0x1a1: {  	s21 =	smov.u32 s25;
	p3 =	por p2, p1;
	[sflag:s0] =	ssyncset.done @!p0 $0x0  }
0x1a2: {  	p2 =	por !p2, p1;
	[sflag:s0] =	ssyncadd.s32 @!p0 $0xFFFFC000;
	s0 =	simm.s32 @!p3 $0x9  }
0x1a3: {  	s3 =	simm.s32 @!p0 $0x1;
	s21 =	simm.s32 @p2 $0x2;
	_ =	swait.ge @!p3 [sflag:s0], $0x4000  }
0x1a4: {  	s21 =	smov.u32 @p1 s25;
	p0 =	sne.s32 s3, $0x2;
	[sflag:s0] =	ssyncset.done @!p3 $0x0  }
0x1a5: {  	p1 =	sne.s32 s21, $0x3;
	[sflag:s0] =	ssyncadd.s32 @!p3 $0xFFFFC000;
	s0 =	simm.s32 @!p0 $0x9  }
0x1a6: {  	p2 =	seq.s32 @!p1 s24, $0x1;
	_ =	swait.ge @!p0 [sflag:s0], $0x4000  }
0x1a7: {  	p1 =	por p2, p1;
	[sflag:s0] =	ssyncset.done @!p0 $0x0  }
0x1a8: {  	[sflag:s0] =	ssyncadd.s32 @!p0 $0xFFFFC000;
	s0 =	simm.s32 @!p1 $0xA  }
0x1a9: {  	s3 =	simm.s32 @!p0 $0x2;
	_ =	swait.ge @!p1 [sflag:s0], $0x4000  }
.Ltmp10:
0x1aa: {  	p0 =	sne.s32 s3, $0x3;
	[sflag:s0] =	ssyncset.done @!p1 $0x0;
	(pc) =	sbr.rel .LBB2_17-.Ltmp10, $4  }
0x1ab: {  	[sflag:s0] =	ssyncadd.s32 @!p1 $0xFFFFC000;
	s0 =	simm.s32 @!p0 $0xA  }
0x1ac: {  	_ =	swait.ge @!p0 [sflag:s0], $0x4000  }
0x1ad: {  	[sflag:s0] =	ssyncset.done @!p0 $0x0  }
0x1ae: {  	[sflag:s0] =	ssyncadd.s32 @!p0 $0xFFFFC000  }
.LBB2_18:
0x1af: {  	_ =	sfence.sel $0x180000  }
0x1b0: {  	[bflag:$0x0] =	sbarrier.arrive $0xFFFF  }
0x1b1: {  	_ =	strace $0x90000047  }
0x1b2: {  	s0 =	stileid.u32;
	[bflag:$0x2] =	sbarrier.arrive $0xFFFF  }
0x1b3: {  	p0 =	sne.s32 s0, $0x0;
	s0 =	rddreg [dreg:$0x3]  }
0x1b4: {  	s0 =	sadd.s32 @!p0 $0x100000, s0  }
0x1b5: {  	[sflag:s0] =	ssyncadd.tile.s32 @!p0 $0x1;
	_ =	shalt  }
.Lfunc_end2:
_tile_overlayer_lowered:
.L_overlay_start_2:
0x1b6: {  	(tag) =	ssettag $0x2  }
0x1b7: {  	s0 =	rddreg [dreg:$0x0];
	s2 =	stileid.u32  }
0x1b8: {  	s1 =	rddreg [dreg:$0x1];
	p0 =	sne.s32 s2, $0x0  }
0x1b9: {  	s3 =	rddreg [dreg:$0x2];
	[bflag:$0x3] =	sbarrier.arrive $0xFFFF;
	s2 =	simm.s32 @!p0 $0x1C0B  }
0x1ba: {  	[timem:s3], [sflag:s2] =	dma.local @!p0 [hbm:s0], s1  }
0x1bb: {  	s0 =	simm.s32 @!p0 $0xB  }
0x1bc: {  	_ =	swait.ge @!p0 [sflag:s0], s1  }
0x1bd: {  	s1 =	ssub.s32 @!p0 $0x0, s1;
	[sflag:s0] =	ssyncset.done @!p0 $0x0  }
0x1be: {  	[sflag:s0] =	ssyncadd.s32 @!p0 s1  }
0x1bf: {  	[bflag:$0x3] =	sbarrier.arrive $0xFFFF  }
0x1c0: {  	_ =	shalt  }

</sc_bundles>
